<compile_context>
chip_gen: v7x
topology: tpu7x:2x2x1
jax: 0.10.2.dev20260603
libtpu: 0.0.44.dev20260713+nightly
codegen_flags: <defaults>
</compile_context>

<pallas_src>
import functools

import jax
import jax.numpy as jnp
from jax import lax
from jax.experimental import pallas as pl
from jax.experimental.pallas import tpu as pltpu
from jax.experimental.pallas import tpu_sc as plsc



_TRANSPOSE_VC = 768


def _make_sc_transpose(V, R):
    info = plsc.get_sparse_core_info()
    NC = info.num_cores
    NW = NC * info.num_subcores
    VC = _TRANSPOSE_VC
    n_full = V // VC
    tail = V - n_full * VC
    n_iters = (n_full + NW - 1) // NW
    OB = VC * R // 128
    mesh = plsc.VectorSubcoreMesh(core_axis_name="c", subcore_axis_name="s")

    TR = tail * R // 128

    @functools.partial(
        pl.kernel,
        mesh=mesh,
        compiler_params=pltpu.CompilerParams(needs_layout_passes=False),
        out_type=jax.ShapeDtypeStruct((V * R // 128, 128), jnp.float32),
        scratch_types=[
            pltpu.VMEM((R, VC), jnp.float32),
            pltpu.VMEM((R, VC), jnp.float32),
            pltpu.VMEM((OB, 128), jnp.float32),
            pltpu.VMEM((OB, 128), jnp.float32),
            pltpu.VMEM((TR, 128), jnp.float32),
            pltpu.SemaphoreType.DMA,
            pltpu.SemaphoreType.DMA,
            pltpu.SemaphoreType.DMA,
            pltpu.SemaphoreType.DMA,
        ],
    )
    def k(tableT_hbm, tailp_hbm, out_hbm,
          in0, in1, o0, o1, buf_tail, si0, si1, so0, so1):
        wid = lax.axis_index("s") * NC + lax.axis_index("c")
        buf_in = (in0, in1)
        buf_out = (o0, o1)
        in_sem = (si0, si1)
        out_sem = (so0, so1)

        def issue_in(it, p):
            c = it * NW + wid

            @pl.when(c < n_full)
            def _():
                v0 = pl.multiple_of(c * VC, VC)
                pltpu.async_copy(
                    tableT_hbm.at[:, pl.ds(v0, VC)], buf_in[p], in_sem[p]
                )

        def transpose_chunk(p):
            lanes = lax.iota(jnp.int32, 16)
            lane_col = (lanes & 3) << 5
            row_off = lanes >> 2

            def d_body(d, _):
                t = (lanes + d) & 15
                fi = [t + 16 * fh for fh in range(R // 16)]
                ci = [lane_col + t + 16 * fh for fh in range(R // 16)]
                for vg in range(VC // 16):
                    idx_v = lanes + (vg << 4)
                    rows = row_off + (vg << 2)
                    for fh in range(R // 16):
                        x = plsc.load_gather(buf_in[p], [fi[fh], idx_v])
                        plsc.store_scatter(buf_out[p], [rows, ci[fh]], x)
                return ()

            lax.fori_loop(0, 16, d_body, ())

        def do_chunk(it, p):
            c = it * NW + wid

            @pl.when(c < n_full)
            def _():
                pltpu.make_async_copy(
                    tableT_hbm.at[:, pl.ds(0, VC)], buf_in[p], in_sem[p]
                ).wait()

                @pl.when(it >= 2)
                def _():
                    pltpu.make_async_copy(
                        buf_out[p], out_hbm.at[pl.ds(0, OB)], out_sem[p]
                    ).wait()

                transpose_chunk(p)
                off = pl.multiple_of(c * OB, 16)
                pltpu.async_copy(
                    buf_out[p], out_hbm.at[pl.ds(off, OB)], out_sem[p]
                )
            issue_in(it + 2, p)

        issue_in(0, 0)
        issue_in(1, 1)

        def pair_body(step, _):
            for p in range(2):
                do_chunk(2 * step + p, p)
            return ()

        lax.fori_loop(0, (n_iters + 1) // 2, pair_body, ())

        for p in range(2):
            pltpu.make_async_copy(
                buf_out[p], out_hbm.at[pl.ds(0, OB)], out_sem[p]
            ).wait()

        if tail:
            @pl.when(wid == NW - 1)
            def _():
                pltpu.sync_copy(tailp_hbm, buf_tail)
                pltpu.sync_copy(
                    buf_tail, out_hbm.at[pl.ds(n_full * VC * R // 128, TR)]
                )

    return k



def _make_sc_gather(V, R, N):
    info = plsc.get_sparse_core_info()
    NC, NS = info.num_cores, info.num_subcores
    NW = NC * NS
    assert N % NW == 0
    per_w = N // NW
    chunk = 3200
    assert per_w % chunk == 0
    n_chunks = per_w // chunk
    mesh = plsc.VectorSubcoreMesh(core_axis_name="c", subcore_axis_name="s")

    @functools.partial(
        pl.kernel,
        mesh=mesh,
        compiler_params=pltpu.CompilerParams(use_tc_tiling_on_sc=False),
        out_type=jax.ShapeDtypeStruct((N, R), jnp.float32),
        scratch_types=[
            pltpu.VMEM((chunk,), jnp.int32),
            pltpu.VMEM((chunk, R), jnp.float32),
            pltpu.SemaphoreType.DMA,
        ],
    )
    def k(table_hbm, idx_hbm, out_hbm, idx_v, rows_v, sem):
        wid = lax.axis_index("s") * NC + lax.axis_index("c")
        base = wid * per_w

        def body(c, _):
            off = base + c * chunk
            pltpu.sync_copy(idx_hbm.at[pl.ds(off, chunk)], idx_v)
            pltpu.async_copy(table_hbm.at[idx_v], rows_v, sem).wait()
            pltpu.sync_copy(rows_v, out_hbm.at[pl.ds(off, chunk)])
            return ()

        lax.fori_loop(0, n_chunks, body, ())

    return k



def _mm_body(x_ref, w_ref, g_ref, o_ref):
    z = jax.nn.sigmoid(g_ref[...])
    w = w_ref[...] * z.reshape(-1, 1)
    x = x_ref[...]
    R = w.shape[0]
    xs = jnp.concatenate([x[:, g * R:(g + 1) * R] for g in range(4)], axis=0)
    y = jnp.dot(xs, w, preferred_element_type=jnp.float32)
    o_ref[...] = y.reshape(4, x.shape[0], w.shape[1])


def _gated_matmul(mid_packed, right, gate_logits, block_rows=1024):
    NP, RP = mid_packed.shape
    R, H = right.shape
    grid = NP // block_rows
    out = pl.pallas_call(
        _mm_body,
        grid=(grid,),
        in_specs=[
            pl.BlockSpec((block_rows, RP), lambda i: (i, 0)),
            pl.BlockSpec((R, H), lambda i: (0, 0)),
            pl.BlockSpec((1, R), lambda i: (0, 0)),
        ],
        out_specs=pl.BlockSpec((4, block_rows, H), lambda i: (0, i, 0)),
        out_shape=jax.ShapeDtypeStruct((4, NP, H), jnp.float32),
    )(mid_packed, right, gate_logits.reshape(1, R))
    return out.reshape(4 * NP, H)


def kernel(input_ids, left, right, gate_logits):
    B, L = input_ids.shape
    V, R = left.shape
    H = right.shape[1]
    N = B * L
    ids_t = input_ids.T.reshape(N)
    ids_perm = ids_t.reshape(4, N // 4).T.reshape(N)
    n_full = V // _TRANSPOSE_VC
    tail_packed = left[n_full * _TRANSPOSE_VC:, :].reshape(-1, 128)
    packT = _make_sc_transpose(V, R)(left.T, tail_packed)
    left_rm = packT.reshape(V, R)
    mid = _make_sc_gather(V, R, N)(left_rm, ids_perm)
    mid_packed = mid.reshape(N // 4, 4 * R)
    y = _gated_matmul(mid_packed, right, gate_logits)
    return y.reshape(L, B, H).transpose(1, 0, 2)

# --- scband reference (transcript-rebuilt; emitter-appended) ---
"""Pipeline reference for scband-size-gated-embedding-adapter-41394894799388 (READ-ONLY COPY).

The authoritative reference and input builder live on the scoring server;
editing this copy changes nothing except your own understanding.
"""

import jax, jax.numpy as jnp
import numpy as np

V = 1000000
H = 128
R = 32
B = 4096
L = 50
GATE_INIT = 0.0


def setup_inputs(seed: int = 0) -> dict:
    key = jax.random.key(seed)
    k1, k2, k3 = jax.random.split(key, 3)
    input_ids = jax.random.randint(k1, (B, L), 0, V)
    # left: nn.Parameter(torch.randn(V, R) * (1/sqrt(R)))
    left = jax.random.normal(k2, (V, R), dtype=jnp.float32) * (1.0 / np.sqrt(max(1, R)))
    # right initialized to zeros in the torch module; use small randn here so the
    # computation is non-degenerate (params are treated as inputs to the reference).
    right = jax.random.normal(k3, (R, H), dtype=jnp.float32) * 0.02
    gate_logits = jnp.full((R,), GATE_INIT, dtype=jnp.float32)
    return {"input_ids": input_ids, "left": left, "right": right, "gate_logits": gate_logits}


def reference(input_ids, left, right, gate_logits):
    # lookup(input_ids, dtype=float32):
    # z = sigmoid(gate_logits); mid = embedding(input_ids, left) * z; return mid @ right
    z = jax.nn.sigmoid(gate_logits)
    mid = jnp.take(left, input_ids, axis=0) * z  # [B, L, R]
    return mid @ right  # [B, L, H]

if __name__ == "__main__":
    import jax
    _d = setup_inputs()
    print(jax.jit(kernel)(*tuple(_d.values())))

</pallas_src>

<mosaic_0001>
#map = affine_map<(d0, d1) -> (0, 0)>
#map1 = affine_map<(d0, d1) -> (0)>
module attributes {stable_mosaic.version = 14 : i64} {
  func.func @k(%arg0: i32, %arg1: i32, %arg2: memref<1000000x32xf32, #tpu.memory_space<hbm>>, %arg3: memref<204800xi32, #tpu.memory_space<hbm>>, %arg4: memref<204800x32xf32, #tpu.memory_space<hbm>>, %arg5: memref<3200xi32, #tpu.memory_space<vmem>>, %arg6: memref<3200x32xf32, #tpu.memory_space<vmem>>, %arg7: memref<!tpu.dma_semaphore, #tpu.memory_space<semaphore_mem>>) attributes {dimension_semantics = [#tpu.dimension_semantics<core_parallel>, #tpu.dimension_semantics<subcore_parallel>], iteration_bounds = array<i64: 2, 16>, scalar_prefetch = 0 : i64, scratch_operands = 3 : i64, tpu.core_type = #tpu.core_type<sc_vector_subcore>, window_params = [{transform_indices = #map}, {transform_indices = #map1}, {transform_indices = #map}]} {
    %mul3A = arith.constant 2 : i32
    %mul3A_0 = arith.muli %arg1, %mul3A : i32
    %add3A = arith.addi %mul3A_0, %arg0 : i32
    %mul3A_1 = arith.constant 6400 : i32
    %mul3A_2 = arith.muli %add3A, %mul3A_1 : i32
    %scan3A = arith.constant 0 : i32
    %scan3A_3 = arith.constant 2 : i32
    %scan3A_4 = arith.addi %scan3A, %scan3A_3 : i32
    %scan3A_5 = arith.constant 1 : i32
    scf.for %scan3A_7 = %scan3A to %scan3A_4 step %scan3A_5  : i32 {
      %mul3A_8 = arith.constant 3200 : i32
      %mul3A_9 = arith.muli %scan3A_7, %mul3A_8 : i32
      %add3A_10 = arith.addi %mul3A_2, %mul3A_9 : i32
      "tpu.region"() ({
        %run_scoped3A = tpu.sem_alloc : memref<!tpu.dma_semaphore, #tpu.memory_space<semaphore_mem>>
        %dma_start3A_15 = tpu.memref_slice %arg3[%add3A_10] : memref<204800xi32, #tpu.memory_space<hbm>> -> memref<3200xi32, #tpu.memory_space<hbm>>
        %dma_start3A_16 = tpu.memref_slice %arg3[%add3A_10] : memref<204800xi32, #tpu.memory_space<hbm>> -> memref<3200xi32, #tpu.memory_space<hbm>>
        tpu.enqueue_dma source(%dma_start3A_16 : memref<3200xi32, #tpu.memory_space<hbm>>) target(%arg5 : memref<3200xi32, #tpu.memory_space<vmem>>) target_semaphore(%run_scoped3A : memref<!tpu.dma_semaphore, #tpu.memory_space<semaphore_mem>>)
        %dma_wait3A_17 = tpu.memref_slice %arg3[%add3A_10] : memref<204800xi32, #tpu.memory_space<hbm>> -> memref<3200xi32, #tpu.memory_space<hbm>>
        %dma_wait3A_18 = tpu.memref_slice %arg3[%add3A_10] : memref<204800xi32, #tpu.memory_space<hbm>> -> memref<3200xi32, #tpu.memory_space<hbm>>
        tpu.wait_dma2 semaphore(%run_scoped3A : memref<!tpu.dma_semaphore, #tpu.memory_space<semaphore_mem>>) src(%dma_wait3A_18 : memref<3200xi32, #tpu.memory_space<hbm>>) dst(%arg5 : memref<3200xi32, #tpu.memory_space<vmem>>)
        tpu.yield
      }) : () -> ()
      %dma_start3A = arith.constant 0 : i32
      %dma_start3A_11 = arith.constant 0 : i32
      %dma_start3A_12 = tpu.memref_slice %arg2[%dma_start3A, %dma_start3A_11] : memref<1000000x32xf32, #tpu.memory_space<hbm>> -> memref<1000000x32xf32, #tpu.memory_space<hbm>>
      tpu.enqueue_indirect_dma source(%dma_start3A_12 : memref<1000000x32xf32, #tpu.memory_space<hbm>>) target(%arg6 : memref<3200x32xf32, #tpu.memory_space<vmem>>) offsets(%arg5 : memref<3200xi32, #tpu.memory_space<vmem>>) semaphore(%arg7 : memref<!tpu.dma_semaphore, #tpu.memory_space<semaphore_mem>>)
      %dma_wait3A = arith.constant 0 : i32
      %dma_wait3A_13 = arith.constant 0 : i32
      %dma_wait3A_14 = tpu.memref_slice %arg2[%dma_wait3A, %dma_wait3A_13] : memref<1000000x32xf32, #tpu.memory_space<hbm>> -> memref<1000000x32xf32, #tpu.memory_space<hbm>>
      tpu.wait_indirect_dma semaphore(%arg7 : memref<!tpu.dma_semaphore, #tpu.memory_space<semaphore_mem>>) src(%dma_wait3A_14 : memref<1000000x32xf32, #tpu.memory_space<hbm>>) dst(%arg6 : memref<3200x32xf32, #tpu.memory_space<vmem>>)
      "tpu.region"() ({
        %run_scoped3A = tpu.sem_alloc : memref<!tpu.dma_semaphore, #tpu.memory_space<semaphore_mem>>
        %dma_start3A_15 = arith.constant 0 : i32
        %dma_start3A_16 = tpu.memref_slice %arg4[%add3A_10, %dma_start3A_15] : memref<204800x32xf32, #tpu.memory_space<hbm>> -> memref<3200x32xf32, #tpu.memory_space<hbm>>
        %dma_start3A_17 = arith.constant 0 : i32
        %dma_start3A_18 = tpu.memref_slice %arg4[%add3A_10, %dma_start3A_17] : memref<204800x32xf32, #tpu.memory_space<hbm>> -> memref<3200x32xf32, #tpu.memory_space<hbm>>
        tpu.enqueue_dma source(%arg6 : memref<3200x32xf32, #tpu.memory_space<vmem>>) target(%dma_start3A_18 : memref<3200x32xf32, #tpu.memory_space<hbm>>) target_semaphore(%run_scoped3A : memref<!tpu.dma_semaphore, #tpu.memory_space<semaphore_mem>>)
        %dma_wait3A_19 = arith.constant 0 : i32
        %dma_wait3A_20 = tpu.memref_slice %arg4[%add3A_10, %dma_wait3A_19] : memref<204800x32xf32, #tpu.memory_space<hbm>> -> memref<3200x32xf32, #tpu.memory_space<hbm>>
        %dma_wait3A_21 = arith.constant 0 : i32
        %dma_wait3A_22 = tpu.memref_slice %arg4[%add3A_10, %dma_wait3A_21] : memref<204800x32xf32, #tpu.memory_space<hbm>> -> memref<3200x32xf32, #tpu.memory_space<hbm>>
        tpu.wait_dma2 semaphore(%run_scoped3A : memref<!tpu.dma_semaphore, #tpu.memory_space<semaphore_mem>>) src(%arg6 : memref<3200x32xf32, #tpu.memory_space<vmem>>) dst(%dma_wait3A_22 : memref<3200x32xf32, #tpu.memory_space<hbm>>)
        tpu.yield
      }) : () -> ()
    }
    %scan3A_6 = arith.constant 2 : i32
    return
  }
}

#map = affine_map<(d0, d1) -> (0, 0)>
module attributes {stable_mosaic.version = 14 : i64} {
  func.func @k(%arg0: i32, %arg1: i32, %arg2: memref<32x1000000xf32, #tpu.memory_space<hbm>>, %arg3: memref<16x128xf32, #tpu.memory_space<hbm>>, %arg4: memref<250000x128xf32, #tpu.memory_space<hbm>>, %arg5: memref<32x768xf32, #tpu.memory_space<vmem>>, %arg6: memref<32x768xf32, #tpu.memory_space<vmem>>, %arg7: memref<192x128xf32, #tpu.memory_space<vmem>>, %arg8: memref<192x128xf32, #tpu.memory_space<vmem>>, %arg9: memref<16x128xf32, #tpu.memory_space<vmem>>, %arg10: memref<!tpu.dma_semaphore, #tpu.memory_space<semaphore_mem>>, %arg11: memref<!tpu.dma_semaphore, #tpu.memory_space<semaphore_mem>>, %arg12: memref<!tpu.dma_semaphore, #tpu.memory_space<semaphore_mem>>, %arg13: memref<!tpu.dma_semaphore, #tpu.memory_space<semaphore_mem>>) attributes {dimension_semantics = [#tpu.dimension_semantics<core_parallel>, #tpu.dimension_semantics<subcore_parallel>], iteration_bounds = array<i64: 2, 16>, scalar_prefetch = 0 : i64, scratch_operands = 9 : i64, tpu.core_type = #tpu.core_type<sc_vector_subcore>, window_params = [{transform_indices = #map}, {transform_indices = #map}, {transform_indices = #map}]} {
    %mul3A = arith.constant 2 : i32
    %mul3A_0 = arith.muli %arg1, %mul3A : i32
    %add3A = arith.addi %mul3A_0, %arg0 : i32
    %add3A_1 = arith.constant 0 : i32
    %add3A_2 = arith.addi %add3A_1, %add3A : i32
    %lt3A = arith.constant 1302 : i32
    %lt3A_3 = arith.cmpi slt, %add3A_2, %lt3A : i32
    %convert_element_type3A = arith.extui %lt3A_3 : i1 to i32
    %cond3A = arith.constant 0 : i32
    %cond3A_4 = arith.cmpi ne, %convert_element_type3A, %cond3A : i32
    scf.if %cond3A_4 {
      %mul3A_31 = arith.constant 768 : i32
      %mul3A_32 = arith.muli %add3A_2, %mul3A_31 : i32
      %multiple_of3A = tpu.assume_multiple %mul3A_32, 768 : i32
      %dma_start3A = arith.constant 0 : i32
      %dma_start3A_33 = tpu.memref_slice %arg2[%dma_start3A, %multiple_of3A] : memref<32x1000000xf32, #tpu.memory_space<hbm>> -> memref<32x768xf32, #tpu.memory_space<hbm>>
      %dma_start3A_34 = arith.constant 0 : i32
      %dma_start3A_35 = tpu.memref_slice %arg2[%dma_start3A_34, %multiple_of3A] : memref<32x1000000xf32, #tpu.memory_space<hbm>> -> memref<32x768xf32, #tpu.memory_space<hbm>>
      tpu.enqueue_dma source(%dma_start3A_35 : memref<32x768xf32, #tpu.memory_space<hbm>>) target(%arg5 : memref<32x768xf32, #tpu.memory_space<vmem>>) target_semaphore(%arg10 : memref<!tpu.dma_semaphore, #tpu.memory_space<semaphore_mem>>)
    } else {
    }
    %add3A_5 = arith.constant 32 : i32
    %add3A_6 = arith.addi %add3A_5, %add3A : i32
    %lt3A_7 = arith.constant 1302 : i32
    %lt3A_8 = arith.cmpi slt, %add3A_6, %lt3A_7 : i32
    %convert_element_type3A_9 = arith.extui %lt3A_8 : i1 to i32
    %cond3A_10 = arith.constant 0 : i32
    %cond3A_11 = arith.cmpi ne, %convert_element_type3A_9, %cond3A_10 : i32
    scf.if %cond3A_11 {
      %mul3A_31 = arith.constant 768 : i32
      %mul3A_32 = arith.muli %add3A_6, %mul3A_31 : i32
      %multiple_of3A = tpu.assume_multiple %mul3A_32, 768 : i32
      %dma_start3A = arith.constant 0 : i32
      %dma_start3A_33 = tpu.memref_slice %arg2[%dma_start3A, %multiple_of3A] : memref<32x1000000xf32, #tpu.memory_space<hbm>> -> memref<32x768xf32, #tpu.memory_space<hbm>>
      %dma_start3A_34 = arith.constant 0 : i32
      %dma_start3A_35 = tpu.memref_slice %arg2[%dma_start3A_34, %multiple_of3A] : memref<32x1000000xf32, #tpu.memory_space<hbm>> -> memref<32x768xf32, #tpu.memory_space<hbm>>
      tpu.enqueue_dma source(%dma_start3A_35 : memref<32x768xf32, #tpu.memory_space<hbm>>) target(%arg6 : memref<32x768xf32, #tpu.memory_space<vmem>>) target_semaphore(%arg11 : memref<!tpu.dma_semaphore, #tpu.memory_space<semaphore_mem>>)
    } else {
    }
    %scan3A = arith.constant 0 : i32
    %scan3A_12 = arith.constant 21 : i32
    %scan3A_13 = arith.addi %scan3A, %scan3A_12 : i32
    %scan3A_14 = arith.constant 1 : i32
    scf.for %scan3A_31 = %scan3A to %scan3A_13 step %scan3A_14  : i32 {
      %mul3A_32 = arith.constant 2 : i32
      %mul3A_33 = arith.muli %mul3A_32, %scan3A_31 : i32
      %add3A_34 = arith.constant 0 : i32
      %add3A_35 = arith.addi %mul3A_33, %add3A_34 : i32
      %mul3A_36 = arith.constant 32 : i32
      %mul3A_37 = arith.muli %add3A_35, %mul3A_36 : i32
      %add3A_38 = arith.addi %mul3A_37, %add3A : i32
      %lt3A_39 = arith.constant 1302 : i32
      %lt3A_40 = arith.cmpi slt, %add3A_38, %lt3A_39 : i32
      %convert_element_type3A_41 = arith.extui %lt3A_40 : i1 to i32
      %cond3A_42 = arith.constant 0 : i32
      %cond3A_43 = arith.cmpi ne, %convert_element_type3A_41, %cond3A_42 : i32
      scf.if %cond3A_43 {
        %dma_wait3A_76 = arith.constant 0 : i32
        %dma_wait3A_77 = arith.constant 0 : i32
        %dma_wait3A_78 = tpu.memref_slice %arg2[%dma_wait3A_76, %dma_wait3A_77] : memref<32x1000000xf32, #tpu.memory_space<hbm>> -> memref<32x768xf32, #tpu.memory_space<hbm>>
        %dma_wait3A_79 = arith.constant 0 : i32
        %dma_wait3A_80 = arith.constant 0 : i32
        %dma_wait3A_81 = tpu.memref_slice %arg2[%dma_wait3A_79, %dma_wait3A_80] : memref<32x1000000xf32, #tpu.memory_space<hbm>> -> memref<32x768xf32, #tpu.memory_space<hbm>>
        tpu.wait_dma2 semaphore(%arg10 : memref<!tpu.dma_semaphore, #tpu.memory_space<semaphore_mem>>) src(%dma_wait3A_81 : memref<32x768xf32, #tpu.memory_space<hbm>>) dst(%arg5 : memref<32x768xf32, #tpu.memory_space<vmem>>)
        %ge3A = arith.constant 2 : i32
        %ge3A_82 = arith.cmpi sge, %add3A_35, %ge3A : i32
        %convert_element_type3A_83 = arith.extui %ge3A_82 : i1 to i32
        %cond3A_84 = arith.constant 0 : i32
        %cond3A_85 = arith.cmpi ne, %convert_element_type3A_83, %cond3A_84 : i32
        scf.if %cond3A_85 {
          %dma_wait3A_102 = arith.constant 0 : i32
          %dma_wait3A_103 = arith.constant 0 : i32
          %dma_wait3A_104 = tpu.memref_slice %arg4[%dma_wait3A_102, %dma_wait3A_103] : memref<250000x128xf32, #tpu.memory_space<hbm>> -> memref<192x128xf32, #tpu.memory_space<hbm>>
          %dma_wait3A_105 = arith.constant 0 : i32
          %dma_wait3A_106 = arith.constant 0 : i32
          %dma_wait3A_107 = tpu.memref_slice %arg4[%dma_wait3A_105, %dma_wait3A_106] : memref<250000x128xf32, #tpu.memory_space<hbm>> -> memref<192x128xf32, #tpu.memory_space<hbm>>
          tpu.wait_dma2 semaphore(%arg12 : memref<!tpu.dma_semaphore, #tpu.memory_space<semaphore_mem>>) src(%arg7 : memref<192x128xf32, #tpu.memory_space<vmem>>) dst(%dma_wait3A_107 : memref<192x128xf32, #tpu.memory_space<hbm>>)
        } else {
        }
        %iota3A = tpu.iota {dimensions = array<i32: 0>} : vector<16xi32>
        %and3A = arith.constant 3 : i32
        %and3A_86 = vector.broadcast %and3A : i32 to vector<16xi32>
        %and3A_87 = arith.andi %iota3A, %and3A_86 : vector<16xi32>
        %shift_left3A = arith.constant 5 : i32
        %shift_left3A_88 = vector.broadcast %shift_left3A : i32 to vector<16xi32>
        %shift_left3A_89 = arith.shli %and3A_87, %shift_left3A_88 : vector<16xi32>
        %shift_right_arithmetic3A = arith.constant 2 : i32
        %shift_right_arithmetic3A_90 = vector.broadcast %shift_right_arithmetic3A : i32 to vector<16xi32>
        %shift_right_arithmetic3A_91 = arith.shrsi %iota3A, %shift_right_arithmetic3A_90 : vector<16xi32>
        %scan3A_92 = arith.constant 0 : i32
        %scan3A_93 = arith.constant 16 : i32
        %scan3A_94 = arith.addi %scan3A_92, %scan3A_93 : i32
        %scan3A_95 = arith.constant 1 : i32
        scf.for %scan3A_102 = %scan3A_92 to %scan3A_94 step %scan3A_95  : i32 {
          %add3A_103 = vector.broadcast %scan3A_102 : i32 to vector<16xi32>
          %add3A_104 = arith.addi %iota3A, %add3A_103 : vector<16xi32>
          %and3A_105 = arith.constant 15 : i32
          %and3A_106 = vector.broadcast %and3A_105 : i32 to vector<16xi32>
          %and3A_107 = arith.andi %add3A_104, %and3A_106 : vector<16xi32>
          %add3A_108 = arith.constant 0 : i32
          %add3A_109 = vector.broadcast %add3A_108 : i32 to vector<16xi32>
          %add3A_110 = arith.addi %and3A_107, %add3A_109 : vector<16xi32>
          %add3A_111 = arith.constant 16 : i32
          %add3A_112 = vector.broadcast %add3A_111 : i32 to vector<16xi32>
          %add3A_113 = arith.addi %and3A_107, %add3A_112 : vector<16xi32>
          %add3A_114 = arith.addi %shift_left3A_89, %and3A_107 : vector<16xi32>
          %add3A_115 = arith.constant 0 : i32
          %add3A_116 = vector.broadcast %add3A_115 : i32 to vector<16xi32>
          %add3A_117 = arith.addi %add3A_114, %add3A_116 : vector<16xi32>
          %add3A_118 = arith.addi %shift_left3A_89, %and3A_107 : vector<16xi32>
          %add3A_119 = arith.constant 16 : i32
          %add3A_120 = vector.broadcast %add3A_119 : i32 to vector<16xi32>
          %add3A_121 = arith.addi %add3A_118, %add3A_120 : vector<16xi32>
          %add3A_122 = arith.constant 0 : i32
          %add3A_123 = vector.broadcast %add3A_122 : i32 to vector<16xi32>
          %add3A_124 = arith.addi %iota3A, %add3A_123 : vector<16xi32>
          %add3A_125 = arith.constant 0 : i32
          %add3A_126 = vector.broadcast %add3A_125 : i32 to vector<16xi32>
          %add3A_127 = arith.addi %shift_right_arithmetic3A_91, %add3A_126 : vector<16xi32>
          %gather3A = tpu.vector_load_idx %arg5[%add3A_110, %add3A_124] : memref<32x768xf32, #tpu.memory_space<vmem>>[vector<16xi32>, vector<16xi32>], vector<16xf32>,
          tpu.vector_store_idx %arg7[%add3A_127, %add3A_117], %gather3A : memref<192x128xf32, #tpu.memory_space<vmem>>[vector<16xi32>, vector<16xi32>], vector<16xf32>,
          %gather3A_128 = tpu.vector_load_idx %arg5[%add3A_113, %add3A_124] : memref<32x768xf32, #tpu.memory_space<vmem>>[vector<16xi32>, vector<16xi32>], vector<16xf32>,
          tpu.vector_store_idx %arg7[%add3A_127, %add3A_121], %gather3A_128 : memref<192x128xf32, #tpu.memory_space<vmem>>[vector<16xi32>, vector<16xi32>], vector<16xf32>,
          %add3A_129 = arith.constant 16 : i32
          %add3A_130 = vector.broadcast %add3A_129 : i32 to vector<16xi32>
          %add3A_131 = arith.addi %iota3A, %add3A_130 : vector<16xi32>
          %add3A_132 = arith.constant 4 : i32
          %add3A_133 = vector.broadcast %add3A_132 : i32 to vector<16xi32>
          %add3A_134 = arith.addi %shift_right_arithmetic3A_91, %add3A_133 : vector<16xi32>
          %gather3A_135 = tpu.vector_load_idx %arg5[%add3A_110, %add3A_131] : memref<32x768xf32, #tpu.memory_space<vmem>>[vector<16xi32>, vector<16xi32>], vector<16xf32>,
          tpu.vector_store_idx %arg7[%add3A_134, %add3A_117], %gather3A_135 : memref<192x128xf32, #tpu.memory_space<vmem>>[vector<16xi32>, vector<16xi32>], vector<16xf32>,
          %gather3A_136 = tpu.vector_load_idx %arg5[%add3A_113, %add3A_131] : memref<32x768xf32, #tpu.memory_space<vmem>>[vector<16xi32>, vector<16xi32>], vector<16xf32>,
          tpu.vector_store_idx %arg7[%add3A_134, %add3A_121], %gather3A_136 : memref<192x128xf32, #tpu.memory_space<vmem>>[vector<16xi32>, vector<16xi32>], vector<16xf32>,
          %add3A_137 = arith.constant 32 : i32
          %add3A_138 = vector.broadcast %add3A_137 : i32 to vector<16xi32>
          %add3A_139 = arith.addi %iota3A, %add3A_138 : vector<16xi32>
          %add3A_140 = arith.constant 8 : i32
          %add3A_141 = vector.broadcast %add3A_140 : i32 to vector<16xi32>
          %add3A_142 = arith.addi %shift_right_arithmetic3A_91, %add3A_141 : vector<16xi32>
          %gather3A_143 = tpu.vector_load_idx %arg5[%add3A_110, %add3A_139] : memref<32x768xf32, #tpu.memory_space<vmem>>[vector<16xi32>, vector<16xi32>], vector<16xf32>,
          tpu.vector_store_idx %arg7[%add3A_142, %add3A_117], %gather3A_143 : memref<192x128xf32, #tpu.memory_space<vmem>>[vector<16xi32>, vector<16xi32>], vector<16xf32>,
          %gather3A_144 = tpu.vector_load_idx %arg5[%add3A_113, %add3A_139] : memref<32x768xf32, #tpu.memory_space<vmem>>[vector<16xi32>, vector<16xi32>], vector<16xf32>,
          tpu.vector_store_idx %arg7[%add3A_142, %add3A_121], %gather3A_144 : memref<192x128xf32, #tpu.memory_space<vmem>>[vector<16xi32>, vector<16xi32>], vector<16xf32>,
          %add3A_145 = arith.constant 48 : i32
          %add3A_146 = vector.broadcast %add3A_145 : i32 to vector<16xi32>
          %add3A_147 = arith.addi %iota3A, %add3A_146 : vector<16xi32>
          %add3A_148 = arith.constant 12 : i32
          %add3A_149 = vector.broadcast %add3A_148 : i32 to vector<16xi32>
          %add3A_150 = arith.addi %shift_right_arithmetic3A_91, %add3A_149 : vector<16xi32>
          %gather3A_151 = tpu.vector_load_idx %arg5[%add3A_110, %add3A_147] : memref<32x768xf32, #tpu.memory_space<vmem>>[vector<16xi32>, vector<16xi32>], vector<16xf32>,
          tpu.vector_store_idx %arg7[%add3A_150, %add3A_117], %gather3A_151 : memref<192x128xf32, #tpu.memory_space<vmem>>[vector<16xi32>, vector<16xi32>], vector<16xf32>,
          %gather3A_152 = tpu.vector_load_idx %arg5[%add3A_113, %add3A_147] : memref<32x768xf32, #tpu.memory_space<vmem>>[vector<16xi32>, vector<16xi32>], vector<16xf32>,
          tpu.vector_store_idx %arg7[%add3A_150, %add3A_121], %gather3A_152 : memref<192x128xf32, #tpu.memory_space<vmem>>[vector<16xi32>, vector<16xi32>], vector<16xf32>,
          %add3A_153 = arith.constant 64 : i32
          %add3A_154 = vector.broadcast %add3A_153 : i32 to vector<16xi32>
          %add3A_155 = arith.addi %iota3A, %add3A_154 : vector<16xi32>
          %add3A_156 = arith.constant 16 : i32
          %add3A_157 = vector.broadcast %add3A_156 : i32 to vector<16xi32>
          %add3A_158 = arith.addi %shift_right_arithmetic3A_91, %add3A_157 : vector<16xi32>
          %gather3A_159 = tpu.vector_load_idx %arg5[%add3A_110, %add3A_155] : memref<32x768xf32, #tpu.memory_space<vmem>>[vector<16xi32>, vector<16xi32>], vector<16xf32>,
          tpu.vector_store_idx %arg7[%add3A_158, %add3A_117], %gather3A_159 : memref<192x128xf32, #tpu.memory_space<vmem>>[vector<16xi32>, vector<16xi32>], vector<16xf32>,
          %gather3A_160 = tpu.vector_load_idx %arg5[%add3A_113, %add3A_155] : memref<32x768xf32, #tpu.memory_space<vmem>>[vector<16xi32>, vector<16xi32>], vector<16xf32>,
          tpu.vector_store_idx %arg7[%add3A_158, %add3A_121], %gather3A_160 : memref<192x128xf32, #tpu.memory_space<vmem>>[vector<16xi32>, vector<16xi32>], vector<16xf32>,
          %add3A_161 = arith.constant 80 : i32
          %add3A_162 = vector.broadcast %add3A_161 : i32 to vector<16xi32>
          %add3A_163 = arith.addi %iota3A, %add3A_162 : vector<16xi32>
          %add3A_164 = arith.constant 20 : i32
          %add3A_165 = vector.broadcast %add3A_164 : i32 to vector<16xi32>
          %add3A_166 = arith.addi %shift_right_arithmetic3A_91, %add3A_165 : vector<16xi32>
          %gather3A_167 = tpu.vector_load_idx %arg5[%add3A_110, %add3A_163] : memref<32x768xf32, #tpu.memory_space<vmem>>[vector<16xi32>, vector<16xi32>], vector<16xf32>,
          tpu.vector_store_idx %arg7[%add3A_166, %add3A_117], %gather3A_167 : memref<192x128xf32, #tpu.memory_space<vmem>>[vector<16xi32>, vector<16xi32>], vector<16xf32>,
          %gather3A_168 = tpu.vector_load_idx %arg5[%add3A_113, %add3A_163] : memref<32x768xf32, #tpu.memory_space<vmem>>[vector<16xi32>, vector<16xi32>], vector<16xf32>,
          tpu.vector_store_idx %arg7[%add3A_166, %add3A_121], %gather3A_168 : memref<192x128xf32, #tpu.memory_space<vmem>>[vector<16xi32>, vector<16xi32>], vector<16xf32>,
          %add3A_169 = arith.constant 96 : i32
          %add3A_170 = vector.broadcast %add3A_169 : i32 to vector<16xi32>
          %add3A_171 = arith.addi %iota3A, %add3A_170 : vector<16xi32>
          %add3A_172 = arith.constant 24 : i32
          %add3A_173 = vector.broadcast %add3A_172 : i32 to vector<16xi32>
          %add3A_174 = arith.addi %shift_right_arithmetic3A_91, %add3A_173 : vector<16xi32>
          %gather3A_175 = tpu.vector_load_idx %arg5[%add3A_110, %add3A_171] : memref<32x768xf32, #tpu.memory_space<vmem>>[vector<16xi32>, vector<16xi32>], vector<16xf32>,
          tpu.vector_store_idx %arg7[%add3A_174, %add3A_117], %gather3A_175 : memref<192x128xf32, #tpu.memory_space<vmem>>[vector<16xi32>, vector<16xi32>], vector<16xf32>,
          %gather3A_176 = tpu.vector_load_idx %arg5[%add3A_113, %add3A_171] : memref<32x768xf32, #tpu.memory_space<vmem>>[vector<16xi32>, vector<16xi32>], vector<16xf32>,
          tpu.vector_store_idx %arg7[%add3A_174, %add3A_121], %gather3A_176 : memref<192x128xf32, #tpu.memory_space<vmem>>[vector<16xi32>, vector<16xi32>], vector<16xf32>,
          %add3A_177 = arith.constant 112 : i32
          %add3A_178 = vector.broadcast %add3A_177 : i32 to vector<16xi32>
          %add3A_179 = arith.addi %iota3A, %add3A_178 : vector<16xi32>
          %add3A_180 = arith.constant 28 : i32
          %add3A_181 = vector.broadcast %add3A_180 : i32 to vector<16xi32>
          %add3A_182 = arith.addi %shift_right_arithmetic3A_91, %add3A_181 : vector<16xi32>
          %gather3A_183 = tpu.vector_load_idx %arg5[%add3A_110, %add3A_179] : memref<32x768xf32, #tpu.memory_space<vmem>>[vector<16xi32>, vector<16xi32>], vector<16xf32>,
          tpu.vector_store_idx %arg7[%add3A_182, %add3A_117], %gather3A_183 : memref<192x128xf32, #tpu.memory_space<vmem>>[vector<16xi32>, vector<16xi32>], vector<16xf32>,
          %gather3A_184 = tpu.vector_load_idx %arg5[%add3A_113, %add3A_179] : memref<32x768xf32, #tpu.memory_space<vmem>>[vector<16xi32>, vector<16xi32>], vector<16xf32>,
          tpu.vector_store_idx %arg7[%add3A_182, %add3A_121], %gather3A_184 : memref<192x128xf32, #tpu.memory_space<vmem>>[vector<16xi32>, vector<16xi32>], vector<16xf32>,
          %add3A_185 = arith.constant 128 : i32
          %add3A_186 = vector.broadcast %add3A_185 : i32 to vector<16xi32>
          %add3A_187 = arith.addi %iota3A, %add3A_186 : vector<16xi32>
          %add3A_188 = arith.constant 32 : i32
          %add3A_189 = vector.broadcast %add3A_188 : i32 to vector<16xi32>
          %add3A_190 = arith.addi %shift_right_arithmetic3A_91, %add3A_189 : vector<16xi32>
          %gather3A_191 = tpu.vector_load_idx %arg5[%add3A_110, %add3A_187] : memref<32x768xf32, #tpu.memory_space<vmem>>[vector<16xi32>, vector<16xi32>], vector<16xf32>,
          tpu.vector_store_idx %arg7[%add3A_190, %add3A_117], %gather3A_191 : memref<192x128xf32, #tpu.memory_space<vmem>>[vector<16xi32>, vector<16xi32>], vector<16xf32>,
          %gather3A_192 = tpu.vector_load_idx %arg5[%add3A_113, %add3A_187] : memref<32x768xf32, #tpu.memory_space<vmem>>[vector<16xi32>, vector<16xi32>], vector<16xf32>,
          tpu.vector_store_idx %arg7[%add3A_190, %add3A_121], %gather3A_192 : memref<192x128xf32, #tpu.memory_space<vmem>>[vector<16xi32>, vector<16xi32>], vector<16xf32>,
          %add3A_193 = arith.constant 144 : i32
          %add3A_194 = vector.broadcast %add3A_193 : i32 to vector<16xi32>
          %add3A_195 = arith.addi %iota3A, %add3A_194 : vector<16xi32>
          %add3A_196 = arith.constant 36 : i32
          %add3A_197 = vector.broadcast %add3A_196 : i32 to vector<16xi32>
          %add3A_198 = arith.addi %shift_right_arithmetic3A_91, %add3A_197 : vector<16xi32>
          %gather3A_199 = tpu.vector_load_idx %arg5[%add3A_110, %add3A_195] : memref<32x768xf32, #tpu.memory_space<vmem>>[vector<16xi32>, vector<16xi32>], vector<16xf32>,
          tpu.vector_store_idx %arg7[%add3A_198, %add3A_117], %gather3A_199 : memref<192x128xf32, #tpu.memory_space<vmem>>[vector<16xi32>, vector<16xi32>], vector<16xf32>,
          %gather3A_200 = tpu.vector_load_idx %arg5[%add3A_113, %add3A_195] : memref<32x768xf32, #tpu.memory_space<vmem>>[vector<16xi32>, vector<16xi32>], vector<16xf32>,
          tpu.vector_store_idx %arg7[%add3A_198, %add3A_121], %gather3A_200 : memref<192x128xf32, #tpu.memory_space<vmem>>[vector<16xi32>, vector<16xi32>], vector<16xf32>,
          %add3A_201 = arith.constant 160 : i32
          %add3A_202 = vector.broadcast %add3A_201 : i32 to vector<16xi32>
          %add3A_203 = arith.addi %iota3A, %add3A_202 : vector<16xi32>
          %add3A_204 = arith.constant 40 : i32
          %add3A_205 = vector.broadcast %add3A_204 : i32 to vector<16xi32>
          %add3A_206 = arith.addi %shift_right_arithmetic3A_91, %add3A_205 : vector<16xi32>
          %gather3A_207 = tpu.vector_load_idx %arg5[%add3A_110, %add3A_203] : memref<32x768xf32, #tpu.memory_space<vmem>>[vector<16xi32>, vector<16xi32>], vector<16xf32>,
          tpu.vector_store_idx %arg7[%add3A_206, %add3A_117], %gather3A_207 : memref<192x128xf32, #tpu.memory_space<vmem>>[vector<16xi32>, vector<16xi32>], vector<16xf32>,
          %gather3A_208 = tpu.vector_load_idx %arg5[%add3A_113, %add3A_203] : memref<32x768xf32, #tpu.memory_space<vmem>>[vector<16xi32>, vector<16xi32>], vector<16xf32>,
          tpu.vector_store_idx %arg7[%add3A_206, %add3A_121], %gather3A_208 : memref<192x128xf32, #tpu.memory_space<vmem>>[vector<16xi32>, vector<16xi32>], vector<16xf32>,
          %add3A_209 = arith.constant 176 : i32
          %add3A_210 = vector.broadcast %add3A_209 : i32 to vector<16xi32>
          %add3A_211 = arith.addi %iota3A, %add3A_210 : vector<16xi32>
          %add3A_212 = arith.constant 44 : i32
          %add3A_213 = vector.broadcast %add3A_212 : i32 to vector<16xi32>
          %add3A_214 = arith.addi %shift_right_arithmetic3A_91, %add3A_213 : vector<16xi32>
          %gather3A_215 = tpu.vector_load_idx %arg5[%add3A_110, %add3A_211] : memref<32x768xf32, #tpu.memory_space<vmem>>[vector<16xi32>, vector<16xi32>], vector<16xf32>,
          tpu.vector_store_idx %arg7[%add3A_214, %add3A_117], %gather3A_215 : memref<192x128xf32, #tpu.memory_space<vmem>>[vector<16xi32>, vector<16xi32>], vector<16xf32>,
          %gather3A_216 = tpu.vector_load_idx %arg5[%add3A_113, %add3A_211] : memref<32x768xf32, #tpu.memory_space<vmem>>[vector<16xi32>, vector<16xi32>], vector<16xf32>,
          tpu.vector_store_idx %arg7[%add3A_214, %add3A_121], %gather3A_216 : memref<192x128xf32, #tpu.memory_space<vmem>>[vector<16xi32>, vector<16xi32>], vector<16xf32>,
          %add3A_217 = arith.constant 192 : i32
          %add3A_218 = vector.broadcast %add3A_217 : i32 to vector<16xi32>
          %add3A_219 = arith.addi %iota3A, %add3A_218 : vector<16xi32>
          %add3A_220 = arith.constant 48 : i32
          %add3A_221 = vector.broadcast %add3A_220 : i32 to vector<16xi32>
          %add3A_222 = arith.addi %shift_right_arithmetic3A_91, %add3A_221 : vector<16xi32>
          %gather3A_223 = tpu.vector_load_idx %arg5[%add3A_110, %add3A_219] : memref<32x768xf32, #tpu.memory_space<vmem>>[vector<16xi32>, vector<16xi32>], vector<16xf32>,
          tpu.vector_store_idx %arg7[%add3A_222, %add3A_117], %gather3A_223 : memref<192x128xf32, #tpu.memory_space<vmem>>[vector<16xi32>, vector<16xi32>], vector<16xf32>,
          %gather3A_224 = tpu.vector_load_idx %arg5[%add3A_113, %add3A_219] : memref<32x768xf32, #tpu.memory_space<vmem>>[vector<16xi32>, vector<16xi32>], vector<16xf32>,
          tpu.vector_store_idx %arg7[%add3A_222, %add3A_121], %gather3A_224 : memref<192x128xf32, #tpu.memory_space<vmem>>[vector<16xi32>, vector<16xi32>], vector<16xf32>,
          %add3A_225 = arith.constant 208 : i32
          %add3A_226 = vector.broadcast %add3A_225 : i32 to vector<16xi32>
          %add3A_227 = arith.addi %iota3A, %add3A_226 : vector<16xi32>
          %add3A_228 = arith.constant 52 : i32
          %add3A_229 = vector.broadcast %add3A_228 : i32 to vector<16xi32>
          %add3A_230 = arith.addi %shift_right_arithmetic3A_91, %add3A_229 : vector<16xi32>
          %gather3A_231 = tpu.vector_load_idx %arg5[%add3A_110, %add3A_227] : memref<32x768xf32, #tpu.memory_space<vmem>>[vector<16xi32>, vector<16xi32>], vector<16xf32>,
          tpu.vector_store_idx %arg7[%add3A_230, %add3A_117], %gather3A_231 : memref<192x128xf32, #tpu.memory_space<vmem>>[vector<16xi32>, vector<16xi32>], vector<16xf32>,
          %gather3A_232 = tpu.vector_load_idx %arg5[%add3A_113, %add3A_227] : memref<32x768xf32, #tpu.memory_space<vmem>>[vector<16xi32>, vector<16xi32>], vector<16xf32>,
          tpu.vector_store_idx %arg7[%add3A_230, %add3A_121], %gather3A_232 : memref<192x128xf32, #tpu.memory_space<vmem>>[vector<16xi32>, vector<16xi32>], vector<16xf32>,
          %add3A_233 = arith.constant 224 : i32
          %add3A_234 = vector.broadcast %add3A_233 : i32 to vector<16xi32>
          %add3A_235 = arith.addi %iota3A, %add3A_234 : vector<16xi32>
          %add3A_236 = arith.constant 56 : i32
          %add3A_237 = vector.broadcast %add3A_236 : i32 to vector<16xi32>
          %add3A_238 = arith.addi %shift_right_arithmetic3A_91, %add3A_237 : vector<16xi32>
          %gather3A_239 = tpu.vector_load_idx %arg5[%add3A_110, %add3A_235] : memref<32x768xf32, #tpu.memory_space<vmem>>[vector<16xi32>, vector<16xi32>], vector<16xf32>,
          tpu.vector_store_idx %arg7[%add3A_238, %add3A_117], %gather3A_239 : memref<192x128xf32, #tpu.memory_space<vmem>>[vector<16xi32>, vector<16xi32>], vector<16xf32>,
          %gather3A_240 = tpu.vector_load_idx %arg5[%add3A_113, %add3A_235] : memref<32x768xf32, #tpu.memory_space<vmem>>[vector<16xi32>, vector<16xi32>], vector<16xf32>,
          tpu.vector_store_idx %arg7[%add3A_238, %add3A_121], %gather3A_240 : memref<192x128xf32, #tpu.memory_space<vmem>>[vector<16xi32>, vector<16xi32>], vector<16xf32>,
          %add3A_241 = arith.constant 240 : i32
          %add3A_242 = vector.broadcast %add3A_241 : i32 to vector<16xi32>
          %add3A_243 = arith.addi %iota3A, %add3A_242 : vector<16xi32>
          %add3A_244 = arith.constant 60 : i32
          %add3A_245 = vector.broadcast %add3A_244 : i32 to vector<16xi32>
          %add3A_246 = arith.addi %shift_right_arithmetic3A_91, %add3A_245 : vector<16xi32>
          %gather3A_247 = tpu.vector_load_idx %arg5[%add3A_110, %add3A_243] : memref<32x768xf32, #tpu.memory_space<vmem>>[vector<16xi32>, vector<16xi32>], vector<16xf32>,
          tpu.vector_store_idx %arg7[%add3A_246, %add3A_117], %gather3A_247 : memref<192x128xf32, #tpu.memory_space<vmem>>[vector<16xi32>, vector<16xi32>], vector<16xf32>,
          %gather3A_248 = tpu.vector_load_idx %arg5[%add3A_113, %add3A_243] : memref<32x768xf32, #tpu.memory_space<vmem>>[vector<16xi32>, vector<16xi32>], vector<16xf32>,
          tpu.vector_store_idx %arg7[%add3A_246, %add3A_121], %gather3A_248 : memref<192x128xf32, #tpu.memory_space<vmem>>[vector<16xi32>, vector<16xi32>], vector<16xf32>,
          %add3A_249 = arith.constant 256 : i32
          %add3A_250 = vector.broadcast %add3A_249 : i32 to vector<16xi32>
          %add3A_251 = arith.addi %iota3A, %add3A_250 : vector<16xi32>
          %add3A_252 = arith.constant 64 : i32
          %add3A_253 = vector.broadcast %add3A_252 : i32 to vector<16xi32>
          %add3A_254 = arith.addi %shift_right_arithmetic3A_91, %add3A_253 : vector<16xi32>
          %gather3A_255 = tpu.vector_load_idx %arg5[%add3A_110, %add3A_251] : memref<32x768xf32, #tpu.memory_space<vmem>>[vector<16xi32>, vector<16xi32>], vector<16xf32>,
          tpu.vector_store_idx %arg7[%add3A_254, %add3A_117], %gather3A_255 : memref<192x128xf32, #tpu.memory_space<vmem>>[vector<16xi32>, vector<16xi32>], vector<16xf32>,
          %gather3A_256 = tpu.vector_load_idx %arg5[%add3A_113, %add3A_251] : memref<32x768xf32, #tpu.memory_space<vmem>>[vector<16xi32>, vector<16xi32>], vector<16xf32>,
          tpu.vector_store_idx %arg7[%add3A_254, %add3A_121], %gather3A_256 : memref<192x128xf32, #tpu.memory_space<vmem>>[vector<16xi32>, vector<16xi32>], vector<16xf32>,
          %add3A_257 = arith.constant 272 : i32
          %add3A_258 = vector.broadcast %add3A_257 : i32 to vector<16xi32>
          %add3A_259 = arith.addi %iota3A, %add3A_258 : vector<16xi32>
          %add3A_260 = arith.constant 68 : i32
          %add3A_261 = vector.broadcast %add3A_260 : i32 to vector<16xi32>
          %add3A_262 = arith.addi %shift_right_arithmetic3A_91, %add3A_261 : vector<16xi32>
          %gather3A_263 = tpu.vector_load_idx %arg5[%add3A_110, %add3A_259] : memref<32x768xf32, #tpu.memory_space<vmem>>[vector<16xi32>, vector<16xi32>], vector<16xf32>,
          tpu.vector_store_idx %arg7[%add3A_262, %add3A_117], %gather3A_263 : memref<192x128xf32, #tpu.memory_space<vmem>>[vector<16xi32>, vector<16xi32>], vector<16xf32>,
          %gather3A_264 = tpu.vector_load_idx %arg5[%add3A_113, %add3A_259] : memref<32x768xf32, #tpu.memory_space<vmem>>[vector<16xi32>, vector<16xi32>], vector<16xf32>,
          tpu.vector_store_idx %arg7[%add3A_262, %add3A_121], %gather3A_264 : memref<192x128xf32, #tpu.memory_space<vmem>>[vector<16xi32>, vector<16xi32>], vector<16xf32>,
          %add3A_265 = arith.constant 288 : i32
          %add3A_266 = vector.broadcast %add3A_265 : i32 to vector<16xi32>
          %add3A_267 = arith.addi %iota3A, %add3A_266 : vector<16xi32>
          %add3A_268 = arith.constant 72 : i32
          %add3A_269 = vector.broadcast %add3A_268 : i32 to vector<16xi32>
          %add3A_270 = arith.addi %shift_right_arithmetic3A_91, %add3A_269 : vector<16xi32>
          %gather3A_271 = tpu.vector_load_idx %arg5[%add3A_110, %add3A_267] : memref<32x768xf32, #tpu.memory_space<vmem>>[vector<16xi32>, vector<16xi32>], vector<16xf32>,
          tpu.vector_store_idx %arg7[%add3A_270, %add3A_117], %gather3A_271 : memref<192x128xf32, #tpu.memory_space<vmem>>[vector<16xi32>, vector<16xi32>], vector<16xf32>,
          %gather3A_272 = tpu.vector_load_idx %arg5[%add3A_113, %add3A_267] : memref<32x768xf32, #tpu.memory_space<vmem>>[vector<16xi32>, vector<16xi32>], vector<16xf32>,
          tpu.vector_store_idx %arg7[%add3A_270, %add3A_121], %gather3A_272 : memref<192x128xf32, #tpu.memory_space<vmem>>[vector<16xi32>, vector<16xi32>], vector<16xf32>,
          %add3A_273 = arith.constant 304 : i32
          %add3A_274 = vector.broadcast %add3A_273 : i32 to vector<16xi32>
          %add3A_275 = arith.addi %iota3A, %add3A_274 : vector<16xi32>
          %add3A_276 = arith.constant 76 : i32
          %add3A_277 = vector.broadcast %add3A_276 : i32 to vector<16xi32>
          %add3A_278 = arith.addi %shift_right_arithmetic3A_91, %add3A_277 : vector<16xi32>
          %gather3A_279 = tpu.vector_load_idx %arg5[%add3A_110, %add3A_275] : memref<32x768xf32, #tpu.memory_space<vmem>>[vector<16xi32>, vector<16xi32>], vector<16xf32>,
          tpu.vector_store_idx %arg7[%add3A_278, %add3A_117], %gather3A_279 : memref<192x128xf32, #tpu.memory_space<vmem>>[vector<16xi32>, vector<16xi32>], vector<16xf32>,
          %gather3A_280 = tpu.vector_load_idx %arg5[%add3A_113, %add3A_275] : memref<32x768xf32, #tpu.memory_space<vmem>>[vector<16xi32>, vector<16xi32>], vector<16xf32>,
          tpu.vector_store_idx %arg7[%add3A_278, %add3A_121], %gather3A_280 : memref<192x128xf32, #tpu.memory_space<vmem>>[vector<16xi32>, vector<16xi32>], vector<16xf32>,
          %add3A_281 = arith.constant 320 : i32
          %add3A_282 = vector.broadcast %add3A_281 : i32 to vector<16xi32>
          %add3A_283 = arith.addi %iota3A, %add3A_282 : vector<16xi32>
          %add3A_284 = arith.constant 80 : i32
          %add3A_285 = vector.broadcast %add3A_284 : i32 to vector<16xi32>
          %add3A_286 = arith.addi %shift_right_arithmetic3A_91, %add3A_285 : vector<16xi32>
          %gather3A_287 = tpu.vector_load_idx %arg5[%add3A_110, %add3A_283] : memref<32x768xf32, #tpu.memory_space<vmem>>[vector<16xi32>, vector<16xi32>], vector<16xf32>,
          tpu.vector_store_idx %arg7[%add3A_286, %add3A_117], %gather3A_287 : memref<192x128xf32, #tpu.memory_space<vmem>>[vector<16xi32>, vector<16xi32>], vector<16xf32>,
          %gather3A_288 = tpu.vector_load_idx %arg5[%add3A_113, %add3A_283] : memref<32x768xf32, #tpu.memory_space<vmem>>[vector<16xi32>, vector<16xi32>], vector<16xf32>,
          tpu.vector_store_idx %arg7[%add3A_286, %add3A_121], %gather3A_288 : memref<192x128xf32, #tpu.memory_space<vmem>>[vector<16xi32>, vector<16xi32>], vector<16xf32>,
          %add3A_289 = arith.constant 336 : i32
          %add3A_290 = vector.broadcast %add3A_289 : i32 to vector<16xi32>
          %add3A_291 = arith.addi %iota3A, %add3A_290 : vector<16xi32>
          %add3A_292 = arith.constant 84 : i32
          %add3A_293 = vector.broadcast %add3A_292 : i32 to vector<16xi32>
          %add3A_294 = arith.addi %shift_right_arithmetic3A_91, %add3A_293 : vector<16xi32>
          %gather3A_295 = tpu.vector_load_idx %arg5[%add3A_110, %add3A_291] : memref<32x768xf32, #tpu.memory_space<vmem>>[vector<16xi32>, vector<16xi32>], vector<16xf32>,
          tpu.vector_store_idx %arg7[%add3A_294, %add3A_117], %gather3A_295 : memref<192x128xf32, #tpu.memory_space<vmem>>[vector<16xi32>, vector<16xi32>], vector<16xf32>,
          %gather3A_296 = tpu.vector_load_idx %arg5[%add3A_113, %add3A_291] : memref<32x768xf32, #tpu.memory_space<vmem>>[vector<16xi32>, vector<16xi32>], vector<16xf32>,
          tpu.vector_store_idx %arg7[%add3A_294, %add3A_121], %gather3A_296 : memref<192x128xf32, #tpu.memory_space<vmem>>[vector<16xi32>, vector<16xi32>], vector<16xf32>,
          %add3A_297 = arith.constant 352 : i32
          %add3A_298 = vector.broadcast %add3A_297 : i32 to vector<16xi32>
          %add3A_299 = arith.addi %iota3A, %add3A_298 : vector<16xi32>
          %add3A_300 = arith.constant 88 : i32
          %add3A_301 = vector.broadcast %add3A_300 : i32 to vector<16xi32>
          %add3A_302 = arith.addi %shift_right_arithmetic3A_91, %add3A_301 : vector<16xi32>
          %gather3A_303 = tpu.vector_load_idx %arg5[%add3A_110, %add3A_299] : memref<32x768xf32, #tpu.memory_space<vmem>>[vector<16xi32>, vector<16xi32>], vector<16xf32>,
          tpu.vector_store_idx %arg7[%add3A_302, %add3A_117], %gather3A_303 : memref<192x128xf32, #tpu.memory_space<vmem>>[vector<16xi32>, vector<16xi32>], vector<16xf32>,
          %gather3A_304 = tpu.vector_load_idx %arg5[%add3A_113, %add3A_299] : memref<32x768xf32, #tpu.memory_space<vmem>>[vector<16xi32>, vector<16xi32>], vector<16xf32>,
          tpu.vector_store_idx %arg7[%add3A_302, %add3A_121], %gather3A_304 : memref<192x128xf32, #tpu.memory_space<vmem>>[vector<16xi32>, vector<16xi32>], vector<16xf32>,
          %add3A_305 = arith.constant 368 : i32
          %add3A_306 = vector.broadcast %add3A_305 : i32 to vector<16xi32>
          %add3A_307 = arith.addi %iota3A, %add3A_306 : vector<16xi32>
          %add3A_308 = arith.constant 92 : i32
          %add3A_309 = vector.broadcast %add3A_308 : i32 to vector<16xi32>
          %add3A_310 = arith.addi %shift_right_arithmetic3A_91, %add3A_309 : vector<16xi32>
          %gather3A_311 = tpu.vector_load_idx %arg5[%add3A_110, %add3A_307] : memref<32x768xf32, #tpu.memory_space<vmem>>[vector<16xi32>, vector<16xi32>], vector<16xf32>,
          tpu.vector_store_idx %arg7[%add3A_310, %add3A_117], %gather3A_311 : memref<192x128xf32, #tpu.memory_space<vmem>>[vector<16xi32>, vector<16xi32>], vector<16xf32>,
          %gather3A_312 = tpu.vector_load_idx %arg5[%add3A_113, %add3A_307] : memref<32x768xf32, #tpu.memory_space<vmem>>[vector<16xi32>, vector<16xi32>], vector<16xf32>,
          tpu.vector_store_idx %arg7[%add3A_310, %add3A_121], %gather3A_312 : memref<192x128xf32, #tpu.memory_space<vmem>>[vector<16xi32>, vector<16xi32>], vector<16xf32>,
          %add3A_313 = arith.constant 384 : i32
          %add3A_314 = vector.broadcast %add3A_313 : i32 to vector<16xi32>
          %add3A_315 = arith.addi %iota3A, %add3A_314 : vector<16xi32>
          %add3A_316 = arith.constant 96 : i32
          %add3A_317 = vector.broadcast %add3A_316 : i32 to vector<16xi32>
          %add3A_318 = arith.addi %shift_right_arithmetic3A_91, %add3A_317 : vector<16xi32>
          %gather3A_319 = tpu.vector_load_idx %arg5[%add3A_110, %add3A_315] : memref<32x768xf32, #tpu.memory_space<vmem>>[vector<16xi32>, vector<16xi32>], vector<16xf32>,
          tpu.vector_store_idx %arg7[%add3A_318, %add3A_117], %gather3A_319 : memref<192x128xf32, #tpu.memory_space<vmem>>[vector<16xi32>, vector<16xi32>], vector<16xf32>,
          %gather3A_320 = tpu.vector_load_idx %arg5[%add3A_113, %add3A_315] : memref<32x768xf32, #tpu.memory_space<vmem>>[vector<16xi32>, vector<16xi32>], vector<16xf32>,
          tpu.vector_store_idx %arg7[%add3A_318, %add3A_121], %gather3A_320 : memref<192x128xf32, #tpu.memory_space<vmem>>[vector<16xi32>, vector<16xi32>], vector<16xf32>,
          %add3A_321 = arith.constant 400 : i32
          %add3A_322 = vector.broadcast %add3A_321 : i32 to vector<16xi32>
          %add3A_323 = arith.addi %iota3A, %add3A_322 : vector<16xi32>
          %add3A_324 = arith.constant 100 : i32
          %add3A_325 = vector.broadcast %add3A_324 : i32 to vector<16xi32>
          %add3A_326 = arith.addi %shift_right_arithmetic3A_91, %add3A_325 : vector<16xi32>
          %gather3A_327 = tpu.vector_load_idx %arg5[%add3A_110, %add3A_323] : memref<32x768xf32, #tpu.memory_space<vmem>>[vector<16xi32>, vector<16xi32>], vector<16xf32>,
          tpu.vector_store_idx %arg7[%add3A_326, %add3A_117], %gather3A_327 : memref<192x128xf32, #tpu.memory_space<vmem>>[vector<16xi32>, vector<16xi32>], vector<16xf32>,
          %gather3A_328 = tpu.vector_load_idx %arg5[%add3A_113, %add3A_323] : memref<32x768xf32, #tpu.memory_space<vmem>>[vector<16xi32>, vector<16xi32>], vector<16xf32>,
          tpu.vector_store_idx %arg7[%add3A_326, %add3A_121], %gather3A_328 : memref<192x128xf32, #tpu.memory_space<vmem>>[vector<16xi32>, vector<16xi32>], vector<16xf32>,
          %add3A_329 = arith.constant 416 : i32
          %add3A_330 = vector.broadcast %add3A_329 : i32 to vector<16xi32>
          %add3A_331 = arith.addi %iota3A, %add3A_330 : vector<16xi32>
          %add3A_332 = arith.constant 104 : i32
          %add3A_333 = vector.broadcast %add3A_332 : i32 to vector<16xi32>
          %add3A_334 = arith.addi %shift_right_arithmetic3A_91, %add3A_333 : vector<16xi32>
          %gather3A_335 = tpu.vector_load_idx %arg5[%add3A_110, %add3A_331] : memref<32x768xf32, #tpu.memory_space<vmem>>[vector<16xi32>, vector<16xi32>], vector<16xf32>,
          tpu.vector_store_idx %arg7[%add3A_334, %add3A_117], %gather3A_335 : memref<192x128xf32, #tpu.memory_space<vmem>>[vector<16xi32>, vector<16xi32>], vector<16xf32>,
          %gather3A_336 = tpu.vector_load_idx %arg5[%add3A_113, %add3A_331] : memref<32x768xf32, #tpu.memory_space<vmem>>[vector<16xi32>, vector<16xi32>], vector<16xf32>,
          tpu.vector_store_idx %arg7[%add3A_334, %add3A_121], %gather3A_336 : memref<192x128xf32, #tpu.memory_space<vmem>>[vector<16xi32>, vector<16xi32>], vector<16xf32>,
          %add3A_337 = arith.constant 432 : i32
          %add3A_338 = vector.broadcast %add3A_337 : i32 to vector<16xi32>
          %add3A_339 = arith.addi %iota3A, %add3A_338 : vector<16xi32>
          %add3A_340 = arith.constant 108 : i32
          %add3A_341 = vector.broadcast %add3A_340 : i32 to vector<16xi32>
          %add3A_342 = arith.addi %shift_right_arithmetic3A_91, %add3A_341 : vector<16xi32>
          %gather3A_343 = tpu.vector_load_idx %arg5[%add3A_110, %add3A_339] : memref<32x768xf32, #tpu.memory_space<vmem>>[vector<16xi32>, vector<16xi32>], vector<16xf32>,
          tpu.vector_store_idx %arg7[%add3A_342, %add3A_117], %gather3A_343 : memref<192x128xf32, #tpu.memory_space<vmem>>[vector<16xi32>, vector<16xi32>], vector<16xf32>,
          %gather3A_344 = tpu.vector_load_idx %arg5[%add3A_113, %add3A_339] : memref<32x768xf32, #tpu.memory_space<vmem>>[vector<16xi32>, vector<16xi32>], vector<16xf32>,
          tpu.vector_store_idx %arg7[%add3A_342, %add3A_121], %gather3A_344 : memref<192x128xf32, #tpu.memory_space<vmem>>[vector<16xi32>, vector<16xi32>], vector<16xf32>,
          %add3A_345 = arith.constant 448 : i32
          %add3A_346 = vector.broadcast %add3A_345 : i32 to vector<16xi32>
          %add3A_347 = arith.addi %iota3A, %add3A_346 : vector<16xi32>
          %add3A_348 = arith.constant 112 : i32
          %add3A_349 = vector.broadcast %add3A_348 : i32 to vector<16xi32>
          %add3A_350 = arith.addi %shift_right_arithmetic3A_91, %add3A_349 : vector<16xi32>
          %gather3A_351 = tpu.vector_load_idx %arg5[%add3A_110, %add3A_347] : memref<32x768xf32, #tpu.memory_space<vmem>>[vector<16xi32>, vector<16xi32>], vector<16xf32>,
          tpu.vector_store_idx %arg7[%add3A_350, %add3A_117], %gather3A_351 : memref<192x128xf32, #tpu.memory_space<vmem>>[vector<16xi32>, vector<16xi32>], vector<16xf32>,
          %gather3A_352 = tpu.vector_load_idx %arg5[%add3A_113, %add3A_347] : memref<32x768xf32, #tpu.memory_space<vmem>>[vector<16xi32>, vector<16xi32>], vector<16xf32>,
          tpu.vector_store_idx %arg7[%add3A_350, %add3A_121], %gather3A_352 : memref<192x128xf32, #tpu.memory_space<vmem>>[vector<16xi32>, vector<16xi32>], vector<16xf32>,
          %add3A_353 = arith.constant 464 : i32
          %add3A_354 = vector.broadcast %add3A_353 : i32 to vector<16xi32>
          %add3A_355 = arith.addi %iota3A, %add3A_354 : vector<16xi32>
          %add3A_356 = arith.constant 116 : i32
          %add3A_357 = vector.broadcast %add3A_356 : i32 to vector<16xi32>
          %add3A_358 = arith.addi %shift_right_arithmetic3A_91, %add3A_357 : vector<16xi32>
          %gather3A_359 = tpu.vector_load_idx %arg5[%add3A_110, %add3A_355] : memref<32x768xf32, #tpu.memory_space<vmem>>[vector<16xi32>, vector<16xi32>], vector<16xf32>,
          tpu.vector_store_idx %arg7[%add3A_358, %add3A_117], %gather3A_359 : memref<192x128xf32, #tpu.memory_space<vmem>>[vector<16xi32>, vector<16xi32>], vector<16xf32>,
          %gather3A_360 = tpu.vector_load_idx %arg5[%add3A_113, %add3A_355] : memref<32x768xf32, #tpu.memory_space<vmem>>[vector<16xi32>, vector<16xi32>], vector<16xf32>,
          tpu.vector_store_idx %arg7[%add3A_358, %add3A_121], %gather3A_360 : memref<192x128xf32, #tpu.memory_space<vmem>>[vector<16xi32>, vector<16xi32>], vector<16xf32>,
          %add3A_361 = arith.constant 480 : i32
          %add3A_362 = vector.broadcast %add3A_361 : i32 to vector<16xi32>
          %add3A_363 = arith.addi %iota3A, %add3A_362 : vector<16xi32>
          %add3A_364 = arith.constant 120 : i32
          %add3A_365 = vector.broadcast %add3A_364 : i32 to vector<16xi32>
          %add3A_366 = arith.addi %shift_right_arithmetic3A_91, %add3A_365 : vector<16xi32>
          %gather3A_367 = tpu.vector_load_idx %arg5[%add3A_110, %add3A_363] : memref<32x768xf32, #tpu.memory_space<vmem>>[vector<16xi32>, vector<16xi32>], vector<16xf32>,
          tpu.vector_store_idx %arg7[%add3A_366, %add3A_117], %gather3A_367 : memref<192x128xf32, #tpu.memory_space<vmem>>[vector<16xi32>, vector<16xi32>], vector<16xf32>,
          %gather3A_368 = tpu.vector_load_idx %arg5[%add3A_113, %add3A_363] : memref<32x768xf32, #tpu.memory_space<vmem>>[vector<16xi32>, vector<16xi32>], vector<16xf32>,
          tpu.vector_store_idx %arg7[%add3A_366, %add3A_121], %gather3A_368 : memref<192x128xf32, #tpu.memory_space<vmem>>[vector<16xi32>, vector<16xi32>], vector<16xf32>,
          %add3A_369 = arith.constant 496 : i32
          %add3A_370 = vector.broadcast %add3A_369 : i32 to vector<16xi32>
          %add3A_371 = arith.addi %iota3A, %add3A_370 : vector<16xi32>
          %add3A_372 = arith.constant 124 : i32
          %add3A_373 = vector.broadcast %add3A_372 : i32 to vector<16xi32>
          %add3A_374 = arith.addi %shift_right_arithmetic3A_91, %add3A_373 : vector<16xi32>
          %gather3A_375 = tpu.vector_load_idx %arg5[%add3A_110, %add3A_371] : memref<32x768xf32, #tpu.memory_space<vmem>>[vector<16xi32>, vector<16xi32>], vector<16xf32>,
          tpu.vector_store_idx %arg7[%add3A_374, %add3A_117], %gather3A_375 : memref<192x128xf32, #tpu.memory_space<vmem>>[vector<16xi32>, vector<16xi32>], vector<16xf32>,
          %gather3A_376 = tpu.vector_load_idx %arg5[%add3A_113, %add3A_371] : memref<32x768xf32, #tpu.memory_space<vmem>>[vector<16xi32>, vector<16xi32>], vector<16xf32>,
          tpu.vector_store_idx %arg7[%add3A_374, %add3A_121], %gather3A_376 : memref<192x128xf32, #tpu.memory_space<vmem>>[vector<16xi32>, vector<16xi32>], vector<16xf32>,
          %add3A_377 = arith.constant 512 : i32
          %add3A_378 = vector.broadcast %add3A_377 : i32 to vector<16xi32>
          %add3A_379 = arith.addi %iota3A, %add3A_378 : vector<16xi32>
          %add3A_380 = arith.constant 128 : i32
          %add3A_381 = vector.broadcast %add3A_380 : i32 to vector<16xi32>
          %add3A_382 = arith.addi %shift_right_arithmetic3A_91, %add3A_381 : vector<16xi32>
          %gather3A_383 = tpu.vector_load_idx %arg5[%add3A_110, %add3A_379] : memref<32x768xf32, #tpu.memory_space<vmem>>[vector<16xi32>, vector<16xi32>], vector<16xf32>,
          tpu.vector_store_idx %arg7[%add3A_382, %add3A_117], %gather3A_383 : memref<192x128xf32, #tpu.memory_space<vmem>>[vector<16xi32>, vector<16xi32>], vector<16xf32>,
          %gather3A_384 = tpu.vector_load_idx %arg5[%add3A_113, %add3A_379] : memref<32x768xf32, #tpu.memory_space<vmem>>[vector<16xi32>, vector<16xi32>], vector<16xf32>,
          tpu.vector_store_idx %arg7[%add3A_382, %add3A_121], %gather3A_384 : memref<192x128xf32, #tpu.memory_space<vmem>>[vector<16xi32>, vector<16xi32>], vector<16xf32>,
          %add3A_385 = arith.constant 528 : i32
          %add3A_386 = vector.broadcast %add3A_385 : i32 to vector<16xi32>
          %add3A_387 = arith.addi %iota3A, %add3A_386 : vector<16xi32>
          %add3A_388 = arith.constant 132 : i32
          %add3A_389 = vector.broadcast %add3A_388 : i32 to vector<16xi32>
          %add3A_390 = arith.addi %shift_right_arithmetic3A_91, %add3A_389 : vector<16xi32>
          %gather3A_391 = tpu.vector_load_idx %arg5[%add3A_110, %add3A_387] : memref<32x768xf32, #tpu.memory_space<vmem>>[vector<16xi32>, vector<16xi32>], vector<16xf32>,
          tpu.vector_store_idx %arg7[%add3A_390, %add3A_117], %gather3A_391 : memref<192x128xf32, #tpu.memory_space<vmem>>[vector<16xi32>, vector<16xi32>], vector<16xf32>,
          %gather3A_392 = tpu.vector_load_idx %arg5[%add3A_113, %add3A_387] : memref<32x768xf32, #tpu.memory_space<vmem>>[vector<16xi32>, vector<16xi32>], vector<16xf32>,
          tpu.vector_store_idx %arg7[%add3A_390, %add3A_121], %gather3A_392 : memref<192x128xf32, #tpu.memory_space<vmem>>[vector<16xi32>, vector<16xi32>], vector<16xf32>,
          %add3A_393 = arith.constant 544 : i32
          %add3A_394 = vector.broadcast %add3A_393 : i32 to vector<16xi32>
          %add3A_395 = arith.addi %iota3A, %add3A_394 : vector<16xi32>
          %add3A_396 = arith.constant 136 : i32
          %add3A_397 = vector.broadcast %add3A_396 : i32 to vector<16xi32>
          %add3A_398 = arith.addi %shift_right_arithmetic3A_91, %add3A_397 : vector<16xi32>
          %gather3A_399 = tpu.vector_load_idx %arg5[%add3A_110, %add3A_395] : memref<32x768xf32, #tpu.memory_space<vmem>>[vector<16xi32>, vector<16xi32>], vector<16xf32>,
          tpu.vector_store_idx %arg7[%add3A_398, %add3A_117], %gather3A_399 : memref<192x128xf32, #tpu.memory_space<vmem>>[vector<16xi32>, vector<16xi32>], vector<16xf32>,
          %gather3A_400 = tpu.vector_load_idx %arg5[%add3A_113, %add3A_395] : memref<32x768xf32, #tpu.memory_space<vmem>>[vector<16xi32>, vector<16xi32>], vector<16xf32>,
          tpu.vector_store_idx %arg7[%add3A_398, %add3A_121], %gather3A_400 : memref<192x128xf32, #tpu.memory_space<vmem>>[vector<16xi32>, vector<16xi32>], vector<16xf32>,
          %add3A_401 = arith.constant 560 : i32
          %add3A_402 = vector.broadcast %add3A_401 : i32 to vector<16xi32>
          %add3A_403 = arith.addi %iota3A, %add3A_402 : vector<16xi32>
          %add3A_404 = arith.constant 140 : i32
          %add3A_405 = vector.broadcast %add3A_404 : i32 to vector<16xi32>
          %add3A_406 = arith.addi %shift_right_arithmetic3A_91, %add3A_405 : vector<16xi32>
          %gather3A_407 = tpu.vector_load_idx %arg5[%add3A_110, %add3A_403] : memref<32x768xf32, #tpu.memory_space<vmem>>[vector<16xi32>, vector<16xi32>], vector<16xf32>,
          tpu.vector_store_idx %arg7[%add3A_406, %add3A_117], %gather3A_407 : memref<192x128xf32, #tpu.memory_space<vmem>>[vector<16xi32>, vector<16xi32>], vector<16xf32>,
          %gather3A_408 = tpu.vector_load_idx %arg5[%add3A_113, %add3A_403] : memref<32x768xf32, #tpu.memory_space<vmem>>[vector<16xi32>, vector<16xi32>], vector<16xf32>,
          tpu.vector_store_idx %arg7[%add3A_406, %add3A_121], %gather3A_408 : memref<192x128xf32, #tpu.memory_space<vmem>>[vector<16xi32>, vector<16xi32>], vector<16xf32>,
          %add3A_409 = arith.constant 576 : i32
          %add3A_410 = vector.broadcast %add3A_409 : i32 to vector<16xi32>
          %add3A_411 = arith.addi %iota3A, %add3A_410 : vector<16xi32>
          %add3A_412 = arith.constant 144 : i32
          %add3A_413 = vector.broadcast %add3A_412 : i32 to vector<16xi32>
          %add3A_414 = arith.addi %shift_right_arithmetic3A_91, %add3A_413 : vector<16xi32>
          %gather3A_415 = tpu.vector_load_idx %arg5[%add3A_110, %add3A_411] : memref<32x768xf32, #tpu.memory_space<vmem>>[vector<16xi32>, vector<16xi32>], vector<16xf32>,
          tpu.vector_store_idx %arg7[%add3A_414, %add3A_117], %gather3A_415 : memref<192x128xf32, #tpu.memory_space<vmem>>[vector<16xi32>, vector<16xi32>], vector<16xf32>,
          %gather3A_416 = tpu.vector_load_idx %arg5[%add3A_113, %add3A_411] : memref<32x768xf32, #tpu.memory_space<vmem>>[vector<16xi32>, vector<16xi32>], vector<16xf32>,
          tpu.vector_store_idx %arg7[%add3A_414, %add3A_121], %gather3A_416 : memref<192x128xf32, #tpu.memory_space<vmem>>[vector<16xi32>, vector<16xi32>], vector<16xf32>,
          %add3A_417 = arith.constant 592 : i32
          %add3A_418 = vector.broadcast %add3A_417 : i32 to vector<16xi32>
          %add3A_419 = arith.addi %iota3A, %add3A_418 : vector<16xi32>
          %add3A_420 = arith.constant 148 : i32
          %add3A_421 = vector.broadcast %add3A_420 : i32 to vector<16xi32>
          %add3A_422 = arith.addi %shift_right_arithmetic3A_91, %add3A_421 : vector<16xi32>
          %gather3A_423 = tpu.vector_load_idx %arg5[%add3A_110, %add3A_419] : memref<32x768xf32, #tpu.memory_space<vmem>>[vector<16xi32>, vector<16xi32>], vector<16xf32>,
          tpu.vector_store_idx %arg7[%add3A_422, %add3A_117], %gather3A_423 : memref<192x128xf32, #tpu.memory_space<vmem>>[vector<16xi32>, vector<16xi32>], vector<16xf32>,
          %gather3A_424 = tpu.vector_load_idx %arg5[%add3A_113, %add3A_419] : memref<32x768xf32, #tpu.memory_space<vmem>>[vector<16xi32>, vector<16xi32>], vector<16xf32>,
          tpu.vector_store_idx %arg7[%add3A_422, %add3A_121], %gather3A_424 : memref<192x128xf32, #tpu.memory_space<vmem>>[vector<16xi32>, vector<16xi32>], vector<16xf32>,
          %add3A_425 = arith.constant 608 : i32
          %add3A_426 = vector.broadcast %add3A_425 : i32 to vector<16xi32>
          %add3A_427 = arith.addi %iota3A, %add3A_426 : vector<16xi32>
          %add3A_428 = arith.constant 152 : i32
          %add3A_429 = vector.broadcast %add3A_428 : i32 to vector<16xi32>
          %add3A_430 = arith.addi %shift_right_arithmetic3A_91, %add3A_429 : vector<16xi32>
          %gather3A_431 = tpu.vector_load_idx %arg5[%add3A_110, %add3A_427] : memref<32x768xf32, #tpu.memory_space<vmem>>[vector<16xi32>, vector<16xi32>], vector<16xf32>,
          tpu.vector_store_idx %arg7[%add3A_430, %add3A_117], %gather3A_431 : memref<192x128xf32, #tpu.memory_space<vmem>>[vector<16xi32>, vector<16xi32>], vector<16xf32>,
          %gather3A_432 = tpu.vector_load_idx %arg5[%add3A_113, %add3A_427] : memref<32x768xf32, #tpu.memory_space<vmem>>[vector<16xi32>, vector<16xi32>], vector<16xf32>,
          tpu.vector_store_idx %arg7[%add3A_430, %add3A_121], %gather3A_432 : memref<192x128xf32, #tpu.memory_space<vmem>>[vector<16xi32>, vector<16xi32>], vector<16xf32>,
          %add3A_433 = arith.constant 624 : i32
          %add3A_434 = vector.broadcast %add3A_433 : i32 to vector<16xi32>
          %add3A_435 = arith.addi %iota3A, %add3A_434 : vector<16xi32>
          %add3A_436 = arith.constant 156 : i32
          %add3A_437 = vector.broadcast %add3A_436 : i32 to vector<16xi32>
          %add3A_438 = arith.addi %shift_right_arithmetic3A_91, %add3A_437 : vector<16xi32>
          %gather3A_439 = tpu.vector_load_idx %arg5[%add3A_110, %add3A_435] : memref<32x768xf32, #tpu.memory_space<vmem>>[vector<16xi32>, vector<16xi32>], vector<16xf32>,
          tpu.vector_store_idx %arg7[%add3A_438, %add3A_117], %gather3A_439 : memref<192x128xf32, #tpu.memory_space<vmem>>[vector<16xi32>, vector<16xi32>], vector<16xf32>,
          %gather3A_440 = tpu.vector_load_idx %arg5[%add3A_113, %add3A_435] : memref<32x768xf32, #tpu.memory_space<vmem>>[vector<16xi32>, vector<16xi32>], vector<16xf32>,
          tpu.vector_store_idx %arg7[%add3A_438, %add3A_121], %gather3A_440 : memref<192x128xf32, #tpu.memory_space<vmem>>[vector<16xi32>, vector<16xi32>], vector<16xf32>,
          %add3A_441 = arith.constant 640 : i32
          %add3A_442 = vector.broadcast %add3A_441 : i32 to vector<16xi32>
          %add3A_443 = arith.addi %iota3A, %add3A_442 : vector<16xi32>
          %add3A_444 = arith.constant 160 : i32
          %add3A_445 = vector.broadcast %add3A_444 : i32 to vector<16xi32>
          %add3A_446 = arith.addi %shift_right_arithmetic3A_91, %add3A_445 : vector<16xi32>
          %gather3A_447 = tpu.vector_load_idx %arg5[%add3A_110, %add3A_443] : memref<32x768xf32, #tpu.memory_space<vmem>>[vector<16xi32>, vector<16xi32>], vector<16xf32>,
          tpu.vector_store_idx %arg7[%add3A_446, %add3A_117], %gather3A_447 : memref<192x128xf32, #tpu.memory_space<vmem>>[vector<16xi32>, vector<16xi32>], vector<16xf32>,
          %gather3A_448 = tpu.vector_load_idx %arg5[%add3A_113, %add3A_443] : memref<32x768xf32, #tpu.memory_space<vmem>>[vector<16xi32>, vector<16xi32>], vector<16xf32>,
          tpu.vector_store_idx %arg7[%add3A_446, %add3A_121], %gather3A_448 : memref<192x128xf32, #tpu.memory_space<vmem>>[vector<16xi32>, vector<16xi32>], vector<16xf32>,
          %add3A_449 = arith.constant 656 : i32
          %add3A_450 = vector.broadcast %add3A_449 : i32 to vector<16xi32>
          %add3A_451 = arith.addi %iota3A, %add3A_450 : vector<16xi32>
          %add3A_452 = arith.constant 164 : i32
          %add3A_453 = vector.broadcast %add3A_452 : i32 to vector<16xi32>
          %add3A_454 = arith.addi %shift_right_arithmetic3A_91, %add3A_453 : vector<16xi32>
          %gather3A_455 = tpu.vector_load_idx %arg5[%add3A_110, %add3A_451] : memref<32x768xf32, #tpu.memory_space<vmem>>[vector<16xi32>, vector<16xi32>], vector<16xf32>,
          tpu.vector_store_idx %arg7[%add3A_454, %add3A_117], %gather3A_455 : memref<192x128xf32, #tpu.memory_space<vmem>>[vector<16xi32>, vector<16xi32>], vector<16xf32>,
          %gather3A_456 = tpu.vector_load_idx %arg5[%add3A_113, %add3A_451] : memref<32x768xf32, #tpu.memory_space<vmem>>[vector<16xi32>, vector<16xi32>], vector<16xf32>,
          tpu.vector_store_idx %arg7[%add3A_454, %add3A_121], %gather3A_456 : memref<192x128xf32, #tpu.memory_space<vmem>>[vector<16xi32>, vector<16xi32>], vector<16xf32>,
          %add3A_457 = arith.constant 672 : i32
          %add3A_458 = vector.broadcast %add3A_457 : i32 to vector<16xi32>
          %add3A_459 = arith.addi %iota3A, %add3A_458 : vector<16xi32>
          %add3A_460 = arith.constant 168 : i32
          %add3A_461 = vector.broadcast %add3A_460 : i32 to vector<16xi32>
          %add3A_462 = arith.addi %shift_right_arithmetic3A_91, %add3A_461 : vector<16xi32>
          %gather3A_463 = tpu.vector_load_idx %arg5[%add3A_110, %add3A_459] : memref<32x768xf32, #tpu.memory_space<vmem>>[vector<16xi32>, vector<16xi32>], vector<16xf32>,
          tpu.vector_store_idx %arg7[%add3A_462, %add3A_117], %gather3A_463 : memref<192x128xf32, #tpu.memory_space<vmem>>[vector<16xi32>, vector<16xi32>], vector<16xf32>,
          %gather3A_464 = tpu.vector_load_idx %arg5[%add3A_113, %add3A_459] : memref<32x768xf32, #tpu.memory_space<vmem>>[vector<16xi32>, vector<16xi32>], vector<16xf32>,
          tpu.vector_store_idx %arg7[%add3A_462, %add3A_121], %gather3A_464 : memref<192x128xf32, #tpu.memory_space<vmem>>[vector<16xi32>, vector<16xi32>], vector<16xf32>,
          %add3A_465 = arith.constant 688 : i32
          %add3A_466 = vector.broadcast %add3A_465 : i32 to vector<16xi32>
          %add3A_467 = arith.addi %iota3A, %add3A_466 : vector<16xi32>
          %add3A_468 = arith.constant 172 : i32
          %add3A_469 = vector.broadcast %add3A_468 : i32 to vector<16xi32>
          %add3A_470 = arith.addi %shift_right_arithmetic3A_91, %add3A_469 : vector<16xi32>
          %gather3A_471 = tpu.vector_load_idx %arg5[%add3A_110, %add3A_467] : memref<32x768xf32, #tpu.memory_space<vmem>>[vector<16xi32>, vector<16xi32>], vector<16xf32>,
          tpu.vector_store_idx %arg7[%add3A_470, %add3A_117], %gather3A_471 : memref<192x128xf32, #tpu.memory_space<vmem>>[vector<16xi32>, vector<16xi32>], vector<16xf32>,
          %gather3A_472 = tpu.vector_load_idx %arg5[%add3A_113, %add3A_467] : memref<32x768xf32, #tpu.memory_space<vmem>>[vector<16xi32>, vector<16xi32>], vector<16xf32>,
          tpu.vector_store_idx %arg7[%add3A_470, %add3A_121], %gather3A_472 : memref<192x128xf32, #tpu.memory_space<vmem>>[vector<16xi32>, vector<16xi32>], vector<16xf32>,
          %add3A_473 = arith.constant 704 : i32
          %add3A_474 = vector.broadcast %add3A_473 : i32 to vector<16xi32>
          %add3A_475 = arith.addi %iota3A, %add3A_474 : vector<16xi32>
          %add3A_476 = arith.constant 176 : i32
          %add3A_477 = vector.broadcast %add3A_476 : i32 to vector<16xi32>
          %add3A_478 = arith.addi %shift_right_arithmetic3A_91, %add3A_477 : vector<16xi32>
          %gather3A_479 = tpu.vector_load_idx %arg5[%add3A_110, %add3A_475] : memref<32x768xf32, #tpu.memory_space<vmem>>[vector<16xi32>, vector<16xi32>], vector<16xf32>,
          tpu.vector_store_idx %arg7[%add3A_478, %add3A_117], %gather3A_479 : memref<192x128xf32, #tpu.memory_space<vmem>>[vector<16xi32>, vector<16xi32>], vector<16xf32>,
          %gather3A_480 = tpu.vector_load_idx %arg5[%add3A_113, %add3A_475] : memref<32x768xf32, #tpu.memory_space<vmem>>[vector<16xi32>, vector<16xi32>], vector<16xf32>,
          tpu.vector_store_idx %arg7[%add3A_478, %add3A_121], %gather3A_480 : memref<192x128xf32, #tpu.memory_space<vmem>>[vector<16xi32>, vector<16xi32>], vector<16xf32>,
          %add3A_481 = arith.constant 720 : i32
          %add3A_482 = vector.broadcast %add3A_481 : i32 to vector<16xi32>
          %add3A_483 = arith.addi %iota3A, %add3A_482 : vector<16xi32>
          %add3A_484 = arith.constant 180 : i32
          %add3A_485 = vector.broadcast %add3A_484 : i32 to vector<16xi32>
          %add3A_486 = arith.addi %shift_right_arithmetic3A_91, %add3A_485 : vector<16xi32>
          %gather3A_487 = tpu.vector_load_idx %arg5[%add3A_110, %add3A_483] : memref<32x768xf32, #tpu.memory_space<vmem>>[vector<16xi32>, vector<16xi32>], vector<16xf32>,
          tpu.vector_store_idx %arg7[%add3A_486, %add3A_117], %gather3A_487 : memref<192x128xf32, #tpu.memory_space<vmem>>[vector<16xi32>, vector<16xi32>], vector<16xf32>,
          %gather3A_488 = tpu.vector_load_idx %arg5[%add3A_113, %add3A_483] : memref<32x768xf32, #tpu.memory_space<vmem>>[vector<16xi32>, vector<16xi32>], vector<16xf32>,
          tpu.vector_store_idx %arg7[%add3A_486, %add3A_121], %gather3A_488 : memref<192x128xf32, #tpu.memory_space<vmem>>[vector<16xi32>, vector<16xi32>], vector<16xf32>,
          %add3A_489 = arith.constant 736 : i32
          %add3A_490 = vector.broadcast %add3A_489 : i32 to vector<16xi32>
          %add3A_491 = arith.addi %iota3A, %add3A_490 : vector<16xi32>
          %add3A_492 = arith.constant 184 : i32
          %add3A_493 = vector.broadcast %add3A_492 : i32 to vector<16xi32>
          %add3A_494 = arith.addi %shift_right_arithmetic3A_91, %add3A_493 : vector<16xi32>
          %gather3A_495 = tpu.vector_load_idx %arg5[%add3A_110, %add3A_491] : memref<32x768xf32, #tpu.memory_space<vmem>>[vector<16xi32>, vector<16xi32>], vector<16xf32>,
          tpu.vector_store_idx %arg7[%add3A_494, %add3A_117], %gather3A_495 : memref<192x128xf32, #tpu.memory_space<vmem>>[vector<16xi32>, vector<16xi32>], vector<16xf32>,
          %gather3A_496 = tpu.vector_load_idx %arg5[%add3A_113, %add3A_491] : memref<32x768xf32, #tpu.memory_space<vmem>>[vector<16xi32>, vector<16xi32>], vector<16xf32>,
          tpu.vector_store_idx %arg7[%add3A_494, %add3A_121], %gather3A_496 : memref<192x128xf32, #tpu.memory_space<vmem>>[vector<16xi32>, vector<16xi32>], vector<16xf32>,
          %add3A_497 = arith.constant 752 : i32
          %add3A_498 = vector.broadcast %add3A_497 : i32 to vector<16xi32>
          %add3A_499 = arith.addi %iota3A, %add3A_498 : vector<16xi32>
          %add3A_500 = arith.constant 188 : i32
          %add3A_501 = vector.broadcast %add3A_500 : i32 to vector<16xi32>
          %add3A_502 = arith.addi %shift_right_arithmetic3A_91, %add3A_501 : vector<16xi32>
          %gather3A_503 = tpu.vector_load_idx %arg5[%add3A_110, %add3A_499] : memref<32x768xf32, #tpu.memory_space<vmem>>[vector<16xi32>, vector<16xi32>], vector<16xf32>,
          tpu.vector_store_idx %arg7[%add3A_502, %add3A_117], %gather3A_503 : memref<192x128xf32, #tpu.memory_space<vmem>>[vector<16xi32>, vector<16xi32>], vector<16xf32>,
          %gather3A_504 = tpu.vector_load_idx %arg5[%add3A_113, %add3A_499] : memref<32x768xf32, #tpu.memory_space<vmem>>[vector<16xi32>, vector<16xi32>], vector<16xf32>,
          tpu.vector_store_idx %arg7[%add3A_502, %add3A_121], %gather3A_504 : memref<192x128xf32, #tpu.memory_space<vmem>>[vector<16xi32>, vector<16xi32>], vector<16xf32>,
        }
        %scan3A_96 = arith.constant 16 : i32
        %mul3A_97 = arith.constant 192 : i32
        %mul3A_98 = arith.muli %add3A_38, %mul3A_97 : i32
        %multiple_of3A = tpu.assume_multiple %mul3A_98, 16 : i32
        %dma_start3A = arith.constant 0 : i32
        %dma_start3A_99 = tpu.memref_slice %arg4[%multiple_of3A, %dma_start3A] : memref<250000x128xf32, #tpu.memory_space<hbm>> -> memref<192x128xf32, #tpu.memory_space<hbm>>
        %dma_start3A_100 = arith.constant 0 : i32
        %dma_start3A_101 = tpu.memref_slice %arg4[%multiple_of3A, %dma_start3A_100] : memref<250000x128xf32, #tpu.memory_space<hbm>> -> memref<192x128xf32, #tpu.memory_space<hbm>>
        tpu.enqueue_dma source(%arg7 : memref<192x128xf32, #tpu.memory_space<vmem>>) target(%dma_start3A_101 : memref<192x128xf32, #tpu.memory_space<hbm>>) target_semaphore(%arg12 : memref<!tpu.dma_semaphore, #tpu.memory_space<semaphore_mem>>)
      } else {
      }
      %add3A_44 = arith.constant 2 : i32
      %add3A_45 = arith.addi %add3A_35, %add3A_44 : i32
      %mul3A_46 = arith.constant 32 : i32
      %mul3A_47 = arith.muli %add3A_45, %mul3A_46 : i32
      %add3A_48 = arith.addi %mul3A_47, %add3A : i32
      %lt3A_49 = arith.constant 1302 : i32
      %lt3A_50 = arith.cmpi slt, %add3A_48, %lt3A_49 : i32
      %convert_element_type3A_51 = arith.extui %lt3A_50 : i1 to i32
      %cond3A_52 = arith.constant 0 : i32
      %cond3A_53 = arith.cmpi ne, %convert_element_type3A_51, %cond3A_52 : i32
      scf.if %cond3A_53 {
        %mul3A_76 = arith.constant 768 : i32
        %mul3A_77 = arith.muli %add3A_48, %mul3A_76 : i32
        %multiple_of3A = tpu.assume_multiple %mul3A_77, 768 : i32
        %dma_start3A = arith.constant 0 : i32
        %dma_start3A_78 = tpu.memref_slice %arg2[%dma_start3A, %multiple_of3A] : memref<32x1000000xf32, #tpu.memory_space<hbm>> -> memref<32x768xf32, #tpu.memory_space<hbm>>
        %dma_start3A_79 = arith.constant 0 : i32
        %dma_start3A_80 = tpu.memref_slice %arg2[%dma_start3A_79, %multiple_of3A] : memref<32x1000000xf32, #tpu.memory_space<hbm>> -> memref<32x768xf32, #tpu.memory_space<hbm>>
        tpu.enqueue_dma source(%dma_start3A_80 : memref<32x768xf32, #tpu.memory_space<hbm>>) target(%arg5 : memref<32x768xf32, #tpu.memory_space<vmem>>) target_semaphore(%arg10 : memref<!tpu.dma_semaphore, #tpu.memory_space<semaphore_mem>>)
      } else {
      }
      %mul3A_54 = arith.constant 2 : i32
      %mul3A_55 = arith.muli %mul3A_54, %scan3A_31 : i32
      %add3A_56 = arith.constant 1 : i32
      %add3A_57 = arith.addi %mul3A_55, %add3A_56 : i32
      %mul3A_58 = arith.constant 32 : i32
      %mul3A_59 = arith.muli %add3A_57, %mul3A_58 : i32
      %add3A_60 = arith.addi %mul3A_59, %add3A : i32
      %lt3A_61 = arith.constant 1302 : i32
      %lt3A_62 = arith.cmpi slt, %add3A_60, %lt3A_61 : i32
      %convert_element_type3A_63 = arith.extui %lt3A_62 : i1 to i32
      %cond3A_64 = arith.constant 0 : i32
      %cond3A_65 = arith.cmpi ne, %convert_element_type3A_63, %cond3A_64 : i32
      scf.if %cond3A_65 {
        %dma_wait3A_76 = arith.constant 0 : i32
        %dma_wait3A_77 = arith.constant 0 : i32
        %dma_wait3A_78 = tpu.memref_slice %arg2[%dma_wait3A_76, %dma_wait3A_77] : memref<32x1000000xf32, #tpu.memory_space<hbm>> -> memref<32x768xf32, #tpu.memory_space<hbm>>
        %dma_wait3A_79 = arith.constant 0 : i32
        %dma_wait3A_80 = arith.constant 0 : i32
        %dma_wait3A_81 = tpu.memref_slice %arg2[%dma_wait3A_79, %dma_wait3A_80] : memref<32x1000000xf32, #tpu.memory_space<hbm>> -> memref<32x768xf32, #tpu.memory_space<hbm>>
        tpu.wait_dma2 semaphore(%arg11 : memref<!tpu.dma_semaphore, #tpu.memory_space<semaphore_mem>>) src(%dma_wait3A_81 : memref<32x768xf32, #tpu.memory_space<hbm>>) dst(%arg6 : memref<32x768xf32, #tpu.memory_space<vmem>>)
        %ge3A = arith.constant 2 : i32
        %ge3A_82 = arith.cmpi sge, %add3A_57, %ge3A : i32
        %convert_element_type3A_83 = arith.extui %ge3A_82 : i1 to i32
        %cond3A_84 = arith.constant 0 : i32
        %cond3A_85 = arith.cmpi ne, %convert_element_type3A_83, %cond3A_84 : i32
        scf.if %cond3A_85 {
          %dma_wait3A_102 = arith.constant 0 : i32
          %dma_wait3A_103 = arith.constant 0 : i32
          %dma_wait3A_104 = tpu.memref_slice %arg4[%dma_wait3A_102, %dma_wait3A_103] : memref<250000x128xf32, #tpu.memory_space<hbm>> -> memref<192x128xf32, #tpu.memory_space<hbm>>
          %dma_wait3A_105 = arith.constant 0 : i32
          %dma_wait3A_106 = arith.constant 0 : i32
          %dma_wait3A_107 = tpu.memref_slice %arg4[%dma_wait3A_105, %dma_wait3A_106] : memref<250000x128xf32, #tpu.memory_space<hbm>> -> memref<192x128xf32, #tpu.memory_space<hbm>>
          tpu.wait_dma2 semaphore(%arg13 : memref<!tpu.dma_semaphore, #tpu.memory_space<semaphore_mem>>) src(%arg8 : memref<192x128xf32, #tpu.memory_space<vmem>>) dst(%dma_wait3A_107 : memref<192x128xf32, #tpu.memory_space<hbm>>)
        } else {
        }
        %iota3A = tpu.iota {dimensions = array<i32: 0>} : vector<16xi32>
        %and3A = arith.constant 3 : i32
        %and3A_86 = vector.broadcast %and3A : i32 to vector<16xi32>
        %and3A_87 = arith.andi %iota3A, %and3A_86 : vector<16xi32>
        %shift_left3A = arith.constant 5 : i32
        %shift_left3A_88 = vector.broadcast %shift_left3A : i32 to vector<16xi32>
        %shift_left3A_89 = arith.shli %and3A_87, %shift_left3A_88 : vector<16xi32>
        %shift_right_arithmetic3A = arith.constant 2 : i32
        %shift_right_arithmetic3A_90 = vector.broadcast %shift_right_arithmetic3A : i32 to vector<16xi32>
        %shift_right_arithmetic3A_91 = arith.shrsi %iota3A, %shift_right_arithmetic3A_90 : vector<16xi32>
        %scan3A_92 = arith.constant 0 : i32
        %scan3A_93 = arith.constant 16 : i32
        %scan3A_94 = arith.addi %scan3A_92, %scan3A_93 : i32
        %scan3A_95 = arith.constant 1 : i32
        scf.for %scan3A_102 = %scan3A_92 to %scan3A_94 step %scan3A_95  : i32 {
          %add3A_103 = vector.broadcast %scan3A_102 : i32 to vector<16xi32>
          %add3A_104 = arith.addi %iota3A, %add3A_103 : vector<16xi32>
          %and3A_105 = arith.constant 15 : i32
          %and3A_106 = vector.broadcast %and3A_105 : i32 to vector<16xi32>
          %and3A_107 = arith.andi %add3A_104, %and3A_106 : vector<16xi32>
          %add3A_108 = arith.constant 0 : i32
          %add3A_109 = vector.broadcast %add3A_108 : i32 to vector<16xi32>
          %add3A_110 = arith.addi %and3A_107, %add3A_109 : vector<16xi32>
          %add3A_111 = arith.constant 16 : i32
          %add3A_112 = vector.broadcast %add3A_111 : i32 to vector<16xi32>
          %add3A_113 = arith.addi %and3A_107, %add3A_112 : vector<16xi32>
          %add3A_114 = arith.addi %shift_left3A_89, %and3A_107 : vector<16xi32>
          %add3A_115 = arith.constant 0 : i32
          %add3A_116 = vector.broadcast %add3A_115 : i32 to vector<16xi32>
          %add3A_117 = arith.addi %add3A_114, %add3A_116 : vector<16xi32>
          %add3A_118 = arith.addi %shift_left3A_89, %and3A_107 : vector<16xi32>
          %add3A_119 = arith.constant 16 : i32
          %add3A_120 = vector.broadcast %add3A_119 : i32 to vector<16xi32>
          %add3A_121 = arith.addi %add3A_118, %add3A_120 : vector<16xi32>
          %add3A_122 = arith.constant 0 : i32
          %add3A_123 = vector.broadcast %add3A_122 : i32 to vector<16xi32>
          %add3A_124 = arith.addi %iota3A, %add3A_123 : vector<16xi32>
          %add3A_125 = arith.constant 0 : i32
          %add3A_126 = vector.broadcast %add3A_125 : i32 to vector<16xi32>
          %add3A_127 = arith.addi %shift_right_arithmetic3A_91, %add3A_126 : vector<16xi32>
          %gather3A = tpu.vector_load_idx %arg6[%add3A_110, %add3A_124] : memref<32x768xf32, #tpu.memory_space<vmem>>[vector<16xi32>, vector<16xi32>], vector<16xf32>,
          tpu.vector_store_idx %arg8[%add3A_127, %add3A_117], %gather3A : memref<192x128xf32, #tpu.memory_space<vmem>>[vector<16xi32>, vector<16xi32>], vector<16xf32>,
          %gather3A_128 = tpu.vector_load_idx %arg6[%add3A_113, %add3A_124] : memref<32x768xf32, #tpu.memory_space<vmem>>[vector<16xi32>, vector<16xi32>], vector<16xf32>,
          tpu.vector_store_idx %arg8[%add3A_127, %add3A_121], %gather3A_128 : memref<192x128xf32, #tpu.memory_space<vmem>>[vector<16xi32>, vector<16xi32>], vector<16xf32>,
          %add3A_129 = arith.constant 16 : i32
          %add3A_130 = vector.broadcast %add3A_129 : i32 to vector<16xi32>
          %add3A_131 = arith.addi %iota3A, %add3A_130 : vector<16xi32>
          %add3A_132 = arith.constant 4 : i32
          %add3A_133 = vector.broadcast %add3A_132 : i32 to vector<16xi32>
          %add3A_134 = arith.addi %shift_right_arithmetic3A_91, %add3A_133 : vector<16xi32>
          %gather3A_135 = tpu.vector_load_idx %arg6[%add3A_110, %add3A_131] : memref<32x768xf32, #tpu.memory_space<vmem>>[vector<16xi32>, vector<16xi32>], vector<16xf32>,
          tpu.vector_store_idx %arg8[%add3A_134, %add3A_117], %gather3A_135 : memref<192x128xf32, #tpu.memory_space<vmem>>[vector<16xi32>, vector<16xi32>], vector<16xf32>,
          %gather3A_136 = tpu.vector_load_idx %arg6[%add3A_113, %add3A_131] : memref<32x768xf32, #tpu.memory_space<vmem>>[vector<16xi32>, vector<16xi32>], vector<16xf32>,
          tpu.vector_store_idx %arg8[%add3A_134, %add3A_121], %gather3A_136 : memref<192x128xf32, #tpu.memory_space<vmem>>[vector<16xi32>, vector<16xi32>], vector<16xf32>,
          %add3A_137 = arith.constant 32 : i32
          %add3A_138 = vector.broadcast %add3A_137 : i32 to vector<16xi32>
          %add3A_139 = arith.addi %iota3A, %add3A_138 : vector<16xi32>
          %add3A_140 = arith.constant 8 : i32
          %add3A_141 = vector.broadcast %add3A_140 : i32 to vector<16xi32>
          %add3A_142 = arith.addi %shift_right_arithmetic3A_91, %add3A_141 : vector<16xi32>
          %gather3A_143 = tpu.vector_load_idx %arg6[%add3A_110, %add3A_139] : memref<32x768xf32, #tpu.memory_space<vmem>>[vector<16xi32>, vector<16xi32>], vector<16xf32>,
          tpu.vector_store_idx %arg8[%add3A_142, %add3A_117], %gather3A_143 : memref<192x128xf32, #tpu.memory_space<vmem>>[vector<16xi32>, vector<16xi32>], vector<16xf32>,
          %gather3A_144 = tpu.vector_load_idx %arg6[%add3A_113, %add3A_139] : memref<32x768xf32, #tpu.memory_space<vmem>>[vector<16xi32>, vector<16xi32>], vector<16xf32>,
          tpu.vector_store_idx %arg8[%add3A_142, %add3A_121], %gather3A_144 : memref<192x128xf32, #tpu.memory_space<vmem>>[vector<16xi32>, vector<16xi32>], vector<16xf32>,
          %add3A_145 = arith.constant 48 : i32
          %add3A_146 = vector.broadcast %add3A_145 : i32 to vector<16xi32>
          %add3A_147 = arith.addi %iota3A, %add3A_146 : vector<16xi32>
          %add3A_148 = arith.constant 12 : i32
          %add3A_149 = vector.broadcast %add3A_148 : i32 to vector<16xi32>
          %add3A_150 = arith.addi %shift_right_arithmetic3A_91, %add3A_149 : vector<16xi32>
          %gather3A_151 = tpu.vector_load_idx %arg6[%add3A_110, %add3A_147] : memref<32x768xf32, #tpu.memory_space<vmem>>[vector<16xi32>, vector<16xi32>], vector<16xf32>,
          tpu.vector_store_idx %arg8[%add3A_150, %add3A_117], %gather3A_151 : memref<192x128xf32, #tpu.memory_space<vmem>>[vector<16xi32>, vector<16xi32>], vector<16xf32>,
          %gather3A_152 = tpu.vector_load_idx %arg6[%add3A_113, %add3A_147] : memref<32x768xf32, #tpu.memory_space<vmem>>[vector<16xi32>, vector<16xi32>], vector<16xf32>,
          tpu.vector_store_idx %arg8[%add3A_150, %add3A_121], %gather3A_152 : memref<192x128xf32, #tpu.memory_space<vmem>>[vector<16xi32>, vector<16xi32>], vector<16xf32>,
          %add3A_153 = arith.constant 64 : i32
          %add3A_154 = vector.broadcast %add3A_153 : i32 to vector<16xi32>
          %add3A_155 = arith.addi %iota3A, %add3A_154 : vector<16xi32>
          %add3A_156 = arith.constant 16 : i32
          %add3A_157 = vector.broadcast %add3A_156 : i32 to vector<16xi32>
          %add3A_158 = arith.addi %shift_right_arithmetic3A_91, %add3A_157 : vector<16xi32>
          %gather3A_159 = tpu.vector_load_idx %arg6[%add3A_110, %add3A_155] : memref<32x768xf32, #tpu.memory_space<vmem>>[vector<16xi32>, vector<16xi32>], vector<16xf32>,
          tpu.vector_store_idx %arg8[%add3A_158, %add3A_117], %gather3A_159 : memref<192x128xf32, #tpu.memory_space<vmem>>[vector<16xi32>, vector<16xi32>], vector<16xf32>,
          %gather3A_160 = tpu.vector_load_idx %arg6[%add3A_113, %add3A_155] : memref<32x768xf32, #tpu.memory_space<vmem>>[vector<16xi32>, vector<16xi32>], vector<16xf32>,
          tpu.vector_store_idx %arg8[%add3A_158, %add3A_121], %gather3A_160 : memref<192x128xf32, #tpu.memory_space<vmem>>[vector<16xi32>, vector<16xi32>], vector<16xf32>,
          %add3A_161 = arith.constant 80 : i32
          %add3A_162 = vector.broadcast %add3A_161 : i32 to vector<16xi32>
          %add3A_163 = arith.addi %iota3A, %add3A_162 : vector<16xi32>
          %add3A_164 = arith.constant 20 : i32
          %add3A_165 = vector.broadcast %add3A_164 : i32 to vector<16xi32>
          %add3A_166 = arith.addi %shift_right_arithmetic3A_91, %add3A_165 : vector<16xi32>
          %gather3A_167 = tpu.vector_load_idx %arg6[%add3A_110, %add3A_163] : memref<32x768xf32, #tpu.memory_space<vmem>>[vector<16xi32>, vector<16xi32>], vector<16xf32>,
          tpu.vector_store_idx %arg8[%add3A_166, %add3A_117], %gather3A_167 : memref<192x128xf32, #tpu.memory_space<vmem>>[vector<16xi32>, vector<16xi32>], vector<16xf32>,
          %gather3A_168 = tpu.vector_load_idx %arg6[%add3A_113, %add3A_163] : memref<32x768xf32, #tpu.memory_space<vmem>>[vector<16xi32>, vector<16xi32>], vector<16xf32>,
          tpu.vector_store_idx %arg8[%add3A_166, %add3A_121], %gather3A_168 : memref<192x128xf32, #tpu.memory_space<vmem>>[vector<16xi32>, vector<16xi32>], vector<16xf32>,
          %add3A_169 = arith.constant 96 : i32
          %add3A_170 = vector.broadcast %add3A_169 : i32 to vector<16xi32>
          %add3A_171 = arith.addi %iota3A, %add3A_170 : vector<16xi32>
          %add3A_172 = arith.constant 24 : i32
          %add3A_173 = vector.broadcast %add3A_172 : i32 to vector<16xi32>
          %add3A_174 = arith.addi %shift_right_arithmetic3A_91, %add3A_173 : vector<16xi32>
          %gather3A_175 = tpu.vector_load_idx %arg6[%add3A_110, %add3A_171] : memref<32x768xf32, #tpu.memory_space<vmem>>[vector<16xi32>, vector<16xi32>], vector<16xf32>,
          tpu.vector_store_idx %arg8[%add3A_174, %add3A_117], %gather3A_175 : memref<192x128xf32, #tpu.memory_space<vmem>>[vector<16xi32>, vector<16xi32>], vector<16xf32>,
          %gather3A_176 = tpu.vector_load_idx %arg6[%add3A_113, %add3A_171] : memref<32x768xf32, #tpu.memory_space<vmem>>[vector<16xi32>, vector<16xi32>], vector<16xf32>,
          tpu.vector_store_idx %arg8[%add3A_174, %add3A_121], %gather3A_176 : memref<192x128xf32, #tpu.memory_space<vmem>>[vector<16xi32>, vector<16xi32>], vector<16xf32>,
          %add3A_177 = arith.constant 112 : i32
          %add3A_178 = vector.broadcast %add3A_177 : i32 to vector<16xi32>
          %add3A_179 = arith.addi %iota3A, %add3A_178 : vector<16xi32>
          %add3A_180 = arith.constant 28 : i32
          %add3A_181 = vector.broadcast %add3A_180 : i32 to vector<16xi32>
          %add3A_182 = arith.addi %shift_right_arithmetic3A_91, %add3A_181 : vector<16xi32>
          %gather3A_183 = tpu.vector_load_idx %arg6[%add3A_110, %add3A_179] : memref<32x768xf32, #tpu.memory_space<vmem>>[vector<16xi32>, vector<16xi32>], vector<16xf32>,
          tpu.vector_store_idx %arg8[%add3A_182, %add3A_117], %gather3A_183 : memref<192x128xf32, #tpu.memory_space<vmem>>[vector<16xi32>, vector<16xi32>], vector<16xf32>,
          %gather3A_184 = tpu.vector_load_idx %arg6[%add3A_113, %add3A_179] : memref<32x768xf32, #tpu.memory_space<vmem>>[vector<16xi32>, vector<16xi32>], vector<16xf32>,
          tpu.vector_store_idx %arg8[%add3A_182, %add3A_121], %gather3A_184 : memref<192x128xf32, #tpu.memory_space<vmem>>[vector<16xi32>, vector<16xi32>], vector<16xf32>,
          %add3A_185 = arith.constant 128 : i32
          %add3A_186 = vector.broadcast %add3A_185 : i32 to vector<16xi32>
          %add3A_187 = arith.addi %iota3A, %add3A_186 : vector<16xi32>
          %add3A_188 = arith.constant 32 : i32
          %add3A_189 = vector.broadcast %add3A_188 : i32 to vector<16xi32>
          %add3A_190 = arith.addi %shift_right_arithmetic3A_91, %add3A_189 : vector<16xi32>
          %gather3A_191 = tpu.vector_load_idx %arg6[%add3A_110, %add3A_187] : memref<32x768xf32, #tpu.memory_space<vmem>>[vector<16xi32>, vector<16xi32>], vector<16xf32>,
          tpu.vector_store_idx %arg8[%add3A_190, %add3A_117], %gather3A_191 : memref<192x128xf32, #tpu.memory_space<vmem>>[vector<16xi32>, vector<16xi32>], vector<16xf32>,
          %gather3A_192 = tpu.vector_load_idx %arg6[%add3A_113, %add3A_187] : memref<32x768xf32, #tpu.memory_space<vmem>>[vector<16xi32>, vector<16xi32>], vector<16xf32>,
          tpu.vector_store_idx %arg8[%add3A_190, %add3A_121], %gather3A_192 : memref<192x128xf32, #tpu.memory_space<vmem>>[vector<16xi32>, vector<16xi32>], vector<16xf32>,
          %add3A_193 = arith.constant 144 : i32
          %add3A_194 = vector.broadcast %add3A_193 : i32 to vector<16xi32>
          %add3A_195 = arith.addi %iota3A, %add3A_194 : vector<16xi32>
          %add3A_196 = arith.constant 36 : i32
          %add3A_197 = vector.broadcast %add3A_196 : i32 to vector<16xi32>
          %add3A_198 = arith.addi %shift_right_arithmetic3A_91, %add3A_197 : vector<16xi32>
          %gather3A_199 = tpu.vector_load_idx %arg6[%add3A_110, %add3A_195] : memref<32x768xf32, #tpu.memory_space<vmem>>[vector<16xi32>, vector<16xi32>], vector<16xf32>,
          tpu.vector_store_idx %arg8[%add3A_198, %add3A_117], %gather3A_199 : memref<192x128xf32, #tpu.memory_space<vmem>>[vector<16xi32>, vector<16xi32>], vector<16xf32>,
          %gather3A_200 = tpu.vector_load_idx %arg6[%add3A_113, %add3A_195] : memref<32x768xf32, #tpu.memory_space<vmem>>[vector<16xi32>, vector<16xi32>], vector<16xf32>,
          tpu.vector_store_idx %arg8[%add3A_198, %add3A_121], %gather3A_200 : memref<192x128xf32, #tpu.memory_space<vmem>>[vector<16xi32>, vector<16xi32>], vector<16xf32>,
          %add3A_201 = arith.constant 160 : i32
          %add3A_202 = vector.broadcast %add3A_201 : i32 to vector<16xi32>
          %add3A_203 = arith.addi %iota3A, %add3A_202 : vector<16xi32>
          %add3A_204 = arith.constant 40 : i32
          %add3A_205 = vector.broadcast %add3A_204 : i32 to vector<16xi32>
          %add3A_206 = arith.addi %shift_right_arithmetic3A_91, %add3A_205 : vector<16xi32>
          %gather3A_207 = tpu.vector_load_idx %arg6[%add3A_110, %add3A_203] : memref<32x768xf32, #tpu.memory_space<vmem>>[vector<16xi32>, vector<16xi32>], vector<16xf32>,
          tpu.vector_store_idx %arg8[%add3A_206, %add3A_117], %gather3A_207 : memref<192x128xf32, #tpu.memory_space<vmem>>[vector<16xi32>, vector<16xi32>], vector<16xf32>,
          %gather3A_208 = tpu.vector_load_idx %arg6[%add3A_113, %add3A_203] : memref<32x768xf32, #tpu.memory_space<vmem>>[vector<16xi32>, vector<16xi32>], vector<16xf32>,
          tpu.vector_store_idx %arg8[%add3A_206, %add3A_121], %gather3A_208 : memref<192x128xf32, #tpu.memory_space<vmem>>[vector<16xi32>, vector<16xi32>], vector<16xf32>,
          %add3A_209 = arith.constant 176 : i32
          %add3A_210 = vector.broadcast %add3A_209 : i32 to vector<16xi32>
          %add3A_211 = arith.addi %iota3A, %add3A_210 : vector<16xi32>
          %add3A_212 = arith.constant 44 : i32
          %add3A_213 = vector.broadcast %add3A_212 : i32 to vector<16xi32>
          %add3A_214 = arith.addi %shift_right_arithmetic3A_91, %add3A_213 : vector<16xi32>
          %gather3A_215 = tpu.vector_load_idx %arg6[%add3A_110, %add3A_211] : memref<32x768xf32, #tpu.memory_space<vmem>>[vector<16xi32>, vector<16xi32>], vector<16xf32>,
          tpu.vector_store_idx %arg8[%add3A_214, %add3A_117], %gather3A_215 : memref<192x128xf32, #tpu.memory_space<vmem>>[vector<16xi32>, vector<16xi32>], vector<16xf32>,
          %gather3A_216 = tpu.vector_load_idx %arg6[%add3A_113, %add3A_211] : memref<32x768xf32, #tpu.memory_space<vmem>>[vector<16xi32>, vector<16xi32>], vector<16xf32>,
          tpu.vector_store_idx %arg8[%add3A_214, %add3A_121], %gather3A_216 : memref<192x128xf32, #tpu.memory_space<vmem>>[vector<16xi32>, vector<16xi32>], vector<16xf32>,
          %add3A_217 = arith.constant 192 : i32
          %add3A_218 = vector.broadcast %add3A_217 : i32 to vector<16xi32>
          %add3A_219 = arith.addi %iota3A, %add3A_218 : vector<16xi32>
          %add3A_220 = arith.constant 48 : i32
          %add3A_221 = vector.broadcast %add3A_220 : i32 to vector<16xi32>
          %add3A_222 = arith.addi %shift_right_arithmetic3A_91, %add3A_221 : vector<16xi32>
          %gather3A_223 = tpu.vector_load_idx %arg6[%add3A_110, %add3A_219] : memref<32x768xf32, #tpu.memory_space<vmem>>[vector<16xi32>, vector<16xi32>], vector<16xf32>,
          tpu.vector_store_idx %arg8[%add3A_222, %add3A_117], %gather3A_223 : memref<192x128xf32, #tpu.memory_space<vmem>>[vector<16xi32>, vector<16xi32>], vector<16xf32>,
          %gather3A_224 = tpu.vector_load_idx %arg6[%add3A_113, %add3A_219] : memref<32x768xf32, #tpu.memory_space<vmem>>[vector<16xi32>, vector<16xi32>], vector<16xf32>,
          tpu.vector_store_idx %arg8[%add3A_222, %add3A_121], %gather3A_224 : memref<192x128xf32, #tpu.memory_space<vmem>>[vector<16xi32>, vector<16xi32>], vector<16xf32>,
          %add3A_225 = arith.constant 208 : i32
          %add3A_226 = vector.broadcast %add3A_225 : i32 to vector<16xi32>
          %add3A_227 = arith.addi %iota3A, %add3A_226 : vector<16xi32>
          %add3A_228 = arith.constant 52 : i32
          %add3A_229 = vector.broadcast %add3A_228 : i32 to vector<16xi32>
          %add3A_230 = arith.addi %shift_right_arithmetic3A_91, %add3A_229 : vector<16xi32>
          %gather3A_231 = tpu.vector_load_idx %arg6[%add3A_110, %add3A_227] : memref<32x768xf32, #tpu.memory_space<vmem>>[vector<16xi32>, vector<16xi32>], vector<16xf32>,
          tpu.vector_store_idx %arg8[%add3A_230, %add3A_117], %gather3A_231 : memref<192x128xf32, #tpu.memory_space<vmem>>[vector<16xi32>, vector<16xi32>], vector<16xf32>,
          %gather3A_232 = tpu.vector_load_idx %arg6[%add3A_113, %add3A_227] : memref<32x768xf32, #tpu.memory_space<vmem>>[vector<16xi32>, vector<16xi32>], vector<16xf32>,
          tpu.vector_store_idx %arg8[%add3A_230, %add3A_121], %gather3A_232 : memref<192x128xf32, #tpu.memory_space<vmem>>[vector<16xi32>, vector<16xi32>], vector<16xf32>,
          %add3A_233 = arith.constant 224 : i32
          %add3A_234 = vector.broadcast %add3A_233 : i32 to vector<16xi32>
          %add3A_235 = arith.addi %iota3A, %add3A_234 : vector<16xi32>
          %add3A_236 = arith.constant 56 : i32
          %add3A_237 = vector.broadcast %add3A_236 : i32 to vector<16xi32>
          %add3A_238 = arith.addi %shift_right_arithmetic3A_91, %add3A_237 : vector<16xi32>
          %gather3A_239 = tpu.vector_load_idx %arg6[%add3A_110, %add3A_235] : memref<32x768xf32, #tpu.memory_space<vmem>>[vector<16xi32>, vector<16xi32>], vector<16xf32>,
          tpu.vector_store_idx %arg8[%add3A_238, %add3A_117], %gather3A_239 : memref<192x128xf32, #tpu.memory_space<vmem>>[vector<16xi32>, vector<16xi32>], vector<16xf32>,
          %gather3A_240 = tpu.vector_load_idx %arg6[%add3A_113, %add3A_235] : memref<32x768xf32, #tpu.memory_space<vmem>>[vector<16xi32>, vector<16xi32>], vector<16xf32>,
          tpu.vector_store_idx %arg8[%add3A_238, %add3A_121], %gather3A_240 : memref<192x128xf32, #tpu.memory_space<vmem>>[vector<16xi32>, vector<16xi32>], vector<16xf32>,
          %add3A_241 = arith.constant 240 : i32
          %add3A_242 = vector.broadcast %add3A_241 : i32 to vector<16xi32>
          %add3A_243 = arith.addi %iota3A, %add3A_242 : vector<16xi32>
          %add3A_244 = arith.constant 60 : i32
          %add3A_245 = vector.broadcast %add3A_244 : i32 to vector<16xi32>
          %add3A_246 = arith.addi %shift_right_arithmetic3A_91, %add3A_245 : vector<16xi32>
          %gather3A_247 = tpu.vector_load_idx %arg6[%add3A_110, %add3A_243] : memref<32x768xf32, #tpu.memory_space<vmem>>[vector<16xi32>, vector<16xi32>], vector<16xf32>,
          tpu.vector_store_idx %arg8[%add3A_246, %add3A_117], %gather3A_247 : memref<192x128xf32, #tpu.memory_space<vmem>>[vector<16xi32>, vector<16xi32>], vector<16xf32>,
          %gather3A_248 = tpu.vector_load_idx %arg6[%add3A_113, %add3A_243] : memref<32x768xf32, #tpu.memory_space<vmem>>[vector<16xi32>, vector<16xi32>], vector<16xf32>,
          tpu.vector_store_idx %arg8[%add3A_246, %add3A_121], %gather3A_248 : memref<192x128xf32, #tpu.memory_space<vmem>>[vector<16xi32>, vector<16xi32>], vector<16xf32>,
          %add3A_249 = arith.constant 256 : i32
          %add3A_250 = vector.broadcast %add3A_249 : i32 to vector<16xi32>
          %add3A_251 = arith.addi %iota3A, %add3A_250 : vector<16xi32>
          %add3A_252 = arith.constant 64 : i32
          %add3A_253 = vector.broadcast %add3A_252 : i32 to vector<16xi32>
          %add3A_254 = arith.addi %shift_right_arithmetic3A_91, %add3A_253 : vector<16xi32>
          %gather3A_255 = tpu.vector_load_idx %arg6[%add3A_110, %add3A_251] : memref<32x768xf32, #tpu.memory_space<vmem>>[vector<16xi32>, vector<16xi32>], vector<16xf32>,
          tpu.vector_store_idx %arg8[%add3A_254, %add3A_117], %gather3A_255 : memref<192x128xf32, #tpu.memory_space<vmem>>[vector<16xi32>, vector<16xi32>], vector<16xf32>,
          %gather3A_256 = tpu.vector_load_idx %arg6[%add3A_113, %add3A_251] : memref<32x768xf32, #tpu.memory_space<vmem>>[vector<16xi32>, vector<16xi32>], vector<16xf32>,
          tpu.vector_store_idx %arg8[%add3A_254, %add3A_121], %gather3A_256 : memref<192x128xf32, #tpu.memory_space<vmem>>[vector<16xi32>, vector<16xi32>], vector<16xf32>,
          %add3A_257 = arith.constant 272 : i32
          %add3A_258 = vector.broadcast %add3A_257 : i32 to vector<16xi32>
          %add3A_259 = arith.addi %iota3A, %add3A_258 : vector<16xi32>
          %add3A_260 = arith.constant 68 : i32
          %add3A_261 = vector.broadcast %add3A_260 : i32 to vector<16xi32>
          %add3A_262 = arith.addi %shift_right_arithmetic3A_91, %add3A_261 : vector<16xi32>
          %gather3A_263 = tpu.vector_load_idx %arg6[%add3A_110, %add3A_259] : memref<32x768xf32, #tpu.memory_space<vmem>>[vector<16xi32>, vector<16xi32>], vector<16xf32>,
          tpu.vector_store_idx %arg8[%add3A_262, %add3A_117], %gather3A_263 : memref<192x128xf32, #tpu.memory_space<vmem>>[vector<16xi32>, vector<16xi32>], vector<16xf32>,
          %gather3A_264 = tpu.vector_load_idx %arg6[%add3A_113, %add3A_259] : memref<32x768xf32, #tpu.memory_space<vmem>>[vector<16xi32>, vector<16xi32>], vector<16xf32>,
          tpu.vector_store_idx %arg8[%add3A_262, %add3A_121], %gather3A_264 : memref<192x128xf32, #tpu.memory_space<vmem>>[vector<16xi32>, vector<16xi32>], vector<16xf32>,
          %add3A_265 = arith.constant 288 : i32
          %add3A_266 = vector.broadcast %add3A_265 : i32 to vector<16xi32>
          %add3A_267 = arith.addi %iota3A, %add3A_266 : vector<16xi32>
          %add3A_268 = arith.constant 72 : i32
          %add3A_269 = vector.broadcast %add3A_268 : i32 to vector<16xi32>
          %add3A_270 = arith.addi %shift_right_arithmetic3A_91, %add3A_269 : vector<16xi32>
          %gather3A_271 = tpu.vector_load_idx %arg6[%add3A_110, %add3A_267] : memref<32x768xf32, #tpu.memory_space<vmem>>[vector<16xi32>, vector<16xi32>], vector<16xf32>,
          tpu.vector_store_idx %arg8[%add3A_270, %add3A_117], %gather3A_271 : memref<192x128xf32, #tpu.memory_space<vmem>>[vector<16xi32>, vector<16xi32>], vector<16xf32>,
          %gather3A_272 = tpu.vector_load_idx %arg6[%add3A_113, %add3A_267] : memref<32x768xf32, #tpu.memory_space<vmem>>[vector<16xi32>, vector<16xi32>], vector<16xf32>,
          tpu.vector_store_idx %arg8[%add3A_270, %add3A_121], %gather3A_272 : memref<192x128xf32, #tpu.memory_space<vmem>>[vector<16xi32>, vector<16xi32>], vector<16xf32>,
          %add3A_273 = arith.constant 304 : i32
          %add3A_274 = vector.broadcast %add3A_273 : i32 to vector<16xi32>
          %add3A_275 = arith.addi %iota3A, %add3A_274 : vector<16xi32>
          %add3A_276 = arith.constant 76 : i32
          %add3A_277 = vector.broadcast %add3A_276 : i32 to vector<16xi32>
          %add3A_278 = arith.addi %shift_right_arithmetic3A_91, %add3A_277 : vector<16xi32>
          %gather3A_279 = tpu.vector_load_idx %arg6[%add3A_110, %add3A_275] : memref<32x768xf32, #tpu.memory_space<vmem>>[vector<16xi32>, vector<16xi32>], vector<16xf32>,
          tpu.vector_store_idx %arg8[%add3A_278, %add3A_117], %gather3A_279 : memref<192x128xf32, #tpu.memory_space<vmem>>[vector<16xi32>, vector<16xi32>], vector<16xf32>,
          %gather3A_280 = tpu.vector_load_idx %arg6[%add3A_113, %add3A_275] : memref<32x768xf32, #tpu.memory_space<vmem>>[vector<16xi32>, vector<16xi32>], vector<16xf32>,
          tpu.vector_store_idx %arg8[%add3A_278, %add3A_121], %gather3A_280 : memref<192x128xf32, #tpu.memory_space<vmem>>[vector<16xi32>, vector<16xi32>], vector<16xf32>,
          %add3A_281 = arith.constant 320 : i32
          %add3A_282 = vector.broadcast %add3A_281 : i32 to vector<16xi32>
          %add3A_283 = arith.addi %iota3A, %add3A_282 : vector<16xi32>
          %add3A_284 = arith.constant 80 : i32
          %add3A_285 = vector.broadcast %add3A_284 : i32 to vector<16xi32>
          %add3A_286 = arith.addi %shift_right_arithmetic3A_91, %add3A_285 : vector<16xi32>
          %gather3A_287 = tpu.vector_load_idx %arg6[%add3A_110, %add3A_283] : memref<32x768xf32, #tpu.memory_space<vmem>>[vector<16xi32>, vector<16xi32>], vector<16xf32>,
          tpu.vector_store_idx %arg8[%add3A_286, %add3A_117], %gather3A_287 : memref<192x128xf32, #tpu.memory_space<vmem>>[vector<16xi32>, vector<16xi32>], vector<16xf32>,
          %gather3A_288 = tpu.vector_load_idx %arg6[%add3A_113, %add3A_283] : memref<32x768xf32, #tpu.memory_space<vmem>>[vector<16xi32>, vector<16xi32>], vector<16xf32>,
          tpu.vector_store_idx %arg8[%add3A_286, %add3A_121], %gather3A_288 : memref<192x128xf32, #tpu.memory_space<vmem>>[vector<16xi32>, vector<16xi32>], vector<16xf32>,
          %add3A_289 = arith.constant 336 : i32
          %add3A_290 = vector.broadcast %add3A_289 : i32 to vector<16xi32>
          %add3A_291 = arith.addi %iota3A, %add3A_290 : vector<16xi32>
          %add3A_292 = arith.constant 84 : i32
          %add3A_293 = vector.broadcast %add3A_292 : i32 to vector<16xi32>
          %add3A_294 = arith.addi %shift_right_arithmetic3A_91, %add3A_293 : vector<16xi32>
          %gather3A_295 = tpu.vector_load_idx %arg6[%add3A_110, %add3A_291] : memref<32x768xf32, #tpu.memory_space<vmem>>[vector<16xi32>, vector<16xi32>], vector<16xf32>,
          tpu.vector_store_idx %arg8[%add3A_294, %add3A_117], %gather3A_295 : memref<192x128xf32, #tpu.memory_space<vmem>>[vector<16xi32>, vector<16xi32>], vector<16xf32>,
          %gather3A_296 = tpu.vector_load_idx %arg6[%add3A_113, %add3A_291] : memref<32x768xf32, #tpu.memory_space<vmem>>[vector<16xi32>, vector<16xi32>], vector<16xf32>,
          tpu.vector_store_idx %arg8[%add3A_294, %add3A_121], %gather3A_296 : memref<192x128xf32, #tpu.memory_space<vmem>>[vector<16xi32>, vector<16xi32>], vector<16xf32>,
          %add3A_297 = arith.constant 352 : i32
          %add3A_298 = vector.broadcast %add3A_297 : i32 to vector<16xi32>
          %add3A_299 = arith.addi %iota3A, %add3A_298 : vector<16xi32>
          %add3A_300 = arith.constant 88 : i32
          %add3A_301 = vector.broadcast %add3A_300 : i32 to vector<16xi32>
          %add3A_302 = arith.addi %shift_right_arithmetic3A_91, %add3A_301 : vector<16xi32>
          %gather3A_303 = tpu.vector_load_idx %arg6[%add3A_110, %add3A_299] : memref<32x768xf32, #tpu.memory_space<vmem>>[vector<16xi32>, vector<16xi32>], vector<16xf32>,
          tpu.vector_store_idx %arg8[%add3A_302, %add3A_117], %gather3A_303 : memref<192x128xf32, #tpu.memory_space<vmem>>[vector<16xi32>, vector<16xi32>], vector<16xf32>,
          %gather3A_304 = tpu.vector_load_idx %arg6[%add3A_113, %add3A_299] : memref<32x768xf32, #tpu.memory_space<vmem>>[vector<16xi32>, vector<16xi32>], vector<16xf32>,
          tpu.vector_store_idx %arg8[%add3A_302, %add3A_121], %gather3A_304 : memref<192x128xf32, #tpu.memory_space<vmem>>[vector<16xi32>, vector<16xi32>], vector<16xf32>,
          %add3A_305 = arith.constant 368 : i32
          %add3A_306 = vector.broadcast %add3A_305 : i32 to vector<16xi32>
          %add3A_307 = arith.addi %iota3A, %add3A_306 : vector<16xi32>
          %add3A_308 = arith.constant 92 : i32
          %add3A_309 = vector.broadcast %add3A_308 : i32 to vector<16xi32>
          %add3A_310 = arith.addi %shift_right_arithmetic3A_91, %add3A_309 : vector<16xi32>
          %gather3A_311 = tpu.vector_load_idx %arg6[%add3A_110, %add3A_307] : memref<32x768xf32, #tpu.memory_space<vmem>>[vector<16xi32>, vector<16xi32>], vector<16xf32>,
          tpu.vector_store_idx %arg8[%add3A_310, %add3A_117], %gather3A_311 : memref<192x128xf32, #tpu.memory_space<vmem>>[vector<16xi32>, vector<16xi32>], vector<16xf32>,
          %gather3A_312 = tpu.vector_load_idx %arg6[%add3A_113, %add3A_307] : memref<32x768xf32, #tpu.memory_space<vmem>>[vector<16xi32>, vector<16xi32>], vector<16xf32>,
          tpu.vector_store_idx %arg8[%add3A_310, %add3A_121], %gather3A_312 : memref<192x128xf32, #tpu.memory_space<vmem>>[vector<16xi32>, vector<16xi32>], vector<16xf32>,
          %add3A_313 = arith.constant 384 : i32
          %add3A_314 = vector.broadcast %add3A_313 : i32 to vector<16xi32>
          %add3A_315 = arith.addi %iota3A, %add3A_314 : vector<16xi32>
          %add3A_316 = arith.constant 96 : i32
          %add3A_317 = vector.broadcast %add3A_316 : i32 to vector<16xi32>
          %add3A_318 = arith.addi %shift_right_arithmetic3A_91, %add3A_317 : vector<16xi32>
          %gather3A_319 = tpu.vector_load_idx %arg6[%add3A_110, %add3A_315] : memref<32x768xf32, #tpu.memory_space<vmem>>[vector<16xi32>, vector<16xi32>], vector<16xf32>,
          tpu.vector_store_idx %arg8[%add3A_318, %add3A_117], %gather3A_319 : memref<192x128xf32, #tpu.memory_space<vmem>>[vector<16xi32>, vector<16xi32>], vector<16xf32>,
          %gather3A_320 = tpu.vector_load_idx %arg6[%add3A_113, %add3A_315] : memref<32x768xf32, #tpu.memory_space<vmem>>[vector<16xi32>, vector<16xi32>], vector<16xf32>,
          tpu.vector_store_idx %arg8[%add3A_318, %add3A_121], %gather3A_320 : memref<192x128xf32, #tpu.memory_space<vmem>>[vector<16xi32>, vector<16xi32>], vector<16xf32>,
          %add3A_321 = arith.constant 400 : i32
          %add3A_322 = vector.broadcast %add3A_321 : i32 to vector<16xi32>
          %add3A_323 = arith.addi %iota3A, %add3A_322 : vector<16xi32>
          %add3A_324 = arith.constant 100 : i32
          %add3A_325 = vector.broadcast %add3A_324 : i32 to vector<16xi32>
          %add3A_326 = arith.addi %shift_right_arithmetic3A_91, %add3A_325 : vector<16xi32>
          %gather3A_327 = tpu.vector_load_idx %arg6[%add3A_110, %add3A_323] : memref<32x768xf32, #tpu.memory_space<vmem>>[vector<16xi32>, vector<16xi32>], vector<16xf32>,
          tpu.vector_store_idx %arg8[%add3A_326, %add3A_117], %gather3A_327 : memref<192x128xf32, #tpu.memory_space<vmem>>[vector<16xi32>, vector<16xi32>], vector<16xf32>,
          %gather3A_328 = tpu.vector_load_idx %arg6[%add3A_113, %add3A_323] : memref<32x768xf32, #tpu.memory_space<vmem>>[vector<16xi32>, vector<16xi32>], vector<16xf32>,
          tpu.vector_store_idx %arg8[%add3A_326, %add3A_121], %gather3A_328 : memref<192x128xf32, #tpu.memory_space<vmem>>[vector<16xi32>, vector<16xi32>], vector<16xf32>,
          %add3A_329 = arith.constant 416 : i32
          %add3A_330 = vector.broadcast %add3A_329 : i32 to vector<16xi32>
          %add3A_331 = arith.addi %iota3A, %add3A_330 : vector<16xi32>
          %add3A_332 = arith.constant 104 : i32
          %add3A_333 = vector.broadcast %add3A_332 : i32 to vector<16xi32>
          %add3A_334 = arith.addi %shift_right_arithmetic3A_91, %add3A_333 : vector<16xi32>
          %gather3A_335 = tpu.vector_load_idx %arg6[%add3A_110, %add3A_331] : memref<32x768xf32, #tpu.memory_space<vmem>>[vector<16xi32>, vector<16xi32>], vector<16xf32>,
          tpu.vector_store_idx %arg8[%add3A_334, %add3A_117], %gather3A_335 : memref<192x128xf32, #tpu.memory_space<vmem>>[vector<16xi32>, vector<16xi32>], vector<16xf32>,
          %gather3A_336 = tpu.vector_load_idx %arg6[%add3A_113, %add3A_331] : memref<32x768xf32, #tpu.memory_space<vmem>>[vector<16xi32>, vector<16xi32>], vector<16xf32>,
          tpu.vector_store_idx %arg8[%add3A_334, %add3A_121], %gather3A_336 : memref<192x128xf32, #tpu.memory_space<vmem>>[vector<16xi32>, vector<16xi32>], vector<16xf32>,
          %add3A_337 = arith.constant 432 : i32
          %add3A_338 = vector.broadcast %add3A_337 : i32 to vector<16xi32>
          %add3A_339 = arith.addi %iota3A, %add3A_338 : vector<16xi32>
          %add3A_340 = arith.constant 108 : i32
          %add3A_341 = vector.broadcast %add3A_340 : i32 to vector<16xi32>
          %add3A_342 = arith.addi %shift_right_arithmetic3A_91, %add3A_341 : vector<16xi32>
          %gather3A_343 = tpu.vector_load_idx %arg6[%add3A_110, %add3A_339] : memref<32x768xf32, #tpu.memory_space<vmem>>[vector<16xi32>, vector<16xi32>], vector<16xf32>,
          tpu.vector_store_idx %arg8[%add3A_342, %add3A_117], %gather3A_343 : memref<192x128xf32, #tpu.memory_space<vmem>>[vector<16xi32>, vector<16xi32>], vector<16xf32>,
          %gather3A_344 = tpu.vector_load_idx %arg6[%add3A_113, %add3A_339] : memref<32x768xf32, #tpu.memory_space<vmem>>[vector<16xi32>, vector<16xi32>], vector<16xf32>,
          tpu.vector_store_idx %arg8[%add3A_342, %add3A_121], %gather3A_344 : memref<192x128xf32, #tpu.memory_space<vmem>>[vector<16xi32>, vector<16xi32>], vector<16xf32>,
          %add3A_345 = arith.constant 448 : i32
          %add3A_346 = vector.broadcast %add3A_345 : i32 to vector<16xi32>
          %add3A_347 = arith.addi %iota3A, %add3A_346 : vector<16xi32>
          %add3A_348 = arith.constant 112 : i32
          %add3A_349 = vector.broadcast %add3A_348 : i32 to vector<16xi32>
          %add3A_350 = arith.addi %shift_right_arithmetic3A_91, %add3A_349 : vector<16xi32>
          %gather3A_351 = tpu.vector_load_idx %arg6[%add3A_110, %add3A_347] : memref<32x768xf32, #tpu.memory_space<vmem>>[vector<16xi32>, vector<16xi32>], vector<16xf32>,
          tpu.vector_store_idx %arg8[%add3A_350, %add3A_117], %gather3A_351 : memref<192x128xf32, #tpu.memory_space<vmem>>[vector<16xi32>, vector<16xi32>], vector<16xf32>,
          %gather3A_352 = tpu.vector_load_idx %arg6[%add3A_113, %add3A_347] : memref<32x768xf32, #tpu.memory_space<vmem>>[vector<16xi32>, vector<16xi32>], vector<16xf32>,
          tpu.vector_store_idx %arg8[%add3A_350, %add3A_121], %gather3A_352 : memref<192x128xf32, #tpu.memory_space<vmem>>[vector<16xi32>, vector<16xi32>], vector<16xf32>,
          %add3A_353 = arith.constant 464 : i32
          %add3A_354 = vector.broadcast %add3A_353 : i32 to vector<16xi32>
          %add3A_355 = arith.addi %iota3A, %add3A_354 : vector<16xi32>
          %add3A_356 = arith.constant 116 : i32
          %add3A_357 = vector.broadcast %add3A_356 : i32 to vector<16xi32>
          %add3A_358 = arith.addi %shift_right_arithmetic3A_91, %add3A_357 : vector<16xi32>
          %gather3A_359 = tpu.vector_load_idx %arg6[%add3A_110, %add3A_355] : memref<32x768xf32, #tpu.memory_space<vmem>>[vector<16xi32>, vector<16xi32>], vector<16xf32>,
          tpu.vector_store_idx %arg8[%add3A_358, %add3A_117], %gather3A_359 : memref<192x128xf32, #tpu.memory_space<vmem>>[vector<16xi32>, vector<16xi32>], vector<16xf32>,
          %gather3A_360 = tpu.vector_load_idx %arg6[%add3A_113, %add3A_355] : memref<32x768xf32, #tpu.memory_space<vmem>>[vector<16xi32>, vector<16xi32>], vector<16xf32>,
          tpu.vector_store_idx %arg8[%add3A_358, %add3A_121], %gather3A_360 : memref<192x128xf32, #tpu.memory_space<vmem>>[vector<16xi32>, vector<16xi32>], vector<16xf32>,
          %add3A_361 = arith.constant 480 : i32
          %add3A_362 = vector.broadcast %add3A_361 : i32 to vector<16xi32>
          %add3A_363 = arith.addi %iota3A, %add3A_362 : vector<16xi32>
          %add3A_364 = arith.constant 120 : i32
          %add3A_365 = vector.broadcast %add3A_364 : i32 to vector<16xi32>
          %add3A_366 = arith.addi %shift_right_arithmetic3A_91, %add3A_365 : vector<16xi32>
          %gather3A_367 = tpu.vector_load_idx %arg6[%add3A_110, %add3A_363] : memref<32x768xf32, #tpu.memory_space<vmem>>[vector<16xi32>, vector<16xi32>], vector<16xf32>,
          tpu.vector_store_idx %arg8[%add3A_366, %add3A_117], %gather3A_367 : memref<192x128xf32, #tpu.memory_space<vmem>>[vector<16xi32>, vector<16xi32>], vector<16xf32>,
          %gather3A_368 = tpu.vector_load_idx %arg6[%add3A_113, %add3A_363] : memref<32x768xf32, #tpu.memory_space<vmem>>[vector<16xi32>, vector<16xi32>], vector<16xf32>,
          tpu.vector_store_idx %arg8[%add3A_366, %add3A_121], %gather3A_368 : memref<192x128xf32, #tpu.memory_space<vmem>>[vector<16xi32>, vector<16xi32>], vector<16xf32>,
          %add3A_369 = arith.constant 496 : i32
          %add3A_370 = vector.broadcast %add3A_369 : i32 to vector<16xi32>
          %add3A_371 = arith.addi %iota3A, %add3A_370 : vector<16xi32>
          %add3A_372 = arith.constant 124 : i32
          %add3A_373 = vector.broadcast %add3A_372 : i32 to vector<16xi32>
          %add3A_374 = arith.addi %shift_right_arithmetic3A_91, %add3A_373 : vector<16xi32>
          %gather3A_375 = tpu.vector_load_idx %arg6[%add3A_110, %add3A_371] : memref<32x768xf32, #tpu.memory_space<vmem>>[vector<16xi32>, vector<16xi32>], vector<16xf32>,
          tpu.vector_store_idx %arg8[%add3A_374, %add3A_117], %gather3A_375 : memref<192x128xf32, #tpu.memory_space<vmem>>[vector<16xi32>, vector<16xi32>], vector<16xf32>,
          %gather3A_376 = tpu.vector_load_idx %arg6[%add3A_113, %add3A_371] : memref<32x768xf32, #tpu.memory_space<vmem>>[vector<16xi32>, vector<16xi32>], vector<16xf32>,
          tpu.vector_store_idx %arg8[%add3A_374, %add3A_121], %gather3A_376 : memref<192x128xf32, #tpu.memory_space<vmem>>[vector<16xi32>, vector<16xi32>], vector<16xf32>,
          %add3A_377 = arith.constant 512 : i32
          %add3A_378 = vector.broadcast %add3A_377 : i32 to vector<16xi32>
          %add3A_379 = arith.addi %iota3A, %add3A_378 : vector<16xi32>
          %add3A_380 = arith.constant 128 : i32
          %add3A_381 = vector.broadcast %add3A_380 : i32 to vector<16xi32>
          %add3A_382 = arith.addi %shift_right_arithmetic3A_91, %add3A_381 : vector<16xi32>
          %gather3A_383 = tpu.vector_load_idx %arg6[%add3A_110, %add3A_379] : memref<32x768xf32, #tpu.memory_space<vmem>>[vector<16xi32>, vector<16xi32>], vector<16xf32>,
          tpu.vector_store_idx %arg8[%add3A_382, %add3A_117], %gather3A_383 : memref<192x128xf32, #tpu.memory_space<vmem>>[vector<16xi32>, vector<16xi32>], vector<16xf32>,
          %gather3A_384 = tpu.vector_load_idx %arg6[%add3A_113, %add3A_379] : memref<32x768xf32, #tpu.memory_space<vmem>>[vector<16xi32>, vector<16xi32>], vector<16xf32>,
          tpu.vector_store_idx %arg8[%add3A_382, %add3A_121], %gather3A_384 : memref<192x128xf32, #tpu.memory_space<vmem>>[vector<16xi32>, vector<16xi32>], vector<16xf32>,
          %add3A_385 = arith.constant 528 : i32
          %add3A_386 = vector.broadcast %add3A_385 : i32 to vector<16xi32>
          %add3A_387 = arith.addi %iota3A, %add3A_386 : vector<16xi32>
          %add3A_388 = arith.constant 132 : i32
          %add3A_389 = vector.broadcast %add3A_388 : i32 to vector<16xi32>
          %add3A_390 = arith.addi %shift_right_arithmetic3A_91, %add3A_389 : vector<16xi32>
          %gather3A_391 = tpu.vector_load_idx %arg6[%add3A_110, %add3A_387] : memref<32x768xf32, #tpu.memory_space<vmem>>[vector<16xi32>, vector<16xi32>], vector<16xf32>,
          tpu.vector_store_idx %arg8[%add3A_390, %add3A_117], %gather3A_391 : memref<192x128xf32, #tpu.memory_space<vmem>>[vector<16xi32>, vector<16xi32>], vector<16xf32>,
          %gather3A_392 = tpu.vector_load_idx %arg6[%add3A_113, %add3A_387] : memref<32x768xf32, #tpu.memory_space<vmem>>[vector<16xi32>, vector<16xi32>], vector<16xf32>,
          tpu.vector_store_idx %arg8[%add3A_390, %add3A_121], %gather3A_392 : memref<192x128xf32, #tpu.memory_space<vmem>>[vector<16xi32>, vector<16xi32>], vector<16xf32>,
          %add3A_393 = arith.constant 544 : i32
          %add3A_394 = vector.broadcast %add3A_393 : i32 to vector<16xi32>
          %add3A_395 = arith.addi %iota3A, %add3A_394 : vector<16xi32>
          %add3A_396 = arith.constant 136 : i32
          %add3A_397 = vector.broadcast %add3A_396 : i32 to vector<16xi32>
          %add3A_398 = arith.addi %shift_right_arithmetic3A_91, %add3A_397 : vector<16xi32>
          %gather3A_399 = tpu.vector_load_idx %arg6[%add3A_110, %add3A_395] : memref<32x768xf32, #tpu.memory_space<vmem>>[vector<16xi32>, vector<16xi32>], vector<16xf32>,
          tpu.vector_store_idx %arg8[%add3A_398, %add3A_117], %gather3A_399 : memref<192x128xf32, #tpu.memory_space<vmem>>[vector<16xi32>, vector<16xi32>], vector<16xf32>,
          %gather3A_400 = tpu.vector_load_idx %arg6[%add3A_113, %add3A_395] : memref<32x768xf32, #tpu.memory_space<vmem>>[vector<16xi32>, vector<16xi32>], vector<16xf32>,
          tpu.vector_store_idx %arg8[%add3A_398, %add3A_121], %gather3A_400 : memref<192x128xf32, #tpu.memory_space<vmem>>[vector<16xi32>, vector<16xi32>], vector<16xf32>,
          %add3A_401 = arith.constant 560 : i32
          %add3A_402 = vector.broadcast %add3A_401 : i32 to vector<16xi32>
          %add3A_403 = arith.addi %iota3A, %add3A_402 : vector<16xi32>
          %add3A_404 = arith.constant 140 : i32
          %add3A_405 = vector.broadcast %add3A_404 : i32 to vector<16xi32>
          %add3A_406 = arith.addi %shift_right_arithmetic3A_91, %add3A_405 : vector<16xi32>
          %gather3A_407 = tpu.vector_load_idx %arg6[%add3A_110, %add3A_403] : memref<32x768xf32, #tpu.memory_space<vmem>>[vector<16xi32>, vector<16xi32>], vector<16xf32>,
          tpu.vector_store_idx %arg8[%add3A_406, %add3A_117], %gather3A_407 : memref<192x128xf32, #tpu.memory_space<vmem>>[vector<16xi32>, vector<16xi32>], vector<16xf32>,
          %gather3A_408 = tpu.vector_load_idx %arg6[%add3A_113, %add3A_403] : memref<32x768xf32, #tpu.memory_space<vmem>>[vector<16xi32>, vector<16xi32>], vector<16xf32>,
          tpu.vector_store_idx %arg8[%add3A_406, %add3A_121], %gather3A_408 : memref<192x128xf32, #tpu.memory_space<vmem>>[vector<16xi32>, vector<16xi32>], vector<16xf32>,
          %add3A_409 = arith.constant 576 : i32
          %add3A_410 = vector.broadcast %add3A_409 : i32 to vector<16xi32>
          %add3A_411 = arith.addi %iota3A, %add3A_410 : vector<16xi32>
          %add3A_412 = arith.constant 144 : i32
          %add3A_413 = vector.broadcast %add3A_412 : i32 to vector<16xi32>
          %add3A_414 = arith.addi %shift_right_arithmetic3A_91, %add3A_413 : vector<16xi32>
          %gather3A_415 = tpu.vector_load_idx %arg6[%add3A_110, %add3A_411] : memref<32x768xf32, #tpu.memory_space<vmem>>[vector<16xi32>, vector<16xi32>], vector<16xf32>,
          tpu.vector_store_idx %arg8[%add3A_414, %add3A_117], %gather3A_415 : memref<192x128xf32, #tpu.memory_space<vmem>>[vector<16xi32>, vector<16xi32>], vector<16xf32>,
          %gather3A_416 = tpu.vector_load_idx %arg6[%add3A_113, %add3A_411] : memref<32x768xf32, #tpu.memory_space<vmem>>[vector<16xi32>, vector<16xi32>], vector<16xf32>,
          tpu.vector_store_idx %arg8[%add3A_414, %add3A_121], %gather3A_416 : memref<192x128xf32, #tpu.memory_space<vmem>>[vector<16xi32>, vector<16xi32>], vector<16xf32>,
          %add3A_417 = arith.constant 592 : i32
          %add3A_418 = vector.broadcast %add3A_417 : i32 to vector<16xi32>
          %add3A_419 = arith.addi %iota3A, %add3A_418 : vector<16xi32>
          %add3A_420 = arith.constant 148 : i32
          %add3A_421 = vector.broadcast %add3A_420 : i32 to vector<16xi32>
          %add3A_422 = arith.addi %shift_right_arithmetic3A_91, %add3A_421 : vector<16xi32>
          %gather3A_423 = tpu.vector_load_idx %arg6[%add3A_110, %add3A_419] : memref<32x768xf32, #tpu.memory_space<vmem>>[vector<16xi32>, vector<16xi32>], vector<16xf32>,
          tpu.vector_store_idx %arg8[%add3A_422, %add3A_117], %gather3A_423 : memref<192x128xf32, #tpu.memory_space<vmem>>[vector<16xi32>, vector<16xi32>], vector<16xf32>,
          %gather3A_424 = tpu.vector_load_idx %arg6[%add3A_113, %add3A_419] : memref<32x768xf32, #tpu.memory_space<vmem>>[vector<16xi32>, vector<16xi32>], vector<16xf32>,
          tpu.vector_store_idx %arg8[%add3A_422, %add3A_121], %gather3A_424 : memref<192x128xf32, #tpu.memory_space<vmem>>[vector<16xi32>, vector<16xi32>], vector<16xf32>,
          %add3A_425 = arith.constant 608 : i32
          %add3A_426 = vector.broadcast %add3A_425 : i32 to vector<16xi32>
          %add3A_427 = arith.addi %iota3A, %add3A_426 : vector<16xi32>
          %add3A_428 = arith.constant 152 : i32
          %add3A_429 = vector.broadcast %add3A_428 : i32 to vector<16xi32>
          %add3A_430 = arith.addi %shift_right_arithmetic3A_91, %add3A_429 : vector<16xi32>
          %gather3A_431 = tpu.vector_load_idx %arg6[%add3A_110, %add3A_427] : memref<32x768xf32, #tpu.memory_space<vmem>>[vector<16xi32>, vector<16xi32>], vector<16xf32>,
          tpu.vector_store_idx %arg8[%add3A_430, %add3A_117], %gather3A_431 : memref<192x128xf32, #tpu.memory_space<vmem>>[vector<16xi32>, vector<16xi32>], vector<16xf32>,
          %gather3A_432 = tpu.vector_load_idx %arg6[%add3A_113, %add3A_427] : memref<32x768xf32, #tpu.memory_space<vmem>>[vector<16xi32>, vector<16xi32>], vector<16xf32>,
          tpu.vector_store_idx %arg8[%add3A_430, %add3A_121], %gather3A_432 : memref<192x128xf32, #tpu.memory_space<vmem>>[vector<16xi32>, vector<16xi32>], vector<16xf32>,
          %add3A_433 = arith.constant 624 : i32
          %add3A_434 = vector.broadcast %add3A_433 : i32 to vector<16xi32>
          %add3A_435 = arith.addi %iota3A, %add3A_434 : vector<16xi32>
          %add3A_436 = arith.constant 156 : i32
          %add3A_437 = vector.broadcast %add3A_436 : i32 to vector<16xi32>
          %add3A_438 = arith.addi %shift_right_arithmetic3A_91, %add3A_437 : vector<16xi32>
          %gather3A_439 = tpu.vector_load_idx %arg6[%add3A_110, %add3A_435] : memref<32x768xf32, #tpu.memory_space<vmem>>[vector<16xi32>, vector<16xi32>], vector<16xf32>,
          tpu.vector_store_idx %arg8[%add3A_438, %add3A_117], %gather3A_439 : memref<192x128xf32, #tpu.memory_space<vmem>>[vector<16xi32>, vector<16xi32>], vector<16xf32>,
          %gather3A_440 = tpu.vector_load_idx %arg6[%add3A_113, %add3A_435] : memref<32x768xf32, #tpu.memory_space<vmem>>[vector<16xi32>, vector<16xi32>], vector<16xf32>,
          tpu.vector_store_idx %arg8[%add3A_438, %add3A_121], %gather3A_440 : memref<192x128xf32, #tpu.memory_space<vmem>>[vector<16xi32>, vector<16xi32>], vector<16xf32>,
          %add3A_441 = arith.constant 640 : i32
          %add3A_442 = vector.broadcast %add3A_441 : i32 to vector<16xi32>
          %add3A_443 = arith.addi %iota3A, %add3A_442 : vector<16xi32>
          %add3A_444 = arith.constant 160 : i32
          %add3A_445 = vector.broadcast %add3A_444 : i32 to vector<16xi32>
          %add3A_446 = arith.addi %shift_right_arithmetic3A_91, %add3A_445 : vector<16xi32>
          %gather3A_447 = tpu.vector_load_idx %arg6[%add3A_110, %add3A_443] : memref<32x768xf32, #tpu.memory_space<vmem>>[vector<16xi32>, vector<16xi32>], vector<16xf32>,
          tpu.vector_store_idx %arg8[%add3A_446, %add3A_117], %gather3A_447 : memref<192x128xf32, #tpu.memory_space<vmem>>[vector<16xi32>, vector<16xi32>], vector<16xf32>,
          %gather3A_448 = tpu.vector_load_idx %arg6[%add3A_113, %add3A_443] : memref<32x768xf32, #tpu.memory_space<vmem>>[vector<16xi32>, vector<16xi32>], vector<16xf32>,
          tpu.vector_store_idx %arg8[%add3A_446, %add3A_121], %gather3A_448 : memref<192x128xf32, #tpu.memory_space<vmem>>[vector<16xi32>, vector<16xi32>], vector<16xf32>,
          %add3A_449 = arith.constant 656 : i32
          %add3A_450 = vector.broadcast %add3A_449 : i32 to vector<16xi32>
          %add3A_451 = arith.addi %iota3A, %add3A_450 : vector<16xi32>
          %add3A_452 = arith.constant 164 : i32
          %add3A_453 = vector.broadcast %add3A_452 : i32 to vector<16xi32>
          %add3A_454 = arith.addi %shift_right_arithmetic3A_91, %add3A_453 : vector<16xi32>
          %gather3A_455 = tpu.vector_load_idx %arg6[%add3A_110, %add3A_451] : memref<32x768xf32, #tpu.memory_space<vmem>>[vector<16xi32>, vector<16xi32>], vector<16xf32>,
          tpu.vector_store_idx %arg8[%add3A_454, %add3A_117], %gather3A_455 : memref<192x128xf32, #tpu.memory_space<vmem>>[vector<16xi32>, vector<16xi32>], vector<16xf32>,
          %gather3A_456 = tpu.vector_load_idx %arg6[%add3A_113, %add3A_451] : memref<32x768xf32, #tpu.memory_space<vmem>>[vector<16xi32>, vector<16xi32>], vector<16xf32>,
          tpu.vector_store_idx %arg8[%add3A_454, %add3A_121], %gather3A_456 : memref<192x128xf32, #tpu.memory_space<vmem>>[vector<16xi32>, vector<16xi32>], vector<16xf32>,
          %add3A_457 = arith.constant 672 : i32
          %add3A_458 = vector.broadcast %add3A_457 : i32 to vector<16xi32>
          %add3A_459 = arith.addi %iota3A, %add3A_458 : vector<16xi32>
          %add3A_460 = arith.constant 168 : i32
          %add3A_461 = vector.broadcast %add3A_460 : i32 to vector<16xi32>
          %add3A_462 = arith.addi %shift_right_arithmetic3A_91, %add3A_461 : vector<16xi32>
          %gather3A_463 = tpu.vector_load_idx %arg6[%add3A_110, %add3A_459] : memref<32x768xf32, #tpu.memory_space<vmem>>[vector<16xi32>, vector<16xi32>], vector<16xf32>,
          tpu.vector_store_idx %arg8[%add3A_462, %add3A_117], %gather3A_463 : memref<192x128xf32, #tpu.memory_space<vmem>>[vector<16xi32>, vector<16xi32>], vector<16xf32>,
          %gather3A_464 = tpu.vector_load_idx %arg6[%add3A_113, %add3A_459] : memref<32x768xf32, #tpu.memory_space<vmem>>[vector<16xi32>, vector<16xi32>], vector<16xf32>,
          tpu.vector_store_idx %arg8[%add3A_462, %add3A_121], %gather3A_464 : memref<192x128xf32, #tpu.memory_space<vmem>>[vector<16xi32>, vector<16xi32>], vector<16xf32>,
          %add3A_465 = arith.constant 688 : i32
          %add3A_466 = vector.broadcast %add3A_465 : i32 to vector<16xi32>
          %add3A_467 = arith.addi %iota3A, %add3A_466 : vector<16xi32>
          %add3A_468 = arith.constant 172 : i32
          %add3A_469 = vector.broadcast %add3A_468 : i32 to vector<16xi32>
          %add3A_470 = arith.addi %shift_right_arithmetic3A_91, %add3A_469 : vector<16xi32>
          %gather3A_471 = tpu.vector_load_idx %arg6[%add3A_110, %add3A_467] : memref<32x768xf32, #tpu.memory_space<vmem>>[vector<16xi32>, vector<16xi32>], vector<16xf32>,
          tpu.vector_store_idx %arg8[%add3A_470, %add3A_117], %gather3A_471 : memref<192x128xf32, #tpu.memory_space<vmem>>[vector<16xi32>, vector<16xi32>], vector<16xf32>,
          %gather3A_472 = tpu.vector_load_idx %arg6[%add3A_113, %add3A_467] : memref<32x768xf32, #tpu.memory_space<vmem>>[vector<16xi32>, vector<16xi32>], vector<16xf32>,
          tpu.vector_store_idx %arg8[%add3A_470, %add3A_121], %gather3A_472 : memref<192x128xf32, #tpu.memory_space<vmem>>[vector<16xi32>, vector<16xi32>], vector<16xf32>,
          %add3A_473 = arith.constant 704 : i32
          %add3A_474 = vector.broadcast %add3A_473 : i32 to vector<16xi32>
          %add3A_475 = arith.addi %iota3A, %add3A_474 : vector<16xi32>
          %add3A_476 = arith.constant 176 : i32
          %add3A_477 = vector.broadcast %add3A_476 : i32 to vector<16xi32>
          %add3A_478 = arith.addi %shift_right_arithmetic3A_91, %add3A_477 : vector<16xi32>
          %gather3A_479 = tpu.vector_load_idx %arg6[%add3A_110, %add3A_475] : memref<32x768xf32, #tpu.memory_space<vmem>>[vector<16xi32>, vector<16xi32>], vector<16xf32>,
          tpu.vector_store_idx %arg8[%add3A_478, %add3A_117], %gather3A_479 : memref<192x128xf32, #tpu.memory_space<vmem>>[vector<16xi32>, vector<16xi32>], vector<16xf32>,
          %gather3A_480 = tpu.vector_load_idx %arg6[%add3A_113, %add3A_475] : memref<32x768xf32, #tpu.memory_space<vmem>>[vector<16xi32>, vector<16xi32>], vector<16xf32>,
          tpu.vector_store_idx %arg8[%add3A_478, %add3A_121], %gather3A_480 : memref<192x128xf32, #tpu.memory_space<vmem>>[vector<16xi32>, vector<16xi32>], vector<16xf32>,
          %add3A_481 = arith.constant 720 : i32
          %add3A_482 = vector.broadcast %add3A_481 : i32 to vector<16xi32>
          %add3A_483 = arith.addi %iota3A, %add3A_482 : vector<16xi32>
          %add3A_484 = arith.constant 180 : i32
          %add3A_485 = vector.broadcast %add3A_484 : i32 to vector<16xi32>
          %add3A_486 = arith.addi %shift_right_arithmetic3A_91, %add3A_485 : vector<16xi32>
          %gather3A_487 = tpu.vector_load_idx %arg6[%add3A_110, %add3A_483] : memref<32x768xf32, #tpu.memory_space<vmem>>[vector<16xi32>, vector<16xi32>], vector<16xf32>,
          tpu.vector_store_idx %arg8[%add3A_486, %add3A_117], %gather3A_487 : memref<192x128xf32, #tpu.memory_space<vmem>>[vector<16xi32>, vector<16xi32>], vector<16xf32>,
          %gather3A_488 = tpu.vector_load_idx %arg6[%add3A_113, %add3A_483] : memref<32x768xf32, #tpu.memory_space<vmem>>[vector<16xi32>, vector<16xi32>], vector<16xf32>,
          tpu.vector_store_idx %arg8[%add3A_486, %add3A_121], %gather3A_488 : memref<192x128xf32, #tpu.memory_space<vmem>>[vector<16xi32>, vector<16xi32>], vector<16xf32>,
          %add3A_489 = arith.constant 736 : i32
          %add3A_490 = vector.broadcast %add3A_489 : i32 to vector<16xi32>
          %add3A_491 = arith.addi %iota3A, %add3A_490 : vector<16xi32>
          %add3A_492 = arith.constant 184 : i32
          %add3A_493 = vector.broadcast %add3A_492 : i32 to vector<16xi32>
          %add3A_494 = arith.addi %shift_right_arithmetic3A_91, %add3A_493 : vector<16xi32>
          %gather3A_495 = tpu.vector_load_idx %arg6[%add3A_110, %add3A_491] : memref<32x768xf32, #tpu.memory_space<vmem>>[vector<16xi32>, vector<16xi32>], vector<16xf32>,
          tpu.vector_store_idx %arg8[%add3A_494, %add3A_117], %gather3A_495 : memref<192x128xf32, #tpu.memory_space<vmem>>[vector<16xi32>, vector<16xi32>], vector<16xf32>,
          %gather3A_496 = tpu.vector_load_idx %arg6[%add3A_113, %add3A_491] : memref<32x768xf32, #tpu.memory_space<vmem>>[vector<16xi32>, vector<16xi32>], vector<16xf32>,
          tpu.vector_store_idx %arg8[%add3A_494, %add3A_121], %gather3A_496 : memref<192x128xf32, #tpu.memory_space<vmem>>[vector<16xi32>, vector<16xi32>], vector<16xf32>,
          %add3A_497 = arith.constant 752 : i32
          %add3A_498 = vector.broadcast %add3A_497 : i32 to vector<16xi32>
          %add3A_499 = arith.addi %iota3A, %add3A_498 : vector<16xi32>
          %add3A_500 = arith.constant 188 : i32
          %add3A_501 = vector.broadcast %add3A_500 : i32 to vector<16xi32>
          %add3A_502 = arith.addi %shift_right_arithmetic3A_91, %add3A_501 : vector<16xi32>
          %gather3A_503 = tpu.vector_load_idx %arg6[%add3A_110, %add3A_499] : memref<32x768xf32, #tpu.memory_space<vmem>>[vector<16xi32>, vector<16xi32>], vector<16xf32>,
          tpu.vector_store_idx %arg8[%add3A_502, %add3A_117], %gather3A_503 : memref<192x128xf32, #tpu.memory_space<vmem>>[vector<16xi32>, vector<16xi32>], vector<16xf32>,
          %gather3A_504 = tpu.vector_load_idx %arg6[%add3A_113, %add3A_499] : memref<32x768xf32, #tpu.memory_space<vmem>>[vector<16xi32>, vector<16xi32>], vector<16xf32>,
          tpu.vector_store_idx %arg8[%add3A_502, %add3A_121], %gather3A_504 : memref<192x128xf32, #tpu.memory_space<vmem>>[vector<16xi32>, vector<16xi32>], vector<16xf32>,
        }
        %scan3A_96 = arith.constant 16 : i32
        %mul3A_97 = arith.constant 192 : i32
        %mul3A_98 = arith.muli %add3A_60, %mul3A_97 : i32
        %multiple_of3A = tpu.assume_multiple %mul3A_98, 16 : i32
        %dma_start3A = arith.constant 0 : i32
        %dma_start3A_99 = tpu.memref_slice %arg4[%multiple_of3A, %dma_start3A] : memref<250000x128xf32, #tpu.memory_space<hbm>> -> memref<192x128xf32, #tpu.memory_space<hbm>>
        %dma_start3A_100 = arith.constant 0 : i32
        %dma_start3A_101 = tpu.memref_slice %arg4[%multiple_of3A, %dma_start3A_100] : memref<250000x128xf32, #tpu.memory_space<hbm>> -> memref<192x128xf32, #tpu.memory_space<hbm>>
        tpu.enqueue_dma source(%arg8 : memref<192x128xf32, #tpu.memory_space<vmem>>) target(%dma_start3A_101 : memref<192x128xf32, #tpu.memory_space<hbm>>) target_semaphore(%arg13 : memref<!tpu.dma_semaphore, #tpu.memory_space<semaphore_mem>>)
      } else {
      }
      %add3A_66 = arith.constant 2 : i32
      %add3A_67 = arith.addi %add3A_57, %add3A_66 : i32
      %mul3A_68 = arith.constant 32 : i32
      %mul3A_69 = arith.muli %add3A_67, %mul3A_68 : i32
      %add3A_70 = arith.addi %mul3A_69, %add3A : i32
      %lt3A_71 = arith.constant 1302 : i32
      %lt3A_72 = arith.cmpi slt, %add3A_70, %lt3A_71 : i32
      %convert_element_type3A_73 = arith.extui %lt3A_72 : i1 to i32
      %cond3A_74 = arith.constant 0 : i32
      %cond3A_75 = arith.cmpi ne, %convert_element_type3A_73, %cond3A_74 : i32
      scf.if %cond3A_75 {
        %mul3A_76 = arith.constant 768 : i32
        %mul3A_77 = arith.muli %add3A_70, %mul3A_76 : i32
        %multiple_of3A = tpu.assume_multiple %mul3A_77, 768 : i32
        %dma_start3A = arith.constant 0 : i32
        %dma_start3A_78 = tpu.memref_slice %arg2[%dma_start3A, %multiple_of3A] : memref<32x1000000xf32, #tpu.memory_space<hbm>> -> memref<32x768xf32, #tpu.memory_space<hbm>>
        %dma_start3A_79 = arith.constant 0 : i32
        %dma_start3A_80 = tpu.memref_slice %arg2[%dma_start3A_79, %multiple_of3A] : memref<32x1000000xf32, #tpu.memory_space<hbm>> -> memref<32x768xf32, #tpu.memory_space<hbm>>
        tpu.enqueue_dma source(%dma_start3A_80 : memref<32x768xf32, #tpu.memory_space<hbm>>) target(%arg6 : memref<32x768xf32, #tpu.memory_space<vmem>>) target_semaphore(%arg11 : memref<!tpu.dma_semaphore, #tpu.memory_space<semaphore_mem>>)
      } else {
      }
    }
    %scan3A_15 = arith.constant 21 : i32
    %dma_wait3A = arith.constant 0 : i32
    %dma_wait3A_16 = arith.constant 0 : i32
    %dma_wait3A_17 = tpu.memref_slice %arg4[%dma_wait3A, %dma_wait3A_16] : memref<250000x128xf32, #tpu.memory_space<hbm>> -> memref<192x128xf32, #tpu.memory_space<hbm>>
    %dma_wait3A_18 = arith.constant 0 : i32
    %dma_wait3A_19 = arith.constant 0 : i32
    %dma_wait3A_20 = tpu.memref_slice %arg4[%dma_wait3A_18, %dma_wait3A_19] : memref<250000x128xf32, #tpu.memory_space<hbm>> -> memref<192x128xf32, #tpu.memory_space<hbm>>
    tpu.wait_dma2 semaphore(%arg12 : memref<!tpu.dma_semaphore, #tpu.memory_space<semaphore_mem>>) src(%arg7 : memref<192x128xf32, #tpu.memory_space<vmem>>) dst(%dma_wait3A_20 : memref<192x128xf32, #tpu.memory_space<hbm>>)
    %dma_wait3A_21 = arith.constant 0 : i32
    %dma_wait3A_22 = arith.constant 0 : i32
    %dma_wait3A_23 = tpu.memref_slice %arg4[%dma_wait3A_21, %dma_wait3A_22] : memref<250000x128xf32, #tpu.memory_space<hbm>> -> memref<192x128xf32, #tpu.memory_space<hbm>>
    %dma_wait3A_24 = arith.constant 0 : i32
    %dma_wait3A_25 = arith.constant 0 : i32
    %dma_wait3A_26 = tpu.memref_slice %arg4[%dma_wait3A_24, %dma_wait3A_25] : memref<250000x128xf32, #tpu.memory_space<hbm>> -> memref<192x128xf32, #tpu.memory_space<hbm>>
    tpu.wait_dma2 semaphore(%arg13 : memref<!tpu.dma_semaphore, #tpu.memory_space<semaphore_mem>>) src(%arg8 : memref<192x128xf32, #tpu.memory_space<vmem>>) dst(%dma_wait3A_26 : memref<192x128xf32, #tpu.memory_space<hbm>>)
    %eq3A = arith.constant 31 : i32
    %eq3A_27 = arith.cmpi eq, %add3A, %eq3A : i32
    %convert_element_type3A_28 = arith.extui %eq3A_27 : i1 to i32
    %cond3A_29 = arith.constant 0 : i32
    %cond3A_30 = arith.cmpi ne, %convert_element_type3A_28, %cond3A_29 : i32
    scf.if %cond3A_30 {
      "tpu.region"() ({
        %run_scoped3A = tpu.sem_alloc : memref<!tpu.dma_semaphore, #tpu.memory_space<semaphore_mem>>
        tpu.enqueue_dma source(%arg3 : memref<16x128xf32, #tpu.memory_space<hbm>>) target(%arg9 : memref<16x128xf32, #tpu.memory_space<vmem>>) target_semaphore(%run_scoped3A : memref<!tpu.dma_semaphore, #tpu.memory_space<semaphore_mem>>)
        tpu.wait_dma2 semaphore(%run_scoped3A : memref<!tpu.dma_semaphore, #tpu.memory_space<semaphore_mem>>) src(%arg3 : memref<16x128xf32, #tpu.memory_space<hbm>>) dst(%arg9 : memref<16x128xf32, #tpu.memory_space<vmem>>)
        tpu.yield
      }) : () -> ()
      "tpu.region"() ({
        %run_scoped3A = tpu.sem_alloc : memref<!tpu.dma_semaphore, #tpu.memory_space<semaphore_mem>>
        %dma_start3A = arith.constant 249984 : i32
        %dma_start3A_31 = arith.constant 0 : i32
        %dma_start3A_32 = tpu.memref_slice %arg4[%dma_start3A, %dma_start3A_31] : memref<250000x128xf32, #tpu.memory_space<hbm>> -> memref<16x128xf32, #tpu.memory_space<hbm>>
        %dma_start3A_33 = arith.constant 249984 : i32
        %dma_start3A_34 = arith.constant 0 : i32
        %dma_start3A_35 = tpu.memref_slice %arg4[%dma_start3A_33, %dma_start3A_34] : memref<250000x128xf32, #tpu.memory_space<hbm>> -> memref<16x128xf32, #tpu.memory_space<hbm>>
        tpu.enqueue_dma source(%arg9 : memref<16x128xf32, #tpu.memory_space<vmem>>) target(%dma_start3A_35 : memref<16x128xf32, #tpu.memory_space<hbm>>) target_semaphore(%run_scoped3A : memref<!tpu.dma_semaphore, #tpu.memory_space<semaphore_mem>>)
        %dma_wait3A_36 = arith.constant 249984 : i32
        %dma_wait3A_37 = arith.constant 0 : i32
        %dma_wait3A_38 = tpu.memref_slice %arg4[%dma_wait3A_36, %dma_wait3A_37] : memref<250000x128xf32, #tpu.memory_space<hbm>> -> memref<16x128xf32, #tpu.memory_space<hbm>>
        %dma_wait3A_39 = arith.constant 249984 : i32
        %dma_wait3A_40 = arith.constant 0 : i32
        %dma_wait3A_41 = tpu.memref_slice %arg4[%dma_wait3A_39, %dma_wait3A_40] : memref<250000x128xf32, #tpu.memory_space<hbm>> -> memref<16x128xf32, #tpu.memory_space<hbm>>
        tpu.wait_dma2 semaphore(%run_scoped3A : memref<!tpu.dma_semaphore, #tpu.memory_space<semaphore_mem>>) src(%arg9 : memref<16x128xf32, #tpu.memory_space<vmem>>) dst(%dma_wait3A_41 : memref<16x128xf32, #tpu.memory_space<hbm>>)
        tpu.yield
      }) : () -> ()
    } else {
    }
    return
  }
}

module attributes {stable_mosaic.version = 14 : i64} {
  func.func @_mm_body(%arg0: i32, %arg1: memref<1024x128xf32, #tpu.memory_space<vmem>>, %arg2: memref<32x128xf32, #tpu.memory_space<vmem>>, %arg3: memref<1x32xf32, #tpu.memory_space<vmem>>, %arg4: memref<4x1024x128xf32, #tpu.memory_space<vmem>>) attributes {dimension_semantics = [#tpu.dimension_semantics<arbitrary>], iteration_bounds = array<i64: 50>, scalar_prefetch = 0 : i64, scratch_operands = 0 : i64, tpu.core_type = #tpu.core_type<tc>, window_params = [{transform_indices = @transform_0, window_bounds = array<i64: 1024, 128>}, {pipeline_mode = #tpu.pipeline_mode<synchronous>, transform_indices = @transform_1, window_bounds = array<i64: 32, 128>}, {pipeline_mode = #tpu.pipeline_mode<synchronous>, transform_indices = @transform_2, window_bounds = array<i64: 1, 32>}, {transform_indices = @transform_3, window_bounds = array<i64: 4, 1024, 128>}]} {
    %get3A = arith.constant 0 : index
    %get3A_0 = arith.constant 0 : index
    %get3A_1 = vector.load %arg3[%get3A, %get3A_0] : memref<1x32xf32, #tpu.memory_space<vmem>>, vector<1x32xf32>
    %logistic3A = arith.negf %get3A_1 : vector<1x32xf32>
    %logistic3A_2 = math.exp %logistic3A : vector<1x32xf32>
    %logistic3A_3 = arith.constant 1.000000e+00 : f32
    %logistic3A_4 = vector.broadcast %logistic3A_3 : f32 to vector<1x32xf32>
    %logistic3A_5 = arith.addf %logistic3A_4, %logistic3A_2 : vector<1x32xf32>
    %logistic3A_6 = arith.divf %logistic3A_4, %logistic3A_5 : vector<1x32xf32>
    %get3A_7 = arith.constant 0 : index
    %get3A_8 = arith.constant 0 : index
    %get3A_9 = vector.load %arg2[%get3A_7, %get3A_8] : memref<32x128xf32, #tpu.memory_space<vmem>>, vector<32x128xf32>
    %reshape3A = vector.shape_cast %logistic3A_6 : vector<1x32xf32> to vector<32x1xf32>
    %mul3A = vector.broadcast %reshape3A : vector<32x1xf32> to vector<32x128xf32>
    %mul3A_10 = arith.mulf %get3A_9, %mul3A : vector<32x128xf32>
    %get3A_11 = arith.constant 0 : index
    %get3A_12 = arith.constant 0 : index
    %get3A_13 = vector.load %arg1[%get3A_11, %get3A_12] : memref<1024x128xf32, #tpu.memory_space<vmem>>, vector<1024x128xf32>
    %slice3A = vector.extract_strided_slice %get3A_13 {offsets = [0, 0], sizes = [1024, 32], strides = [1, 1]} : vector<1024x128xf32> to vector<1024x32xf32>
    %slice3A_14 = vector.extract_strided_slice %get3A_13 {offsets = [0, 32], sizes = [1024, 32], strides = [1, 1]} : vector<1024x128xf32> to vector<1024x32xf32>
    %slice3A_15 = vector.extract_strided_slice %get3A_13 {offsets = [0, 64], sizes = [1024, 32], strides = [1, 1]} : vector<1024x128xf32> to vector<1024x32xf32>
    %slice3A_16 = vector.extract_strided_slice %get3A_13 {offsets = [0, 96], sizes = [1024, 32], strides = [1, 1]} : vector<1024x128xf32> to vector<1024x32xf32>
    %concatenate3A = tpu.concatenate %slice3A, %slice3A_14, %slice3A_15, %slice3A_16 in 0 : vector<1024x32xf32>, vector<1024x32xf32>, vector<1024x32xf32>, vector<1024x32xf32> -> vector<4096x32xf32>
    %dot_general3A = arith.constant dense<0.000000e+00> : vector<4096x128xf32>
    %dot_general3A_17 = tpu.matmul %concatenate3A, %mul3A_10, %dot_general3A {dimension_numbers = #tpu.dot_dimension_numbers<[1], [0], [0], [1], [0, 0, 1, 1], [], []>, transpose_lhs_hint = false} : vector<4096x32xf32>, vector<32x128xf32>, vector<4096x128xf32> -> vector<4096x128xf32>
    %reshape3A_18 = vector.shape_cast %dot_general3A_17 : vector<4096x128xf32> to vector<4x1024x128xf32>
    %swap3A = arith.constant 0 : index
    %swap3A_19 = arith.constant 0 : index
    %swap3A_20 = arith.constant 0 : index
    %swap3A_21 = vector.load %arg4[%swap3A, %swap3A_19, %swap3A_20] : memref<4x1024x128xf32, #tpu.memory_space<vmem>>, vector<4x1024x128xf32>
    tpu.vector_store %arg4[%swap3A, %swap3A_19, %swap3A_20], %reshape3A_18 {strides = array<i32>} : memref<4x1024x128xf32, #tpu.memory_space<vmem>>, vector<4x1024x128xf32>,
    return
  }
  func.func @transform_0(%arg0: i32) -> (i32, i32) {
    %c0_i32 = arith.constant 0 : i32
    %c0_i32_0 = arith.constant 0 : i32
    return %arg0, %c0_i32 : i32, i32
  }
  func.func @transform_1(%arg0: i32) -> (i32, i32) {
    %c0_i32 = arith.constant 0 : i32
    %c0_i32_0 = arith.constant 0 : i32
    %c0_i32_1 = arith.constant 0 : i32
    return %c0_i32, %c0_i32_0 : i32, i32
  }
  func.func @transform_2(%arg0: i32) -> (i32, i32) {
    %c0_i32 = arith.constant 0 : i32
    %c0_i32_0 = arith.constant 0 : i32
    %c0_i32_1 = arith.constant 0 : i32
    return %c0_i32, %c0_i32_0 : i32, i32
  }
  func.func @transform_3(%arg0: i32) -> (i32, i32, i32) {
    %c0_i32 = arith.constant 0 : i32
    %c0_i32_0 = arith.constant 0 : i32
    %c0_i32_1 = arith.constant 0 : i32
    return %c0_i32, %arg0, %c0_i32_0 : i32, i32, i32
  }
}

</mosaic_0001>

<sc_bundles>
// kernel: kernel.5.cloned.1.call-start
scs
__scs_entry_jumppad:
0x0: {  	(pc) =	sbr.rel $0x88, $3  }
0x1: {  	(tag) =	ssettag $0x0;
	lr =	simm.s32 $0x1  }
0x2: {  	[smem:$0x3F9D] =	sst lr;
	_ =	strace $0xD0000000  }
0x3: {  	_ = 	snop  }
0x4: {  	_ = 	snop  }
0x5: {  	_ = 	snop  }
0x6: {  	_ = 	snop  }
0x7: {  	_ = 	snop  }
__scs_overlays_trampoline_lowered:
0x8: {  	[smem:$0x3FAC] =	sst s0  }
0x9: {  	[smem:$0x3FAD] =	sst s1  }
0xa: {  	[smem:$0x3FAE] =	sst s2  }
0xb: {  	[smem:$0x3FAF] =	sst s3  }
0xc: {  	[smem:$0x3FB0] =	sst s4  }
0xd: {  	[smem:$0x3FB1] =	sst s5  }
0xe: {  	[smem:$0x3FB2] =	sst s6  }
0xf: {  	[smem:$0x3FB3] =	sst s7  }
0x10: {  	[smem:$0x3FB4] =	sst s8  }
0x11: {  	[smem:$0x3FB5] =	sst s9;
	s0 =	simm.s32 @!p0 $0x0  }
0x12: {  	s1 =	sld [smem:$0x3F9B];
	s0 =	simm.s32 @p0 $0x1  }
0x13: {  	[smem:$0x3FB6] =	sst s0;
	s0 =	simm.s32 @!p1 $0x0  }
0x14: {  	s2 =	sld [smem:$0x3F9A];
	s0 =	simm.s32 @p1 $0x1  }
0x15: {  	[smem:$0x3FB7] =	sst s0;
	s0 =	simm.s32 @!p2 $0x0  }
0x16: {  	s3 =	sld [smem:$0x3FDB];
	s0 =	simm.s32 @p2 $0x1  }
0x17: {  	s4 =	simm.s32 $0x1BF5;
	[smem:$0x3FB9] =	sst s0  }
0x18: {  	s0 =	sld [smem:$0x3F9C];
	_ =	swait.ge [sflag:s4], $0x0  }
0x19: {  	s7 =	sld [smem:$0x3F9D]  }
0x1a: {  	s8 =	sadd.s32 $0xFFFFE003, lr  }
0x1b: {  	s9 =	sadd.s32 $0xFFFFFEF7, lr;
	s5 =	simm.s32 $0xFFFFFFFF;
	p2 =	slt.u32 s8, $0xFFFFF086  }
0x1c: {  	p1 =	slt.u32 s9, $0xF7A;
	s5 =	simm.s32 @!p2 $0x0  }
0x1d: {  	s5 =	simm.s32 @p1 $0x1;
	p0 =	seq.s32 s7, s2  }
0x1e: {  	s7 =	smul.u32 @!p0 $0xF7A, s2;
	p2 =	seq.s32 @!p0 s5, $0x0  }
0x1f: {  	s9 =	smul.u32 $0xF7A, s1;
	s8 =	simm.s32 @!p0 $0x1BF5;
	p2 =	por !p2, p0  }
0x20: {  	[sflag:s8] =	ssyncset.s32 @!p0 $0xFFFFF086;
	s6 =	sadd.s32 @!p0 s3, s7;
	s7 =	simm.s32 @!p0 $0x108  }
0x21: {  	s3 =	sadd.s32 s3, s9;
	s6 =	sadd.s32 @!p0 $0x88, s6;
	s7 =	simm.s32 @p2 $0x1082  }
0x22: {  	[simem:s7], [sflag:s8] =	dma.local @!p0 [hbm:s6], $0xF7A  }
0x23: {  	s9 =	sor.u32 $0xD0000000, s2;
	s6 =	simm.s32 $0x108;
	_ =	swait.ge @!p0 [sflag:s8], $0x0  }
0x24: {  	s3 =	sadd.s32 $0x88, s3;
	s6 =	simm.s32 @!p1 $0x1082;
	[sflag:s4] =	ssyncset.s32 $0xFFFFF086  }
0x25: {  	[simem:s6], [sflag:s4] =	dma.local [hbm:s3], $0xF7A  }
0x26: {  	[smem:$0x3F9D] =	sst s1;
	(tag) =	ssettag s2;
	_ =	strace s9  }
0x27: {  	s1 =	sld [smem:$0x3FAD]  }
0x28: {  	s2 =	sld [smem:$0x3FAE]  }
0x29: {  	s4 =	sld [smem:$0x3FB0]  }
0x2a: {  	p0 =	seq.s32 s5, $0x0;
	s5 =	sld [smem:$0x3FB1]  }
0x2b: {  	s6 =	sld [smem:$0x3FB2]  }
0x2c: {  	s7 =	sld [smem:$0x3FB3]  }
0x2d: {  	s3 =	simm.s32 $0x108;
	s8 =	sld [smem:$0x3FB4]  }
0x2e: {  	s3 =	simm.s32 @!p0 $0x1082;
	s9 =	sld [smem:$0x3FB5]  }
0x2f: {  	lr =	sadd.s32 s0, s3;
	s0 =	sld [smem:$0x3FAC]  }
0x30: {  	s3 =	sld [smem:$0x3FAF]  }
0x31: {  	[smem:$0x3FB8] =	sst s10  }
0x32: {  	s10 =	sld [smem:$0x3FB6];
	_ =	sdelay $0x3  }
0x33: {  	p0 =	seq.s32 s10, $0x1;
	s10 =	sld [smem:$0x3FB8];
	_ =	sdelay $0x3  }
0x34: {  	[smem:$0x3FB8] =	sst s10  }
0x35: {  	s10 =	sld [smem:$0x3FB7];
	_ =	sdelay $0x3  }
0x36: {  	p1 =	seq.s32 s10, $0x1;
	s10 =	sld [smem:$0x3FB8];
	_ =	sdelay $0x3  }
0x37: {  	[smem:$0x3FB8] =	sst s10  }
0x38: {  	s10 =	sld [smem:$0x3FB9]  }
0x39: {  	_ = 	snop;
	(pc) =	sbr.ind lr, $3  }
0x3a: {  	_ = 	snop  }
0x3b: {  	_ = 	snop  }
0x3c: {  	p2 =	seq.s32 s10, $0x1;
	s10 =	sld [smem:$0x3FB8]  }
0x3d: {  	_ =	shalt  }
0x3e: {  	_ =	shalt  }
0x3f: {  	_ =	shalt  }
0x40: {  	_ =	shalt  }
0x41: {  	_ =	shalt  }
0x42: {  	_ =	shalt  }
0x43: {  	_ =	shalt  }
0x44: {  	_ =	shalt  }
0x45: {  	_ =	shalt  }
0x46: {  	_ =	shalt  }
0x47: {  	_ =	shalt  }
0x48: {  	_ =	shalt  }
0x49: {  	_ =	shalt  }
0x4a: {  	_ =	shalt  }
0x4b: {  	_ =	shalt  }
0x4c: {  	_ =	shalt  }
0x4d: {  	_ =	shalt  }
0x4e: {  	_ =	shalt  }
0x4f: {  	_ =	shalt  }
0x50: {  	_ =	shalt  }
0x51: {  	_ =	shalt  }
0x52: {  	_ =	shalt  }
0x53: {  	_ =	shalt  }
0x54: {  	_ =	shalt  }
0x55: {  	_ =	shalt  }
0x56: {  	_ =	shalt  }
0x57: {  	_ =	shalt  }
0x58: {  	_ =	shalt  }
0x59: {  	_ =	shalt  }
0x5a: {  	_ =	shalt  }
0x5b: {  	_ =	shalt  }
0x5c: {  	_ =	shalt  }
0x5d: {  	_ =	shalt  }
0x5e: {  	_ =	shalt  }
0x5f: {  	_ =	shalt  }
0x60: {  	_ =	shalt  }
0x61: {  	_ =	shalt  }
0x62: {  	_ =	shalt  }
0x63: {  	_ =	shalt  }
0x64: {  	_ =	shalt  }
0x65: {  	_ =	shalt  }
0x66: {  	_ =	shalt  }
0x67: {  	_ =	shalt  }
0x68: {  	_ =	shalt  }
0x69: {  	_ =	shalt  }
0x6a: {  	_ =	shalt  }
0x6b: {  	_ =	shalt  }
0x6c: {  	_ =	shalt  }
0x6d: {  	_ =	shalt  }
0x6e: {  	_ =	shalt  }
0x6f: {  	_ =	shalt  }
0x70: {  	_ =	shalt  }
0x71: {  	_ =	shalt  }
0x72: {  	_ =	shalt  }
0x73: {  	_ =	shalt  }
0x74: {  	_ =	shalt  }
0x75: {  	_ =	shalt  }
0x76: {  	_ =	shalt  }
0x77: {  	_ =	shalt  }
0x78: {  	_ =	shalt  }
0x79: {  	_ =	shalt  }
0x7a: {  	_ =	shalt  }
0x7b: {  	_ =	shalt  }
0x7c: {  	_ =	shalt  }
0x7d: {  	_ =	shalt  }
0x7e: {  	_ =	shalt  }
0x7f: {  	_ =	shalt  }
0x80: {  	_ =	shalt  }
0x81: {  	_ =	shalt  }
0x82: {  	_ =	shalt  }
0x83: {  	_ =	shalt  }
0x84: {  	_ =	shalt  }
0x85: {  	_ =	shalt  }
0x86: {  	_ =	shalt  }
0x87: {  	_ =	shalt  }
.Lfunc_end0:
.L_simem_size_0:
called_computation_lowered:
.L_overlay_start_0:
0x88: {  	s2 =	sld [smem:$0x3FD9]  }
0x89: {  	s3 =	sld [smem:$0x3FFE];
	_ =	sdelay $0x1  }
0x8a: {  	s1 =	srdreg.scid  }
0x8b: {  	s0 =	sand.u32 $0x1, s1  }
0x8c: {  	s17 =	sshll.u32 s0, $0xA;
	s2 =	sadd.s32 s3, s2  }
0x8d: {  	s2 =	sadd.s32 s2, s17  }
0x8e: {  	[smem:$0x3FC4] =	sst s2  }
0x8f: {  	_ = 	snop  }
0x90: {  	s2 =	sld [smem:$0x3FC8];
	(tm) =	ssettm $0x1  }
0x91: {  	s18 =	sld [smem:$0x3FFB];
	_ =	sdelay $0x3  }
0x92: {  	_ =	strace s18  }
0x93: {  	s3 =	sld [smem:$0x3FFC];
	_ =	sdelay $0x3  }
0x94: {  	_ =	strace s3  }
0x95: {  	s3 =	sld [smem:$0x3FFD];
	_ =	sdelay $0x3  }
0x96: {  	_ =	strace s3  }
0x97: {  	_ =	strace $0x8FFFFFFF  }
0x98: {  	s19 =	sld [smem:$0x3FDB];
	_ =	sdelay $0x1  }
0x99: {  	s4 =	simm.s32 $_scs_section_size  }
0x9a: {  	s5 =	simm.s32 $_size__tile_overlayer_lowered;
	s6 =	simm.s32 $_tile_overlayer_lowered  }
0x9b: {  	s22 =	simm.s32 $0x1BFF;
	s21 =	sshll.u32 s6, $0x1;
	s3 =	sadd.s32 s4, s19  }
0x9c: {  	s7 =	simm.s32 $0x0;
	s20 =	sshll.u32 s5, $0x1;
	s5 =	sadd.s32 s21, s3  }
0x9d: {  	[timem:s7], [sflag:s22] =	dma.local [hbm:s5], s20  }
0x9e: {  	_ =	swait.ge [sflag:s22], s20  }
0x9f: {  	s4 =	ssub.s32 $0x0, s20;
	[sflag:s22] =	ssyncset.done $0x0  }
0xa0: {  	[sflag:s22] =	ssyncadd.s32 s4;
	_ =	sdelay $0x1  }
0xa1: {  	s23 =	simm.s32 $0x1B8B  }
0xa2: {  	_ =	swait.ge [sflag:s23], $0x1  }
0xa3: {  	[sflag:s23] =	ssyncset.done $0x0  }
0xa4: {  	s25 =	simm.s32 $0x1B8E;
	s24 =	sld [smem:$0x3FFE];
	[sflag:s23] =	ssyncadd.s32 $0xFFFFFFFF  }
0xa5: {  	s26 =	simm.s32 $execute0_lowered;
	[smem:$0x3FD2] =	sst s25  }
0xa6: {  	s5 =	sshll.u32 s26, $0x1;
	_ =	strace $0x80000046;
	[dreg:$0x1] =	wrdreg $0xFFFFFFFF  }
0xa7: {  	s28 =	simm.s32 $_size_execute0_lowered;
	s3 =	sadd.s32 s3, s5;
	[dreg:$0x0] =	wrdreg $0x0  }
0xa8: {  	s5 =	sshll.u32 s28, $0x1;
	[dreg:$0x2] =	wrdreg s3  }
0xa9: {  	[dreg:$0x3] =	wrdreg s5  }
0xaa: {  	[dreg:$0x4] =	wrdreg $0xC0  }
0xab: {  	_ =	task [dreg:s7], $0x5FFFF  }
0xac: {  	[dreg:$0x1] =	wrdreg $0xFFFFFFFF  }
0xad: {  	[dreg:$0x0] =	wrdreg $0x60  }
0xae: {  	[dreg:$0x2] =	wrdreg s2  }
0xaf: {  	[dreg:$0x3] =	wrdreg s24  }
0xb0: {  	[dreg:$0x4] =	wrdreg $0x9  }
0xb1: {  	_ =	task.clear_ibuf [dreg:s7], $0x5FFFF;
	_ =	strace $0x90000046  }
0xb2: {  	s29 =	simm.s32 $0x9;
	_ =	strace $0x80000048  }
0xb3: {  	_ =	swait.ge [sflag:s29], $0x1  }
0xb4: {  	[sflag:s29] =	ssyncadd.s32 $0xFFFFFFFF  }
0xb5: {  	_ =	strace $0x90000048  }
0xb6: {  	_ =	sfence  }
0xb7: {  	s30 =	sld [smem:$0x0];
	_ =	sdelay $0x2  }
0xb8: {  	s31 =	sshll.u32 s1, $0xD;
	s1 =	sshrl.u32 s1, $0x2  }
0xb9: {  	s3 =	sand.u32 $0x4000, s31;
	s1 =	sadd.s32 s1, s30  }
0xba: {  	s0 =	sor.u32 s3, s0;
	s1 =	sshll.u32 s1, $0x11  }
0xbb: {  	s0 =	sor.u32 s1, s0  }
0xbc: {  	s0 =	sadd.s32 $0x8F2B, s0  }
0xbd: {  	[sflag:s0] =	ssyncadd.remote.s32 $0x1  }
0xbe: {  	_ =	sfence.sel $0xFFFF  }
0xbf: {  	[dreg:$0x0] =	wrdreg $0xFFFFFFFF;
	(pc) =	sbr.abs _section_cstart, $3  }
0xc0: {  	[dreg:$0x1] =	wrdreg $0xFFFFFFFF  }
0xc1: {  	_ =	task.clear_ibuf [dreg:s7], $0x2FFFF;
	_ =	strace $0x9FFFFFFF  }
0xc2: {  	(tm) =	ssettm $0x7FFFFFFF  }
0xc3: {  	_ =	shalt  }
tec
execute0_lowered:
.L_overlay_start_1:
0x0: {  	(tag) =	ssettag $0x1  }
0x1: {  	v0 =	vlaneseq.u32  }
0x2: {  	v1 =	vmul.u32 $0x20, v0;
	v2 =	vor.u32 $0x3000, v0;
	v4 =	vor.u32 $0x10, v0  }
0x3: {  	v7 =	vor.u32 $0x20, v0;
	v10 =	vor.u32 $0x30, v0;
	v13 =	vor.u32 $0x40, v0  }
0x4: {  	v16 =	vor.u32 $0x50, v0;
	v19 =	vor.u32 $0x60, v0;
	v22 =	vor.u32 $0x70, v0  }
0x5: {  	v32 =	vor.u32 $0x400, v0;
	v34 =	vor.u32 $0x3400, v0;
	v36 =	vor.u32 $0x410, v0  }
0x6: {  	v38 =	vor.u32 $0x3410, v0;
	v40 =	vor.u32 $0x420, v0;
	v42 =	vor.u32 $0x3420, v0  }
0x7: {  	v44 =	vor.u32 $0x430, v0;
	v46 =	vor.u32 $0x3430, v0;
	v48 =	vor.u32 $0x440, v0  }
0x8: {  	v50 =	vor.u32 $0x3440, v0;
	v52 =	vor.u32 $0x450, v0;
	v54 =	vor.u32 $0x3450, v0  }
0x9: {  	s0 =	rddreg [dreg:$0x0];
	v56 =	vor.u32 $0x460, v0;
	v58 =	vor.u32 $0x3460, v0;
	v60 =	vor.u32 $0x470, v0  }
0xa: {  	s11 =	rddreg [dreg:$0x1];
	s3 =	simm.s32 $0x0;
	s14 =	simm.s32 $0x7A1400;
	v62 =	vor.u32 $0x3470, v0;
	v14 =	vor.u32 $0x800, v0;
	v3 =	vor.u32 $0x3800, v0  }
0xb: {  	s2 =	srdreg.scid;
	[smem:$0x7FF] =	sst s3;
	v9 =	vor.u32 $0x810, v0;
	v18 =	vor.u32 $0x3810, v0;
	[tilespmem:$0x1FF40] =	vst v2;
	v11 =	vor.u32 $0x10, v1  }
0xc: {  	s6 =	sand.u32 $0x1, s2;
	s2 =	rddreg [dreg:$0x2];
	v5 =	vor.u32 $0x200, v1;
	v15 =	vor.u32 $0x210, v1;
	v8 =	vor.u32 $0x400, v1;
	_ =	strace $0x80000047;
	[tilespmem:$0x1FF70] =	vst v18  }
0xd: {  	s1 =	stileid.u32;
	s15 =	simm.s32 $0x6000;
	v20 =	vor.u32 $0x410, v1;
	v21 =	vor.u32 $0x600, v1;
	v23 =	vor.u32 $0x610, v1;
	[tilespmem:$0x1FF80] =	vst v3  }
0xe: {  	s16 =	simm.s32 $0x1;
	s17 =	simm.s32 $0xC000;
	s4 =	sshll.u32 s1, $0x1;
	v24 =	vor.u32 $0x800, v1;
	v25 =	vor.u32 $0x810, v1;
	v26 =	vor.u32 $0xA00, v1;
	[tilespmem:$0x1FFA0] =	vst v9  }
0xf: {  	s4 =	sor.u32 s6, s4;
	s8 =	ssub.s32 $0x2, s6;
	s6 =	sadd.s32 $0x1000, s11;
	v27 =	vor.u32 $0xA10, v1;
	v28 =	vor.u32 $0xC00, v1;
	v17 =	vor.u32 $0x2200, v1;
	[tilespmem:$0x1FF50] =	vst v11  }
0x10: {  	s18 =	simm.s32 $0x2;
	s5 =	sadd.s32 $0xE00, s11;
	s11 =	sadd.s32 $0x3D1800, s11;
	v29 =	vor.u32 $0xC10, v1;
	v30 =	vor.u32 $0xE00, v1;
	v6 =	vor.u32 $0x2010, v1;
	[tilespmem:$0x1FF60] =	vst v17  }
0x11: {  	s19 =	simm.s32 $0x12000;
	s20 =	simm.s32 $0x3;
	v31 =	vor.u32 $0xE10, v1;
	v33 =	vor.u32 $0x1000, v1;
	v35 =	vor.u32 $0x1010, v1;
	s7 =	smul.u32 $0x1800, s4;
	[tilespmem:$0x1FF90] =	vst v6  }
.Ltmp0:
0x12: {  	s21 =	simm.s32 $0x4;
	s22 =	simm.s32 $0x0;
	v37 =	vor.u32 $0x1200, v1;
	v39 =	vor.u32 $0x1210, v1;
	v41 =	vor.u32 $0x1400, v1;
	[tilespmem:$0x1FFB0] =	vst v5;
	(pc) =	sbr.rel .LBB2_1-.Ltmp0, $4  }
0x13: {  	v43 =	vor.u32 $0x1410, v1;
	v45 =	vor.u32 $0x1600, v1;
	s9 =	smul.u32 $0x300, s4;
	v47 =	vor.u32 $0x1610, v1;
	s10 =	sshrl.u32 s8, $0x1;
	p0 =	sne.s32 s4, $0x1F;
	[tilespmem:$0x1FFC0] =	vst v15  }
0x14: {  	v49 =	vor.u32 $0x1800, v1;
	v51 =	vor.u32 $0x1810, v1;
	v53 =	vor.u32 $0x1A00, v1;
	s13 =	ssub.s32 s8, s10;
	s10 =	sor.u32 $0x60, s4;
	[tilespmem:$0x1FFD0] =	vst v8;
	s7 =	sshrl.u32 s7, $0x3  }
0x15: {  	v55 =	vor.u32 $0x1A10, v1;
	v57 =	vor.u32 $0x1C00, v1;
	v59 =	vor.u32 $0x1C10, v1;
	[tilespmem:$0x1FFE0] =	vst v20;
	s12 =	sadd.s32 s0, s7;
	s7 =	sadd.s32 s0, s9;
	s9 =	sor.u32 $0x40, s4  }
0x16: {  	v61 =	vor.u32 $0x1E00, v1;
	v63 =	vor.u32 $0x1E10, v1;
	v12 =	vor.u32 $0x2000, v1;
	[tilespmem:$0x1FFF0] =	vst v21;
	s8 =	sadd.s32 $0x6000, s12;
	s12 =	smax.u32 s13, $0x1;
	s13 =	simm.s32 $0x1800  }
.LBB2_11:
0x17: {  	_ =	swait.ge [sflag:s20], $0x6000  }
0x18: {  	[sflag:s20] =	ssyncset.done $0x0  }
0x19: {  	[sflag:s20] =	ssyncadd.s32 $0xFFFFA000  }
0x1a: {  	_ =	swait.ge [sflag:s21], $0x6000  }
0x1b: {  	s23 =	simm.s32 @!p0 $0x0;
	[sflag:s21] =	ssyncset.done $0x0  }
0x1c: {  	s24 =	simm.s32 @!p0 $0x18000;
	s25 =	simm.s32 @!p0 $0x5;
	[sflag:s21] =	ssyncadd.s32 $0xFFFFA000  }
0x1d: {  	[tilespmem:s24], [sflag:$0x5] =	stream.linear.gather @!p0 [hbm4b:s5+s23], $0x800, $0x38;
	[tilespmem:$0x18800] =	vst v63  }
0x1e: {  	s22 =	sadd.s32 $0x1, s22;
	_ =	swait.ge @!p0 [sflag:s25], $0x800  }
0x1f: {  	p1 =	sne.s32 s22, s12;
	[sflag:s25] =	ssyncset.done @!p0 $0x0  }
.Ltmp1:
0x20: {  	[sflag:s25] =	ssyncadd.s32 @!p0 $0xFFFFF800;
	(pc) =	sbr.rel @!p1 .LBB2_12-.Ltmp1, $4  }
0x21: {  	[hbm4b:s11+s23] =	stream.linear.scatter @!p0 [tilespmem:s24], [sflag:$0x5], $0x800, $0x38;
	[tilespmem:$0x18800] =	vst v63  }
0x22: {  	_ =	swait.ge @!p0 [sflag:s25], $0x800  }
0x23: {  	[sflag:s25] =	ssyncset.done @!p0 $0x0  }
0x24: {  	[sflag:s25] =	ssyncadd.s32 @!p0 $0xFFFFF800  }
.LBB2_1:
.Ltmp2:
0x25: {  	(pc) =	sbr.rel .LBB2_2-.Ltmp2, $4  }
0x26: {  	_ = 	snop  }
0x27: {  	[tilespmem:s3], [sflag:$0x1] =	stream.strided.gather [hbm4b:s7+s13], $0x6000, s14, s13, $0x38;
	[tilespmem:$0x18800] =	vst v63  }
0x28: {  	s23 =	simm.s32 $0x0  }
0x29: {  	[tilespmem:s15], [sflag:$0x2] =	stream.strided.gather [hbm4b:s8+s13], $0x6000, s14, s13, $0x38;
	[tilespmem:$0x18800] =	vst v63  }
.LBB2_10:
0x2a: {  	s24 =	sadd.s32 s10, s24  }
0x2b: {  	p1 =	sgt.u32 s24, $0x515  }
0x2c: {  	s24 =	smul.u32 @!p1 $0x300, s24  }
0x2d: {  	s23 =	sadd.s32 $0x1, s23;
	s25 =	simm.s32 @!p1 $0x1800  }
0x2e: {  	s26 =	simm.s32 @!p1 $0x7A1400;
	s28 =	simm.s32 @!p1 $0x6000;
	s24 =	sadd.s32 @!p1 s0, s24  }
0x2f: {  	[tilespmem:s28], [sflag:$0x2] =	stream.strided.gather @!p1 [hbm4b:s24+s25], $0x6000, s26, s25, $0x38;
	[tilespmem:$0x18800] =	vst v63  }
0x30: {  	p1 =	sne.s32 s23, $0x15  }
.Ltmp3:
0x31: {  	_ = 	snop;
	(pc) =	sbr.rel @!p1 .LBB2_11-.Ltmp3, $1  }
0x32: {  	_ =	sdelay $0x3  }
.LBB2_2:
0x33: {  	s24 =	sshll.u32 s23, $0x6  }
0x34: {  	s25 =	sor.u32 s4, s24  }
0x35: {  	p2 =	sgt.u32 s25, $0x515  }
.Ltmp4:
0x36: {  	_ = 	snop;
	(pc) =	sbr.rel @p2 .LBB2_6-.Ltmp4, $2  }
0x37: {  	_ =	sdelay $0x2  }
0x38: {  	p1 =	seq.s32 s23, $0x0  }
0x39: {  	_ =	swait.ge [sflag:s16], $0x6000  }
0x3a: {  	[sflag:s16] =	ssyncset.done $0x0  }
0x3b: {  	s26 =	simm.s32 @!p1 $0x3;
	[sflag:s16] =	ssyncadd.s32 $0xFFFFA000  }
0x3c: {  	_ =	swait.ge @!p1 [sflag:s26], $0x6000  }
0x3d: {  	[sflag:s26] =	ssyncset.done @!p1 $0x0  }
0x3e: {  	v17 =	vmov v15;
	v15 =	vmov v5;
	v18 =	vmov v8;
	[sflag:s26] =	ssyncadd.s32 @!p1 $0xFFFFA000;
	s26 =	simm.s32 $0x0  }
.LBB2_4:
0x3f: {  	v2 =	vadd.s32 s26, v0  }
0x40: {  	v3 =	vand.u32 $0xF, v2  }
0x41: {  	v5 =	vshrl.u32 v3, $0x3  }
0x42: {  	v6 =	vshll.u32 v2, $0x7;
	v5 =	vmul.u32 $0x1800, v5  }
0x43: {  	v6 =	vand.u32 $0x380, v6  }
0x44: {  	v5 =	vor.u32 v6, v5  }
0x45: {  	v6 =	vor.u32 v0, v5  }
0x46: {  	v9 =	vld [tilespmem:$0x1FF40];
	_ =	sdelay $0x3  }
0x47: {  	v8 =	vor.u32 v1, v3;
	v6 =	vld.idx.msk [tilespmem:v6+s3+$0x0], $0xffff  }
0x48: {  	v9 =	vadd.s32 v9, v5;
	_ =	sdelay $0x3  }
0x49: {  	[tilespmem:v8+s17+$0x0] =	vst.idx.msk $0xffff, v6  }
0x4a: {  	v8 =	vor.u32 v11, v2;
	v6 =	vld.idx.msk [tilespmem:v9+s3+$0x0], $0xffff  }
0x4b: {  	v9 =	vor.u32 v4, v5;
	_ =	sdelay $0x3  }
0x4c: {  	[tilespmem:v8+s17+$0x0] =	vst.idx.msk $0xffff, v6  }
0x4d: {  	v6 =	vadd.s32 $0x3000, v5;
	v8 =	vld.idx.msk [tilespmem:v9+s3+$0x0], $0xffff;
	v9 =	vor.u32 v15, v3  }
0x4e: {  	v11 =	vor.u32 v4, v6;
	_ =	sdelay $0x3  }
0x4f: {  	[tilespmem:v9+s17+$0x0] =	vst.idx.msk $0xffff, v8  }
0x50: {  	v9 =	vor.u32 v17, v2;
	v8 =	vld.idx.msk [tilespmem:v11+s3+$0x0], $0xffff  }
0x51: {  	v11 =	vor.u32 v7, v5;
	_ =	sdelay $0x3  }
0x52: {  	[tilespmem:v9+s17+$0x0] =	vst.idx.msk $0xffff, v8  }
0x53: {  	v9 =	vor.u32 v18, v3;
	v8 =	vld.idx.msk [tilespmem:v11+s3+$0x0], $0xffff  }
0x54: {  	v11 =	vor.u32 v7, v6;
	_ =	sdelay $0x3  }
0x55: {  	[tilespmem:v9+s17+$0x0] =	vst.idx.msk $0xffff, v8  }
0x56: {  	v9 =	vor.u32 v20, v2;
	v8 =	vld.idx.msk [tilespmem:v11+s3+$0x0], $0xffff  }
0x57: {  	v11 =	vor.u32 v10, v5;
	_ =	sdelay $0x3  }
0x58: {  	[tilespmem:v9+s17+$0x0] =	vst.idx.msk $0xffff, v8  }
0x59: {  	v9 =	vor.u32 v21, v3;
	v8 =	vld.idx.msk [tilespmem:v11+s3+$0x0], $0xffff  }
0x5a: {  	v11 =	vor.u32 v10, v6;
	_ =	sdelay $0x3  }
0x5b: {  	[tilespmem:v9+s17+$0x0] =	vst.idx.msk $0xffff, v8  }
0x5c: {  	v9 =	vor.u32 v23, v2;
	v8 =	vld.idx.msk [tilespmem:v11+s3+$0x0], $0xffff  }
0x5d: {  	v11 =	vor.u32 v13, v5;
	_ =	sdelay $0x3  }
0x5e: {  	[tilespmem:v9+s17+$0x0] =	vst.idx.msk $0xffff, v8  }
0x5f: {  	v9 =	vor.u32 v24, v3;
	v8 =	vld.idx.msk [tilespmem:v11+s3+$0x0], $0xffff  }
0x60: {  	v11 =	vor.u32 v13, v6;
	_ =	sdelay $0x3  }
0x61: {  	[tilespmem:v9+s17+$0x0] =	vst.idx.msk $0xffff, v8  }
0x62: {  	v9 =	vor.u32 v25, v2;
	v8 =	vld.idx.msk [tilespmem:v11+s3+$0x0], $0xffff  }
0x63: {  	v11 =	vor.u32 v16, v5;
	_ =	sdelay $0x3  }
0x64: {  	[tilespmem:v9+s17+$0x0] =	vst.idx.msk $0xffff, v8  }
0x65: {  	v9 =	vor.u32 v26, v3;
	v8 =	vld.idx.msk [tilespmem:v11+s3+$0x0], $0xffff  }
0x66: {  	v11 =	vor.u32 v16, v6;
	_ =	sdelay $0x3  }
0x67: {  	[tilespmem:v9+s17+$0x0] =	vst.idx.msk $0xffff, v8  }
0x68: {  	v9 =	vor.u32 v27, v2;
	v8 =	vld.idx.msk [tilespmem:v11+s3+$0x0], $0xffff  }
0x69: {  	v11 =	vor.u32 v19, v5;
	_ =	sdelay $0x3  }
0x6a: {  	[tilespmem:v9+s17+$0x0] =	vst.idx.msk $0xffff, v8  }
0x6b: {  	v9 =	vor.u32 v28, v3;
	v8 =	vld.idx.msk [tilespmem:v11+s3+$0x0], $0xffff  }
0x6c: {  	v11 =	vor.u32 v19, v6;
	_ =	sdelay $0x3  }
0x6d: {  	[tilespmem:v9+s17+$0x0] =	vst.idx.msk $0xffff, v8  }
0x6e: {  	v9 =	vor.u32 v29, v2;
	v8 =	vld.idx.msk [tilespmem:v11+s3+$0x0], $0xffff  }
0x6f: {  	v11 =	vor.u32 v22, v5;
	_ =	sdelay $0x3  }
0x70: {  	[tilespmem:v9+s17+$0x0] =	vst.idx.msk $0xffff, v8  }
0x71: {  	v9 =	vor.u32 v30, v3;
	v8 =	vld.idx.msk [tilespmem:v11+s3+$0x0], $0xffff  }
0x72: {  	v6 =	vor.u32 v22, v6;
	_ =	sdelay $0x3  }
0x73: {  	[tilespmem:v9+s17+$0x0] =	vst.idx.msk $0xffff, v8  }
0x74: {  	v8 =	vor.u32 v31, v2;
	v6 =	vld.idx.msk [tilespmem:v6+s3+$0x0], $0xffff  }
0x75: {  	v9 =	vor.u32 v32, v5;
	_ =	sdelay $0x3  }
0x76: {  	[tilespmem:v8+s17+$0x0] =	vst.idx.msk $0xffff, v6  }
0x77: {  	v8 =	vor.u32 v33, v3;
	v6 =	vld.idx.msk [tilespmem:v9+s3+$0x0], $0xffff  }
0x78: {  	v9 =	vadd.s32 v34, v5;
	_ =	sdelay $0x3  }
0x79: {  	[tilespmem:v8+s17+$0x0] =	vst.idx.msk $0xffff, v6  }
0x7a: {  	v8 =	vor.u32 v35, v2;
	v6 =	vld.idx.msk [tilespmem:v9+s3+$0x0], $0xffff  }
0x7b: {  	v9 =	vor.u32 v36, v5;
	_ =	sdelay $0x3  }
0x7c: {  	[tilespmem:v8+s17+$0x0] =	vst.idx.msk $0xffff, v6  }
0x7d: {  	v8 =	vor.u32 v37, v3;
	v6 =	vld.idx.msk [tilespmem:v9+s3+$0x0], $0xffff  }
0x7e: {  	v9 =	vadd.s32 v38, v5;
	_ =	sdelay $0x3  }
0x7f: {  	[tilespmem:v8+s17+$0x0] =	vst.idx.msk $0xffff, v6  }
0x80: {  	v8 =	vor.u32 v39, v2;
	v6 =	vld.idx.msk [tilespmem:v9+s3+$0x0], $0xffff  }
0x81: {  	v9 =	vor.u32 v40, v5;
	_ =	sdelay $0x3  }
0x82: {  	[tilespmem:v8+s17+$0x0] =	vst.idx.msk $0xffff, v6  }
0x83: {  	v8 =	vor.u32 v41, v3;
	v6 =	vld.idx.msk [tilespmem:v9+s3+$0x0], $0xffff  }
0x84: {  	v9 =	vadd.s32 v42, v5;
	_ =	sdelay $0x3  }
0x85: {  	[tilespmem:v8+s17+$0x0] =	vst.idx.msk $0xffff, v6  }
0x86: {  	v8 =	vor.u32 v43, v2;
	v6 =	vld.idx.msk [tilespmem:v9+s3+$0x0], $0xffff  }
0x87: {  	v9 =	vor.u32 v44, v5;
	_ =	sdelay $0x3  }
0x88: {  	[tilespmem:v8+s17+$0x0] =	vst.idx.msk $0xffff, v6  }
0x89: {  	v8 =	vor.u32 v45, v3;
	v6 =	vld.idx.msk [tilespmem:v9+s3+$0x0], $0xffff  }
0x8a: {  	v9 =	vadd.s32 v46, v5;
	_ =	sdelay $0x3  }
0x8b: {  	[tilespmem:v8+s17+$0x0] =	vst.idx.msk $0xffff, v6  }
0x8c: {  	v8 =	vor.u32 v47, v2;
	v6 =	vld.idx.msk [tilespmem:v9+s3+$0x0], $0xffff  }
0x8d: {  	v9 =	vor.u32 v48, v5;
	_ =	sdelay $0x3  }
0x8e: {  	[tilespmem:v8+s17+$0x0] =	vst.idx.msk $0xffff, v6  }
0x8f: {  	v8 =	vor.u32 v49, v3;
	v6 =	vld.idx.msk [tilespmem:v9+s3+$0x0], $0xffff  }
0x90: {  	v9 =	vadd.s32 v50, v5;
	_ =	sdelay $0x3  }
0x91: {  	[tilespmem:v8+s17+$0x0] =	vst.idx.msk $0xffff, v6  }
0x92: {  	v8 =	vor.u32 v51, v2;
	v6 =	vld.idx.msk [tilespmem:v9+s3+$0x0], $0xffff  }
0x93: {  	v9 =	vor.u32 v52, v5;
	_ =	sdelay $0x3  }
0x94: {  	[tilespmem:v8+s17+$0x0] =	vst.idx.msk $0xffff, v6  }
0x95: {  	v8 =	vor.u32 v53, v3;
	v6 =	vld.idx.msk [tilespmem:v9+s3+$0x0], $0xffff  }
0x96: {  	v9 =	vadd.s32 v54, v5;
	_ =	sdelay $0x3  }
0x97: {  	[tilespmem:v8+s17+$0x0] =	vst.idx.msk $0xffff, v6  }
0x98: {  	v8 =	vor.u32 v55, v2;
	v6 =	vld.idx.msk [tilespmem:v9+s3+$0x0], $0xffff  }
0x99: {  	v9 =	vor.u32 v56, v5;
	_ =	sdelay $0x3  }
0x9a: {  	[tilespmem:v8+s17+$0x0] =	vst.idx.msk $0xffff, v6  }
0x9b: {  	v8 =	vor.u32 v57, v3;
	v6 =	vld.idx.msk [tilespmem:v9+s3+$0x0], $0xffff  }
0x9c: {  	v9 =	vadd.s32 v58, v5;
	_ =	sdelay $0x3  }
0x9d: {  	[tilespmem:v8+s17+$0x0] =	vst.idx.msk $0xffff, v6  }
0x9e: {  	v8 =	vor.u32 v59, v2;
	v6 =	vld.idx.msk [tilespmem:v9+s3+$0x0], $0xffff  }
0x9f: {  	v9 =	vor.u32 v60, v5;
	_ =	sdelay $0x3  }
0xa0: {  	[tilespmem:v8+s17+$0x0] =	vst.idx.msk $0xffff, v6  }
0xa1: {  	v8 =	vor.u32 v61, v3;
	v6 =	vld.idx.msk [tilespmem:v9+s3+$0x0], $0xffff  }
0xa2: {  	v9 =	vadd.s32 v62, v5;
	_ =	sdelay $0x3  }
0xa3: {  	[tilespmem:v8+s17+$0x0] =	vst.idx.msk $0xffff, v6  }
0xa4: {  	v8 =	vor.u32 v63, v2;
	v6 =	vld.idx.msk [tilespmem:v9+s3+$0x0], $0xffff  }
0xa5: {  	v9 =	vadd.s32 v14, v5;
	_ =	sdelay $0x3  }
0xa6: {  	[tilespmem:v8+s17+$0x0] =	vst.idx.msk $0xffff, v6  }
0xa7: {  	v6 =	vld.idx.msk [tilespmem:v9+s3+$0x0], $0xffff  }
0xa8: {  	v9 =	vld [tilespmem:$0x1FF80];
	_ =	sdelay $0x3  }
0xa9: {  	v8 =	vor.u32 v12, v3  }
0xaa: {  	v9 =	vadd.s32 v9, v5;
	_ =	sdelay $0x3  }
0xab: {  	[tilespmem:v8+s17+$0x0] =	vst.idx.msk $0xffff, v6;
	v8 =	vld [tilespmem:$0x1FF90]  }
0xac: {  	v6 =	vld.idx.msk [tilespmem:v9+s3+$0x0], $0xffff  }
0xad: {  	v9 =	vld [tilespmem:$0x1FFA0];
	_ =	sdelay $0x3  }
0xae: {  	v8 =	vor.u32 v8, v2  }
0xaf: {  	v9 =	vadd.s32 v9, v5;
	_ =	sdelay $0x3  }
0xb0: {  	[tilespmem:v8+s17+$0x0] =	vst.idx.msk $0xffff, v6;
	v8 =	vld [tilespmem:$0x1FF60]  }
0xb1: {  	v6 =	vld.idx.msk [tilespmem:v9+s3+$0x0], $0xffff  }
0xb2: {  	v9 =	vld [tilespmem:$0x1FF70];
	_ =	sdelay $0x3  }
0xb3: {  	v8 =	vor.u32 v8, v3  }
0xb4: {  	v9 =	vadd.s32 v9, v5;
	_ =	sdelay $0x3  }
0xb5: {  	[tilespmem:v8+s17+$0x0] =	vst.idx.msk $0xffff, v6;
	v6 =	vor.u32 $0x2210, v1  }
0xb6: {  	v6 =	vor.u32 v6, v2;
	v8 =	vld.idx.msk [tilespmem:v9+s3+$0x0], $0xffff;
	v9 =	vor.u32 $0x820, v0  }
0xb7: {  	v9 =	vadd.s32 v9, v5;
	_ =	sdelay $0x3  }
0xb8: {  	[tilespmem:v6+s17+$0x0] =	vst.idx.msk $0xffff, v8;
	v6 =	vor.u32 $0x2400, v1  }
0xb9: {  	v8 =	vld.idx.msk [tilespmem:v9+s3+$0x0], $0xffff;
	v6 =	vor.u32 v6, v3;
	v9 =	vor.u32 $0x3820, v0  }
0xba: {  	v9 =	vadd.s32 v9, v5;
	_ =	sdelay $0x3  }
0xbb: {  	[tilespmem:v6+s17+$0x0] =	vst.idx.msk $0xffff, v8;
	v6 =	vor.u32 $0x2410, v1  }
0xbc: {  	v8 =	vld.idx.msk [tilespmem:v9+s3+$0x0], $0xffff;
	v6 =	vor.u32 v6, v2;
	v9 =	vor.u32 $0x830, v0  }
0xbd: {  	v9 =	vadd.s32 v9, v5;
	_ =	sdelay $0x3  }
0xbe: {  	[tilespmem:v6+s17+$0x0] =	vst.idx.msk $0xffff, v8;
	v6 =	vor.u32 $0x2600, v1  }
0xbf: {  	v8 =	vld.idx.msk [tilespmem:v9+s3+$0x0], $0xffff;
	v6 =	vor.u32 v6, v3;
	v9 =	vor.u32 $0x3830, v0  }
0xc0: {  	v9 =	vadd.s32 v9, v5;
	_ =	sdelay $0x3  }
0xc1: {  	[tilespmem:v6+s17+$0x0] =	vst.idx.msk $0xffff, v8;
	v6 =	vor.u32 $0x2610, v1  }
0xc2: {  	v8 =	vld.idx.msk [tilespmem:v9+s3+$0x0], $0xffff;
	v6 =	vor.u32 v6, v2;
	v9 =	vor.u32 $0x840, v0  }
0xc3: {  	v9 =	vadd.s32 v9, v5;
	_ =	sdelay $0x3  }
0xc4: {  	[tilespmem:v6+s17+$0x0] =	vst.idx.msk $0xffff, v8;
	v6 =	vor.u32 $0x2800, v1  }
0xc5: {  	v8 =	vld.idx.msk [tilespmem:v9+s3+$0x0], $0xffff;
	v6 =	vor.u32 v6, v3;
	v9 =	vor.u32 $0x3840, v0  }
0xc6: {  	v9 =	vadd.s32 v9, v5;
	_ =	sdelay $0x3  }
0xc7: {  	[tilespmem:v6+s17+$0x0] =	vst.idx.msk $0xffff, v8;
	v6 =	vor.u32 $0x2810, v1  }
0xc8: {  	v8 =	vld.idx.msk [tilespmem:v9+s3+$0x0], $0xffff;
	v6 =	vor.u32 v6, v2;
	v9 =	vor.u32 $0x850, v0  }
0xc9: {  	v9 =	vadd.s32 v9, v5;
	_ =	sdelay $0x3  }
0xca: {  	[tilespmem:v6+s17+$0x0] =	vst.idx.msk $0xffff, v8;
	v6 =	vor.u32 $0x2A00, v1  }
0xcb: {  	v8 =	vld.idx.msk [tilespmem:v9+s3+$0x0], $0xffff;
	v6 =	vor.u32 v6, v3;
	v9 =	vor.u32 $0x3850, v0  }
0xcc: {  	v9 =	vadd.s32 v9, v5;
	_ =	sdelay $0x3  }
0xcd: {  	[tilespmem:v6+s17+$0x0] =	vst.idx.msk $0xffff, v8;
	v6 =	vor.u32 $0x2A10, v1  }
0xce: {  	v8 =	vld.idx.msk [tilespmem:v9+s3+$0x0], $0xffff;
	v6 =	vor.u32 v6, v2;
	v9 =	vor.u32 $0x860, v0  }
0xcf: {  	v9 =	vadd.s32 v9, v5;
	_ =	sdelay $0x3  }
0xd0: {  	[tilespmem:v6+s17+$0x0] =	vst.idx.msk $0xffff, v8;
	v6 =	vor.u32 $0x2C00, v1  }
0xd1: {  	v8 =	vld.idx.msk [tilespmem:v9+s3+$0x0], $0xffff;
	v6 =	vor.u32 v6, v3;
	v9 =	vor.u32 $0x3860, v0  }
0xd2: {  	v9 =	vadd.s32 v9, v5;
	_ =	sdelay $0x3  }
0xd3: {  	[tilespmem:v6+s17+$0x0] =	vst.idx.msk $0xffff, v8;
	v6 =	vor.u32 $0x2C10, v1  }
0xd4: {  	v8 =	vld.idx.msk [tilespmem:v9+s3+$0x0], $0xffff;
	v6 =	vor.u32 v6, v2;
	v9 =	vor.u32 $0x870, v0  }
0xd5: {  	v9 =	vadd.s32 v9, v5;
	_ =	sdelay $0x3  }
0xd6: {  	[tilespmem:v6+s17+$0x0] =	vst.idx.msk $0xffff, v8;
	v6 =	vor.u32 $0x2E00, v1  }
0xd7: {  	v8 =	vld.idx.msk [tilespmem:v9+s3+$0x0], $0xffff;
	v6 =	vor.u32 v6, v3;
	v9 =	vor.u32 $0x3870, v0  }
0xd8: {  	v9 =	vadd.s32 v9, v5;
	_ =	sdelay $0x3  }
0xd9: {  	[tilespmem:v6+s17+$0x0] =	vst.idx.msk $0xffff, v8;
	v6 =	vor.u32 $0x2E10, v1  }
0xda: {  	v8 =	vld.idx.msk [tilespmem:v9+s3+$0x0], $0xffff;
	v6 =	vor.u32 v6, v2;
	v9 =	vor.u32 $0xC00, v0  }
0xdb: {  	v9 =	vadd.s32 v9, v5;
	_ =	sdelay $0x3  }
0xdc: {  	[tilespmem:v6+s17+$0x0] =	vst.idx.msk $0xffff, v8;
	v6 =	vor.u32 $0x3000, v1  }
0xdd: {  	v8 =	vld.idx.msk [tilespmem:v9+s3+$0x0], $0xffff;
	v6 =	vor.u32 v6, v3;
	v9 =	vor.u32 $0x3C00, v0  }
0xde: {  	v9 =	vadd.s32 v9, v5;
	_ =	sdelay $0x3  }
0xdf: {  	[tilespmem:v6+s17+$0x0] =	vst.idx.msk $0xffff, v8;
	v6 =	vor.u32 $0x3010, v1  }
0xe0: {  	v8 =	vld.idx.msk [tilespmem:v9+s3+$0x0], $0xffff;
	v6 =	vor.u32 v6, v2;
	v9 =	vor.u32 $0xC10, v0  }
0xe1: {  	v9 =	vadd.s32 v9, v5;
	_ =	sdelay $0x3  }
0xe2: {  	[tilespmem:v6+s17+$0x0] =	vst.idx.msk $0xffff, v8;
	v6 =	vor.u32 $0x3200, v1  }
0xe3: {  	v8 =	vld.idx.msk [tilespmem:v9+s3+$0x0], $0xffff;
	v6 =	vor.u32 v6, v3;
	v9 =	vor.u32 $0x3C10, v0  }
0xe4: {  	v9 =	vadd.s32 v9, v5;
	_ =	sdelay $0x3  }
0xe5: {  	[tilespmem:v6+s17+$0x0] =	vst.idx.msk $0xffff, v8;
	v6 =	vor.u32 $0x3210, v1  }
0xe6: {  	v8 =	vld.idx.msk [tilespmem:v9+s3+$0x0], $0xffff;
	v6 =	vor.u32 v6, v2;
	v9 =	vor.u32 $0xC20, v0  }
0xe7: {  	v9 =	vadd.s32 v9, v5;
	_ =	sdelay $0x3  }
0xe8: {  	[tilespmem:v6+s17+$0x0] =	vst.idx.msk $0xffff, v8;
	v6 =	vor.u32 $0x3400, v1  }
0xe9: {  	v8 =	vld.idx.msk [tilespmem:v9+s3+$0x0], $0xffff;
	v6 =	vor.u32 v6, v3;
	v9 =	vor.u32 $0x3C20, v0  }
0xea: {  	v9 =	vadd.s32 v9, v5;
	_ =	sdelay $0x3  }
0xeb: {  	[tilespmem:v6+s17+$0x0] =	vst.idx.msk $0xffff, v8;
	v6 =	vor.u32 $0x3410, v1  }
0xec: {  	v8 =	vld.idx.msk [tilespmem:v9+s3+$0x0], $0xffff;
	v6 =	vor.u32 v6, v2;
	v9 =	vor.u32 $0xC30, v0  }
0xed: {  	v9 =	vadd.s32 v9, v5;
	_ =	sdelay $0x3  }
0xee: {  	[tilespmem:v6+s17+$0x0] =	vst.idx.msk $0xffff, v8;
	v6 =	vor.u32 $0x3600, v1  }
0xef: {  	v8 =	vld.idx.msk [tilespmem:v9+s3+$0x0], $0xffff;
	v6 =	vor.u32 v6, v3;
	v9 =	vor.u32 $0x3C30, v0  }
0xf0: {  	v9 =	vadd.s32 v9, v5;
	_ =	sdelay $0x3  }
0xf1: {  	[tilespmem:v6+s17+$0x0] =	vst.idx.msk $0xffff, v8;
	v6 =	vor.u32 $0x3610, v1  }
0xf2: {  	v8 =	vld.idx.msk [tilespmem:v9+s3+$0x0], $0xffff;
	v6 =	vor.u32 v6, v2;
	v9 =	vor.u32 $0xC40, v0  }
0xf3: {  	v9 =	vadd.s32 v9, v5;
	_ =	sdelay $0x3  }
0xf4: {  	[tilespmem:v6+s17+$0x0] =	vst.idx.msk $0xffff, v8;
	v6 =	vor.u32 $0x3800, v1  }
0xf5: {  	v8 =	vld.idx.msk [tilespmem:v9+s3+$0x0], $0xffff;
	v6 =	vor.u32 v6, v3;
	v9 =	vor.u32 $0x3C40, v0  }
0xf6: {  	v9 =	vadd.s32 v9, v5;
	_ =	sdelay $0x3  }
0xf7: {  	[tilespmem:v6+s17+$0x0] =	vst.idx.msk $0xffff, v8;
	v6 =	vor.u32 $0x3810, v1  }
0xf8: {  	v8 =	vld.idx.msk [tilespmem:v9+s3+$0x0], $0xffff;
	v6 =	vor.u32 v6, v2;
	v9 =	vor.u32 $0xC50, v0  }
0xf9: {  	v9 =	vadd.s32 v9, v5;
	_ =	sdelay $0x3  }
0xfa: {  	[tilespmem:v6+s17+$0x0] =	vst.idx.msk $0xffff, v8;
	v6 =	vor.u32 $0x3A00, v1  }
0xfb: {  	v8 =	vld.idx.msk [tilespmem:v9+s3+$0x0], $0xffff;
	v6 =	vor.u32 v6, v3;
	v9 =	vor.u32 $0x3C50, v0  }
0xfc: {  	v9 =	vadd.s32 v9, v5;
	_ =	sdelay $0x3  }
0xfd: {  	[tilespmem:v6+s17+$0x0] =	vst.idx.msk $0xffff, v8;
	v6 =	vor.u32 $0x3A10, v1  }
0xfe: {  	v8 =	vld.idx.msk [tilespmem:v9+s3+$0x0], $0xffff;
	v6 =	vor.u32 v6, v2;
	v9 =	vor.u32 $0xC60, v0  }
0xff: {  	v9 =	vadd.s32 v9, v5;
	_ =	sdelay $0x3  }
0x100: {  	[tilespmem:v6+s17+$0x0] =	vst.idx.msk $0xffff, v8;
	v6 =	vor.u32 $0x3C00, v1  }
0x101: {  	v8 =	vld.idx.msk [tilespmem:v9+s3+$0x0], $0xffff;
	v6 =	vor.u32 v6, v3;
	v9 =	vor.u32 $0x3C60, v0  }
0x102: {  	v9 =	vadd.s32 v9, v5;
	_ =	sdelay $0x3  }
0x103: {  	[tilespmem:v6+s17+$0x0] =	vst.idx.msk $0xffff, v8;
	v6 =	vor.u32 $0x3C10, v1  }
0x104: {  	v8 =	vld.idx.msk [tilespmem:v9+s3+$0x0], $0xffff;
	v6 =	vor.u32 v6, v2;
	v9 =	vor.u32 $0xC70, v0  }
0x105: {  	v9 =	vadd.s32 v9, v5;
	_ =	sdelay $0x3  }
0x106: {  	[tilespmem:v6+s17+$0x0] =	vst.idx.msk $0xffff, v8;
	v6 =	vor.u32 $0x3E00, v1  }
0x107: {  	v8 =	vld.idx.msk [tilespmem:v9+s3+$0x0], $0xffff;
	v6 =	vor.u32 v6, v3;
	v9 =	vor.u32 $0x3C70, v0  }
0x108: {  	v9 =	vadd.s32 v9, v5;
	_ =	sdelay $0x3  }
0x109: {  	[tilespmem:v6+s17+$0x0] =	vst.idx.msk $0xffff, v8;
	v6 =	vor.u32 $0x3E10, v1  }
0x10a: {  	v8 =	vld.idx.msk [tilespmem:v9+s3+$0x0], $0xffff;
	v6 =	vor.u32 v6, v2;
	v9 =	vor.u32 $0x1000, v0  }
0x10b: {  	v9 =	vadd.s32 v9, v5;
	_ =	sdelay $0x3  }
0x10c: {  	[tilespmem:v6+s17+$0x0] =	vst.idx.msk $0xffff, v8;
	v6 =	vor.u32 $0x4000, v1  }
0x10d: {  	v8 =	vld.idx.msk [tilespmem:v9+s3+$0x0], $0xffff;
	v6 =	vor.u32 v6, v3;
	v9 =	vor.u32 $0x4000, v0  }
0x10e: {  	v9 =	vor.u32 v9, v5;
	_ =	sdelay $0x3  }
0x10f: {  	[tilespmem:v6+s17+$0x0] =	vst.idx.msk $0xffff, v8;
	v6 =	vor.u32 $0x4010, v1  }
0x110: {  	v8 =	vld.idx.msk [tilespmem:v9+s3+$0x0], $0xffff;
	v6 =	vor.u32 v6, v2;
	v9 =	vor.u32 $0x1010, v0  }
0x111: {  	v9 =	vadd.s32 v9, v5;
	_ =	sdelay $0x3  }
0x112: {  	[tilespmem:v6+s17+$0x0] =	vst.idx.msk $0xffff, v8;
	v6 =	vor.u32 $0x4200, v1  }
0x113: {  	v8 =	vld.idx.msk [tilespmem:v9+s3+$0x0], $0xffff;
	v6 =	vor.u32 v6, v3;
	v9 =	vor.u32 $0x4010, v0  }
0x114: {  	v9 =	vor.u32 v9, v5;
	_ =	sdelay $0x3  }
0x115: {  	[tilespmem:v6+s17+$0x0] =	vst.idx.msk $0xffff, v8;
	v6 =	vor.u32 $0x4210, v1  }
0x116: {  	v8 =	vld.idx.msk [tilespmem:v9+s3+$0x0], $0xffff;
	v6 =	vor.u32 v6, v2;
	v9 =	vor.u32 $0x1020, v0  }
0x117: {  	v9 =	vadd.s32 v9, v5;
	_ =	sdelay $0x3  }
0x118: {  	[tilespmem:v6+s17+$0x0] =	vst.idx.msk $0xffff, v8;
	v6 =	vor.u32 $0x4400, v1  }
0x119: {  	v8 =	vld.idx.msk [tilespmem:v9+s3+$0x0], $0xffff;
	v6 =	vor.u32 v6, v3;
	v9 =	vor.u32 $0x4020, v0  }
0x11a: {  	v9 =	vor.u32 v9, v5;
	_ =	sdelay $0x3  }
0x11b: {  	[tilespmem:v6+s17+$0x0] =	vst.idx.msk $0xffff, v8;
	v6 =	vor.u32 $0x4410, v1  }
0x11c: {  	v8 =	vld.idx.msk [tilespmem:v9+s3+$0x0], $0xffff;
	v6 =	vor.u32 v6, v2;
	v9 =	vor.u32 $0x1030, v0  }
0x11d: {  	v9 =	vadd.s32 v9, v5;
	_ =	sdelay $0x3  }
0x11e: {  	[tilespmem:v6+s17+$0x0] =	vst.idx.msk $0xffff, v8;
	v6 =	vor.u32 $0x4600, v1  }
0x11f: {  	v8 =	vld.idx.msk [tilespmem:v9+s3+$0x0], $0xffff;
	v6 =	vor.u32 v6, v3;
	v9 =	vor.u32 $0x4030, v0  }
0x120: {  	v9 =	vor.u32 v9, v5;
	_ =	sdelay $0x3  }
0x121: {  	[tilespmem:v6+s17+$0x0] =	vst.idx.msk $0xffff, v8;
	v6 =	vor.u32 $0x4610, v1  }
0x122: {  	v8 =	vld.idx.msk [tilespmem:v9+s3+$0x0], $0xffff;
	v6 =	vor.u32 v6, v2;
	v9 =	vor.u32 $0x1040, v0  }
0x123: {  	v9 =	vadd.s32 v9, v5;
	_ =	sdelay $0x3  }
0x124: {  	[tilespmem:v6+s17+$0x0] =	vst.idx.msk $0xffff, v8;
	v6 =	vor.u32 $0x4800, v1  }
0x125: {  	v8 =	vld.idx.msk [tilespmem:v9+s3+$0x0], $0xffff;
	v6 =	vor.u32 v6, v3;
	v9 =	vor.u32 $0x4040, v0  }
0x126: {  	v9 =	vor.u32 v9, v5;
	_ =	sdelay $0x3  }
0x127: {  	[tilespmem:v6+s17+$0x0] =	vst.idx.msk $0xffff, v8;
	v6 =	vor.u32 $0x4810, v1  }
0x128: {  	v8 =	vld.idx.msk [tilespmem:v9+s3+$0x0], $0xffff;
	v6 =	vor.u32 v6, v2;
	v9 =	vor.u32 $0x1050, v0  }
0x129: {  	v9 =	vadd.s32 v9, v5;
	_ =	sdelay $0x3  }
0x12a: {  	[tilespmem:v6+s17+$0x0] =	vst.idx.msk $0xffff, v8;
	v6 =	vor.u32 $0x4A00, v1  }
0x12b: {  	v8 =	vld.idx.msk [tilespmem:v9+s3+$0x0], $0xffff;
	v6 =	vor.u32 v6, v3;
	v9 =	vor.u32 $0x4050, v0  }
0x12c: {  	v9 =	vor.u32 v9, v5;
	_ =	sdelay $0x3  }
0x12d: {  	[tilespmem:v6+s17+$0x0] =	vst.idx.msk $0xffff, v8;
	v6 =	vor.u32 $0x4A10, v1  }
0x12e: {  	v8 =	vld.idx.msk [tilespmem:v9+s3+$0x0], $0xffff;
	v6 =	vor.u32 v6, v2;
	v9 =	vor.u32 $0x1060, v0  }
0x12f: {  	v9 =	vadd.s32 v9, v5;
	_ =	sdelay $0x3  }
0x130: {  	[tilespmem:v6+s17+$0x0] =	vst.idx.msk $0xffff, v8;
	v6 =	vor.u32 $0x4C00, v1  }
0x131: {  	v8 =	vld.idx.msk [tilespmem:v9+s3+$0x0], $0xffff;
	v6 =	vor.u32 v6, v3;
	v9 =	vor.u32 $0x4060, v0  }
0x132: {  	v9 =	vor.u32 v9, v5;
	_ =	sdelay $0x3  }
0x133: {  	[tilespmem:v6+s17+$0x0] =	vst.idx.msk $0xffff, v8;
	v6 =	vor.u32 $0x4C10, v1  }
0x134: {  	v8 =	vld.idx.msk [tilespmem:v9+s3+$0x0], $0xffff;
	v6 =	vor.u32 v6, v2;
	v9 =	vor.u32 $0x1070, v0  }
0x135: {  	v9 =	vadd.s32 v9, v5;
	_ =	sdelay $0x3  }
0x136: {  	[tilespmem:v6+s17+$0x0] =	vst.idx.msk $0xffff, v8;
	v6 =	vor.u32 $0x4E00, v1  }
0x137: {  	v8 =	vld.idx.msk [tilespmem:v9+s3+$0x0], $0xffff;
	v6 =	vor.u32 v6, v3;
	v9 =	vor.u32 $0x4070, v0  }
0x138: {  	v9 =	vor.u32 v9, v5;
	_ =	sdelay $0x3  }
0x139: {  	[tilespmem:v6+s17+$0x0] =	vst.idx.msk $0xffff, v8;
	v6 =	vor.u32 $0x4E10, v1  }
0x13a: {  	v8 =	vld.idx.msk [tilespmem:v9+s3+$0x0], $0xffff;
	v6 =	vor.u32 v6, v2;
	v9 =	vor.u32 $0x1400, v0  }
0x13b: {  	v9 =	vadd.s32 v9, v5;
	_ =	sdelay $0x3  }
0x13c: {  	[tilespmem:v6+s17+$0x0] =	vst.idx.msk $0xffff, v8;
	v6 =	vor.u32 $0x5000, v1  }
0x13d: {  	v8 =	vld.idx.msk [tilespmem:v9+s3+$0x0], $0xffff;
	v6 =	vor.u32 v6, v3;
	v9 =	vor.u32 $0x4400, v0  }
0x13e: {  	v9 =	vor.u32 v9, v5;
	_ =	sdelay $0x3  }
0x13f: {  	[tilespmem:v6+s17+$0x0] =	vst.idx.msk $0xffff, v8;
	v6 =	vor.u32 $0x5010, v1  }
0x140: {  	v8 =	vld.idx.msk [tilespmem:v9+s3+$0x0], $0xffff;
	v6 =	vor.u32 v6, v2;
	v9 =	vor.u32 $0x1410, v0  }
0x141: {  	v9 =	vadd.s32 v9, v5;
	_ =	sdelay $0x3  }
0x142: {  	[tilespmem:v6+s17+$0x0] =	vst.idx.msk $0xffff, v8;
	v6 =	vor.u32 $0x5200, v1  }
0x143: {  	v8 =	vld.idx.msk [tilespmem:v9+s3+$0x0], $0xffff;
	v6 =	vor.u32 v6, v3;
	v9 =	vor.u32 $0x4410, v0  }
0x144: {  	v9 =	vor.u32 v9, v5;
	_ =	sdelay $0x3  }
0x145: {  	[tilespmem:v6+s17+$0x0] =	vst.idx.msk $0xffff, v8;
	v6 =	vor.u32 $0x5210, v1  }
0x146: {  	v8 =	vld.idx.msk [tilespmem:v9+s3+$0x0], $0xffff;
	v6 =	vor.u32 v6, v2;
	v9 =	vor.u32 $0x1420, v0  }
0x147: {  	v9 =	vadd.s32 v9, v5;
	_ =	sdelay $0x3  }
0x148: {  	[tilespmem:v6+s17+$0x0] =	vst.idx.msk $0xffff, v8;
	v6 =	vor.u32 $0x5400, v1  }
0x149: {  	v8 =	vld.idx.msk [tilespmem:v9+s3+$0x0], $0xffff;
	v6 =	vor.u32 v6, v3;
	v9 =	vor.u32 $0x4420, v0  }
0x14a: {  	v9 =	vor.u32 v9, v5;
	_ =	sdelay $0x3  }
0x14b: {  	[tilespmem:v6+s17+$0x0] =	vst.idx.msk $0xffff, v8;
	v6 =	vor.u32 $0x5410, v1  }
0x14c: {  	v8 =	vld.idx.msk [tilespmem:v9+s3+$0x0], $0xffff;
	v6 =	vor.u32 v6, v2;
	v9 =	vor.u32 $0x1430, v0  }
0x14d: {  	v9 =	vadd.s32 v9, v5;
	_ =	sdelay $0x3  }
0x14e: {  	[tilespmem:v6+s17+$0x0] =	vst.idx.msk $0xffff, v8;
	v6 =	vor.u32 $0x5600, v1  }
0x14f: {  	v8 =	vld.idx.msk [tilespmem:v9+s3+$0x0], $0xffff;
	v6 =	vor.u32 v6, v3;
	v9 =	vor.u32 $0x4430, v0  }
0x150: {  	v9 =	vor.u32 v9, v5;
	_ =	sdelay $0x3  }
0x151: {  	[tilespmem:v6+s17+$0x0] =	vst.idx.msk $0xffff, v8;
	v6 =	vor.u32 $0x5610, v1  }
0x152: {  	v8 =	vld.idx.msk [tilespmem:v9+s3+$0x0], $0xffff;
	v6 =	vor.u32 v6, v2;
	v9 =	vor.u32 $0x1440, v0  }
0x153: {  	v9 =	vadd.s32 v9, v5;
	_ =	sdelay $0x3  }
0x154: {  	[tilespmem:v6+s17+$0x0] =	vst.idx.msk $0xffff, v8;
	v6 =	vor.u32 $0x5800, v1  }
0x155: {  	v8 =	vld.idx.msk [tilespmem:v9+s3+$0x0], $0xffff;
	v6 =	vor.u32 v6, v3;
	v9 =	vor.u32 $0x4440, v0  }
0x156: {  	v9 =	vor.u32 v9, v5;
	_ =	sdelay $0x3  }
0x157: {  	[tilespmem:v6+s17+$0x0] =	vst.idx.msk $0xffff, v8;
	v6 =	vor.u32 $0x5810, v1  }
0x158: {  	v8 =	vld.idx.msk [tilespmem:v9+s3+$0x0], $0xffff;
	v6 =	vor.u32 v6, v2;
	v9 =	vor.u32 $0x1450, v0  }
0x159: {  	v9 =	vadd.s32 v9, v5;
	_ =	sdelay $0x3  }
0x15a: {  	[tilespmem:v6+s17+$0x0] =	vst.idx.msk $0xffff, v8;
	v6 =	vor.u32 $0x5A00, v1  }
0x15b: {  	v8 =	vld.idx.msk [tilespmem:v9+s3+$0x0], $0xffff;
	v6 =	vor.u32 v6, v3;
	v9 =	vor.u32 $0x4450, v0  }
0x15c: {  	v9 =	vor.u32 v9, v5;
	_ =	sdelay $0x3  }
0x15d: {  	[tilespmem:v6+s17+$0x0] =	vst.idx.msk $0xffff, v8;
	v6 =	vor.u32 $0x5A10, v1  }
0x15e: {  	v8 =	vld.idx.msk [tilespmem:v9+s3+$0x0], $0xffff;
	v6 =	vor.u32 v6, v2;
	v9 =	vor.u32 $0x1460, v0  }
0x15f: {  	v9 =	vadd.s32 v9, v5;
	_ =	sdelay $0x3  }
0x160: {  	[tilespmem:v6+s17+$0x0] =	vst.idx.msk $0xffff, v8;
	v6 =	vor.u32 $0x5C00, v1  }
0x161: {  	v8 =	vld.idx.msk [tilespmem:v9+s3+$0x0], $0xffff;
	v6 =	vor.u32 v6, v3;
	v9 =	vor.u32 $0x4460, v0  }
0x162: {  	v9 =	vor.u32 v9, v5;
	_ =	sdelay $0x3  }
0x163: {  	[tilespmem:v6+s17+$0x0] =	vst.idx.msk $0xffff, v8;
	v6 =	vor.u32 $0x5C10, v1  }
0x164: {  	v8 =	vld.idx.msk [tilespmem:v9+s3+$0x0], $0xffff;
	v6 =	vor.u32 v6, v2;
	v9 =	vor.u32 $0x1470, v0  }
0x165: {  	v9 =	vadd.s32 v9, v5;
	_ =	sdelay $0x3  }
0x166: {  	[tilespmem:v6+s17+$0x0] =	vst.idx.msk $0xffff, v8;
	v6 =	vor.u32 $0x5E00, v1  }
0x167: {  	v8 =	vld.idx.msk [tilespmem:v9+s3+$0x0], $0xffff;
	v3 =	vor.u32 v6, v3;
	v6 =	vor.u32 $0x4470, v0  }
0x168: {  	v5 =	vor.u32 v6, v5;
	_ =	sdelay $0x3  }
0x169: {  	[tilespmem:v3+s17+$0x0] =	vst.idx.msk $0xffff, v8;
	v3 =	vor.u32 $0x5E10, v1  }
0x16a: {  	p2 =	sne.s32 s26, $0xF;
	v2 =	vor.u32 v3, v2;
	v3 =	vld.idx.msk [tilespmem:v5+s3+$0x0], $0xffff  }
.Ltmp5:
0x16b: {  	_ = 	snop;
	(pc) =	sbr.rel @p2 .LBB2_4-.Ltmp5, $2  }
0x16c: {  	_ =	sdelay $0x2  }
0x16d: {  	s26 =	sadd.s32 $0x1, s26;
	v11 =	vld [tilespmem:$0x1FF50];
	[tilespmem:v2+s17+$0x0] =	vst.idx.msk $0xffff, v3  }
0x16e: {  	v3 =	vld [tilespmem:$0x1FF80]  }
0x16f: {  	s26 =	smul.u32 $0xC00, s25;
	v6 =	vld [tilespmem:$0x1FF90]  }
0x170: {  	v9 =	vld [tilespmem:$0x1FFA0]  }
0x171: {  	v5 =	vmov v15;
	v15 =	vmov v17;
	v17 =	vld [tilespmem:$0x1FF60];
	s26 =	sadd.s32 s6, s26  }
0x172: {  	v8 =	vmov v18;
	v18 =	vld [tilespmem:$0x1FF70];
	[hbm4b:s26+s3] =	stream.linear.scatter [tilespmem:s17], [sflag:$0x3], $0x6000, $0x38  }
.LBB2_6:
0x173: {  	s26 =	sadd.s32 s9, s24  }
0x174: {  	p2 =	sgt.u32 s26, $0x515  }
0x175: {  	s26 =	smul.u32 @!p2 $0x300, s26  }
0x176: {  	s25 =	sor.u32 $0x20, s25;
	s28 =	simm.s32 @!p2 $0x1800  }
0x177: {  	s29 =	simm.s32 @!p2 $0x7A1400;
	s30 =	simm.s32 @!p2 $0x0;
	s26 =	sadd.s32 @!p2 s0, s26  }
0x178: {  	[tilespmem:s30], [sflag:$0x1] =	stream.strided.gather @!p2 [hbm4b:s26+s28], $0x6000, s29, s28, $0x38;
	[tilespmem:$0x18800] =	vst v63  }
0x179: {  	p2 =	sgt.u32 s25, $0x515  }
.Ltmp6:
0x17a: {  	_ = 	snop;
	(pc) =	sbr.rel @p2 .LBB2_10-.Ltmp6, $1  }
0x17b: {  	_ =	sdelay $0x3  }
0x17c: {  	_ =	swait.ge [sflag:s18], $0x6000  }
0x17d: {  	[sflag:s18] =	ssyncset.done $0x0  }
0x17e: {  	s26 =	simm.s32 @!p1 $0x4;
	[sflag:s18] =	ssyncadd.s32 $0xFFFFA000  }
0x17f: {  	_ =	swait.ge @!p1 [sflag:s26], $0x6000  }
0x180: {  	[sflag:s26] =	ssyncset.done @!p1 $0x0  }
0x181: {  	v21 =	vmov v3;
	v20 =	vmov v6;
	v15 =	vmov v9;
	[sflag:s26] =	ssyncadd.s32 @!p1 $0xFFFFA000;
	s26 =	simm.s32 $0x0  }
.LBB2_8:
0x182: {  	v2 =	vadd.s32 s26, v0  }
0x183: {  	v3 =	vand.u32 $0xF, v2  }
0x184: {  	v5 =	vshrl.u32 v3, $0x3  }
0x185: {  	v6 =	vshll.u32 v2, $0x7;
	v5 =	vmul.u32 $0x1800, v5  }
0x186: {  	v6 =	vand.u32 $0x380, v6  }
0x187: {  	v5 =	vor.u32 v6, v5  }
0x188: {  	v6 =	vor.u32 v0, v5  }
0x189: {  	v9 =	vld [tilespmem:$0x1FF40];
	_ =	sdelay $0x3  }
0x18a: {  	v8 =	vor.u32 v1, v3;
	v6 =	vld.idx.msk [tilespmem:v6+s15+$0x0], $0xffff  }
0x18b: {  	v9 =	vadd.s32 v9, v5;
	_ =	sdelay $0x3  }
0x18c: {  	[tilespmem:v8+s19+$0x0] =	vst.idx.msk $0xffff, v6  }
0x18d: {  	v8 =	vor.u32 v11, v2;
	v6 =	vld.idx.msk [tilespmem:v9+s15+$0x0], $0xffff  }
0x18e: {  	v9 =	vor.u32 v4, v5;
	_ =	sdelay $0x3  }
0x18f: {  	[tilespmem:v8+s19+$0x0] =	vst.idx.msk $0xffff, v6  }
0x190: {  	v8 =	vld.idx.msk [tilespmem:v9+s15+$0x0], $0xffff  }
0x191: {  	v9 =	vld [tilespmem:$0x1FFB0];
	_ =	sdelay $0x4  }
0x192: {  	v9 =	vor.u32 v9, v3;
	_ =	sdelay $0x3  }
0x193: {  	v6 =	vadd.s32 $0x3000, v5  }
0x194: {  	v11 =	vor.u32 v4, v6;
	[tilespmem:v9+s19+$0x0] =	vst.idx.msk $0xffff, v8;
	v9 =	vld [tilespmem:$0x1FFC0];
	_ =	sdelay $0x4  }
0x195: {  	v8 =	vld.idx.msk [tilespmem:v11+s15+$0x0], $0xffff;
	v9 =	vor.u32 v9, v2;
	_ =	sdelay $0x4  }
0x196: {  	v11 =	vor.u32 v7, v5;
	[tilespmem:v9+s19+$0x0] =	vst.idx.msk $0xffff, v8;
	v9 =	vld [tilespmem:$0x1FFD0];
	_ =	sdelay $0x4  }
0x197: {  	v8 =	vld.idx.msk [tilespmem:v11+s15+$0x0], $0xffff;
	v9 =	vor.u32 v9, v3;
	_ =	sdelay $0x4  }
0x198: {  	v11 =	vor.u32 v7, v6;
	[tilespmem:v9+s19+$0x0] =	vst.idx.msk $0xffff, v8;
	v9 =	vld [tilespmem:$0x1FFE0];
	_ =	sdelay $0x4  }
0x199: {  	v8 =	vld.idx.msk [tilespmem:v11+s15+$0x0], $0xffff;
	v9 =	vor.u32 v9, v2;
	_ =	sdelay $0x4  }
0x19a: {  	v11 =	vor.u32 v10, v5;
	[tilespmem:v9+s19+$0x0] =	vst.idx.msk $0xffff, v8;
	v9 =	vld [tilespmem:$0x1FFF0];
	_ =	sdelay $0x4  }
0x19b: {  	v8 =	vld.idx.msk [tilespmem:v11+s15+$0x0], $0xffff;
	v9 =	vor.u32 v9, v3  }
0x19c: {  	v11 =	vor.u32 v10, v6;
	_ =	sdelay $0x3  }
0x19d: {  	[tilespmem:v9+s19+$0x0] =	vst.idx.msk $0xffff, v8  }
0x19e: {  	v9 =	vor.u32 v23, v2;
	v8 =	vld.idx.msk [tilespmem:v11+s15+$0x0], $0xffff  }
0x19f: {  	v11 =	vor.u32 v13, v5;
	_ =	sdelay $0x3  }
0x1a0: {  	[tilespmem:v9+s19+$0x0] =	vst.idx.msk $0xffff, v8  }
0x1a1: {  	v9 =	vor.u32 v24, v3;
	v8 =	vld.idx.msk [tilespmem:v11+s15+$0x0], $0xffff  }
0x1a2: {  	v11 =	vor.u32 v13, v6;
	_ =	sdelay $0x3  }
0x1a3: {  	[tilespmem:v9+s19+$0x0] =	vst.idx.msk $0xffff, v8  }
0x1a4: {  	v9 =	vor.u32 v25, v2;
	v8 =	vld.idx.msk [tilespmem:v11+s15+$0x0], $0xffff  }
0x1a5: {  	v11 =	vor.u32 v16, v5;
	_ =	sdelay $0x3  }
0x1a6: {  	[tilespmem:v9+s19+$0x0] =	vst.idx.msk $0xffff, v8  }
0x1a7: {  	v9 =	vor.u32 v26, v3;
	v8 =	vld.idx.msk [tilespmem:v11+s15+$0x0], $0xffff  }
0x1a8: {  	v11 =	vor.u32 v16, v6;
	_ =	sdelay $0x3  }
0x1a9: {  	[tilespmem:v9+s19+$0x0] =	vst.idx.msk $0xffff, v8  }
0x1aa: {  	v9 =	vor.u32 v27, v2;
	v8 =	vld.idx.msk [tilespmem:v11+s15+$0x0], $0xffff  }
0x1ab: {  	v11 =	vor.u32 v19, v5;
	_ =	sdelay $0x3  }
0x1ac: {  	[tilespmem:v9+s19+$0x0] =	vst.idx.msk $0xffff, v8  }
0x1ad: {  	v9 =	vor.u32 v28, v3;
	v8 =	vld.idx.msk [tilespmem:v11+s15+$0x0], $0xffff  }
0x1ae: {  	v11 =	vor.u32 v19, v6;
	_ =	sdelay $0x3  }
0x1af: {  	[tilespmem:v9+s19+$0x0] =	vst.idx.msk $0xffff, v8  }
0x1b0: {  	v9 =	vor.u32 v29, v2;
	v8 =	vld.idx.msk [tilespmem:v11+s15+$0x0], $0xffff  }
0x1b1: {  	v11 =	vor.u32 v22, v5;
	_ =	sdelay $0x3  }
0x1b2: {  	[tilespmem:v9+s19+$0x0] =	vst.idx.msk $0xffff, v8  }
0x1b3: {  	v9 =	vor.u32 v30, v3;
	v8 =	vld.idx.msk [tilespmem:v11+s15+$0x0], $0xffff  }
0x1b4: {  	v6 =	vor.u32 v22, v6;
	_ =	sdelay $0x3  }
0x1b5: {  	[tilespmem:v9+s19+$0x0] =	vst.idx.msk $0xffff, v8  }
0x1b6: {  	v8 =	vor.u32 v31, v2;
	v6 =	vld.idx.msk [tilespmem:v6+s15+$0x0], $0xffff  }
0x1b7: {  	v9 =	vor.u32 v32, v5;
	_ =	sdelay $0x3  }
0x1b8: {  	[tilespmem:v8+s19+$0x0] =	vst.idx.msk $0xffff, v6  }
0x1b9: {  	v8 =	vor.u32 v33, v3;
	v6 =	vld.idx.msk [tilespmem:v9+s15+$0x0], $0xffff  }
0x1ba: {  	v9 =	vadd.s32 v34, v5;
	_ =	sdelay $0x3  }
0x1bb: {  	[tilespmem:v8+s19+$0x0] =	vst.idx.msk $0xffff, v6  }
0x1bc: {  	v8 =	vor.u32 v35, v2;
	v6 =	vld.idx.msk [tilespmem:v9+s15+$0x0], $0xffff  }
0x1bd: {  	v9 =	vor.u32 v36, v5;
	_ =	sdelay $0x3  }
0x1be: {  	[tilespmem:v8+s19+$0x0] =	vst.idx.msk $0xffff, v6  }
0x1bf: {  	v8 =	vor.u32 v37, v3;
	v6 =	vld.idx.msk [tilespmem:v9+s15+$0x0], $0xffff  }
0x1c0: {  	v9 =	vadd.s32 v38, v5;
	_ =	sdelay $0x3  }
0x1c1: {  	[tilespmem:v8+s19+$0x0] =	vst.idx.msk $0xffff, v6  }
0x1c2: {  	v8 =	vor.u32 v39, v2;
	v6 =	vld.idx.msk [tilespmem:v9+s15+$0x0], $0xffff  }
0x1c3: {  	v9 =	vor.u32 v40, v5;
	_ =	sdelay $0x3  }
0x1c4: {  	[tilespmem:v8+s19+$0x0] =	vst.idx.msk $0xffff, v6  }
0x1c5: {  	v8 =	vor.u32 v41, v3;
	v6 =	vld.idx.msk [tilespmem:v9+s15+$0x0], $0xffff  }
0x1c6: {  	v9 =	vadd.s32 v42, v5;
	_ =	sdelay $0x3  }
0x1c7: {  	[tilespmem:v8+s19+$0x0] =	vst.idx.msk $0xffff, v6  }
0x1c8: {  	v8 =	vor.u32 v43, v2;
	v6 =	vld.idx.msk [tilespmem:v9+s15+$0x0], $0xffff  }
0x1c9: {  	v9 =	vor.u32 v44, v5;
	_ =	sdelay $0x3  }
0x1ca: {  	[tilespmem:v8+s19+$0x0] =	vst.idx.msk $0xffff, v6  }
0x1cb: {  	v8 =	vor.u32 v45, v3;
	v6 =	vld.idx.msk [tilespmem:v9+s15+$0x0], $0xffff  }
0x1cc: {  	v9 =	vadd.s32 v46, v5;
	_ =	sdelay $0x3  }
0x1cd: {  	[tilespmem:v8+s19+$0x0] =	vst.idx.msk $0xffff, v6  }
0x1ce: {  	v8 =	vor.u32 v47, v2;
	v6 =	vld.idx.msk [tilespmem:v9+s15+$0x0], $0xffff  }
0x1cf: {  	v9 =	vor.u32 v48, v5;
	_ =	sdelay $0x3  }
0x1d0: {  	[tilespmem:v8+s19+$0x0] =	vst.idx.msk $0xffff, v6  }
0x1d1: {  	v8 =	vor.u32 v49, v3;
	v6 =	vld.idx.msk [tilespmem:v9+s15+$0x0], $0xffff  }
0x1d2: {  	v9 =	vadd.s32 v50, v5;
	_ =	sdelay $0x3  }
0x1d3: {  	[tilespmem:v8+s19+$0x0] =	vst.idx.msk $0xffff, v6  }
0x1d4: {  	v8 =	vor.u32 v51, v2;
	v6 =	vld.idx.msk [tilespmem:v9+s15+$0x0], $0xffff  }
0x1d5: {  	v9 =	vor.u32 v52, v5;
	_ =	sdelay $0x3  }
0x1d6: {  	[tilespmem:v8+s19+$0x0] =	vst.idx.msk $0xffff, v6  }
0x1d7: {  	v8 =	vor.u32 v53, v3;
	v6 =	vld.idx.msk [tilespmem:v9+s15+$0x0], $0xffff  }
0x1d8: {  	v9 =	vadd.s32 v54, v5;
	_ =	sdelay $0x3  }
0x1d9: {  	[tilespmem:v8+s19+$0x0] =	vst.idx.msk $0xffff, v6  }
0x1da: {  	v8 =	vor.u32 v55, v2;
	v6 =	vld.idx.msk [tilespmem:v9+s15+$0x0], $0xffff  }
0x1db: {  	v9 =	vor.u32 v56, v5;
	_ =	sdelay $0x3  }
0x1dc: {  	[tilespmem:v8+s19+$0x0] =	vst.idx.msk $0xffff, v6  }
0x1dd: {  	v8 =	vor.u32 v57, v3;
	v6 =	vld.idx.msk [tilespmem:v9+s15+$0x0], $0xffff  }
0x1de: {  	v9 =	vadd.s32 v58, v5;
	_ =	sdelay $0x3  }
0x1df: {  	[tilespmem:v8+s19+$0x0] =	vst.idx.msk $0xffff, v6  }
0x1e0: {  	v8 =	vor.u32 v59, v2;
	v6 =	vld.idx.msk [tilespmem:v9+s15+$0x0], $0xffff  }
0x1e1: {  	v9 =	vor.u32 v60, v5;
	_ =	sdelay $0x3  }
0x1e2: {  	[tilespmem:v8+s19+$0x0] =	vst.idx.msk $0xffff, v6  }
0x1e3: {  	v8 =	vor.u32 v61, v3;
	v6 =	vld.idx.msk [tilespmem:v9+s15+$0x0], $0xffff  }
0x1e4: {  	v9 =	vadd.s32 v62, v5;
	_ =	sdelay $0x3  }
0x1e5: {  	[tilespmem:v8+s19+$0x0] =	vst.idx.msk $0xffff, v6  }
0x1e6: {  	v8 =	vor.u32 v63, v2;
	v6 =	vld.idx.msk [tilespmem:v9+s15+$0x0], $0xffff  }
0x1e7: {  	v9 =	vadd.s32 v14, v5;
	_ =	sdelay $0x3  }
0x1e8: {  	[tilespmem:v8+s19+$0x0] =	vst.idx.msk $0xffff, v6  }
0x1e9: {  	v8 =	vor.u32 v12, v3;
	v6 =	vld.idx.msk [tilespmem:v9+s15+$0x0], $0xffff  }
0x1ea: {  	v9 =	vadd.s32 v21, v5;
	_ =	sdelay $0x3  }
0x1eb: {  	[tilespmem:v8+s19+$0x0] =	vst.idx.msk $0xffff, v6  }
0x1ec: {  	v8 =	vor.u32 v20, v2;
	v6 =	vld.idx.msk [tilespmem:v9+s15+$0x0], $0xffff  }
0x1ed: {  	v9 =	vadd.s32 v15, v5;
	_ =	sdelay $0x3  }
0x1ee: {  	[tilespmem:v8+s19+$0x0] =	vst.idx.msk $0xffff, v6  }
0x1ef: {  	v8 =	vor.u32 v17, v3;
	v6 =	vld.idx.msk [tilespmem:v9+s15+$0x0], $0xffff  }
0x1f0: {  	v9 =	vadd.s32 v18, v5;
	_ =	sdelay $0x3  }
0x1f1: {  	[tilespmem:v8+s19+$0x0] =	vst.idx.msk $0xffff, v6;
	v6 =	vor.u32 $0x2210, v1  }
0x1f2: {  	v8 =	vld.idx.msk [tilespmem:v9+s15+$0x0], $0xffff;
	v6 =	vor.u32 v6, v2;
	v9 =	vor.u32 $0x820, v0  }
0x1f3: {  	v9 =	vadd.s32 v9, v5;
	_ =	sdelay $0x3  }
0x1f4: {  	[tilespmem:v6+s19+$0x0] =	vst.idx.msk $0xffff, v8;
	v6 =	vor.u32 $0x2400, v1  }
0x1f5: {  	v8 =	vld.idx.msk [tilespmem:v9+s15+$0x0], $0xffff;
	v6 =	vor.u32 v6, v3;
	v9 =	vor.u32 $0x3820, v0  }
0x1f6: {  	v9 =	vadd.s32 v9, v5;
	_ =	sdelay $0x3  }
0x1f7: {  	[tilespmem:v6+s19+$0x0] =	vst.idx.msk $0xffff, v8;
	v6 =	vor.u32 $0x2410, v1  }
0x1f8: {  	v8 =	vld.idx.msk [tilespmem:v9+s15+$0x0], $0xffff;
	v6 =	vor.u32 v6, v2;
	v9 =	vor.u32 $0x830, v0  }
0x1f9: {  	v9 =	vadd.s32 v9, v5;
	_ =	sdelay $0x3  }
0x1fa: {  	[tilespmem:v6+s19+$0x0] =	vst.idx.msk $0xffff, v8;
	v6 =	vor.u32 $0x2600, v1  }
0x1fb: {  	v8 =	vld.idx.msk [tilespmem:v9+s15+$0x0], $0xffff;
	v6 =	vor.u32 v6, v3;
	v9 =	vor.u32 $0x3830, v0  }
0x1fc: {  	v9 =	vadd.s32 v9, v5;
	_ =	sdelay $0x3  }
0x1fd: {  	[tilespmem:v6+s19+$0x0] =	vst.idx.msk $0xffff, v8;
	v6 =	vor.u32 $0x2610, v1  }
0x1fe: {  	v8 =	vld.idx.msk [tilespmem:v9+s15+$0x0], $0xffff;
	v6 =	vor.u32 v6, v2;
	v9 =	vor.u32 $0x840, v0  }
0x1ff: {  	v9 =	vadd.s32 v9, v5;
	_ =	sdelay $0x3  }
0x200: {  	[tilespmem:v6+s19+$0x0] =	vst.idx.msk $0xffff, v8;
	v6 =	vor.u32 $0x2800, v1  }
0x201: {  	v8 =	vld.idx.msk [tilespmem:v9+s15+$0x0], $0xffff;
	v6 =	vor.u32 v6, v3;
	v9 =	vor.u32 $0x3840, v0  }
0x202: {  	v9 =	vadd.s32 v9, v5;
	_ =	sdelay $0x3  }
0x203: {  	[tilespmem:v6+s19+$0x0] =	vst.idx.msk $0xffff, v8;
	v6 =	vor.u32 $0x2810, v1  }
0x204: {  	v8 =	vld.idx.msk [tilespmem:v9+s15+$0x0], $0xffff;
	v6 =	vor.u32 v6, v2;
	v9 =	vor.u32 $0x850, v0  }
0x205: {  	v9 =	vadd.s32 v9, v5;
	_ =	sdelay $0x3  }
0x206: {  	[tilespmem:v6+s19+$0x0] =	vst.idx.msk $0xffff, v8;
	v6 =	vor.u32 $0x2A00, v1  }
0x207: {  	v8 =	vld.idx.msk [tilespmem:v9+s15+$0x0], $0xffff;
	v6 =	vor.u32 v6, v3;
	v9 =	vor.u32 $0x3850, v0  }
0x208: {  	v9 =	vadd.s32 v9, v5;
	_ =	sdelay $0x3  }
0x209: {  	[tilespmem:v6+s19+$0x0] =	vst.idx.msk $0xffff, v8;
	v6 =	vor.u32 $0x2A10, v1  }
0x20a: {  	v8 =	vld.idx.msk [tilespmem:v9+s15+$0x0], $0xffff;
	v6 =	vor.u32 v6, v2;
	v9 =	vor.u32 $0x860, v0  }
0x20b: {  	v9 =	vadd.s32 v9, v5;
	_ =	sdelay $0x3  }
0x20c: {  	[tilespmem:v6+s19+$0x0] =	vst.idx.msk $0xffff, v8;
	v6 =	vor.u32 $0x2C00, v1  }
0x20d: {  	v8 =	vld.idx.msk [tilespmem:v9+s15+$0x0], $0xffff;
	v6 =	vor.u32 v6, v3;
	v9 =	vor.u32 $0x3860, v0  }
0x20e: {  	v9 =	vadd.s32 v9, v5;
	_ =	sdelay $0x3  }
0x20f: {  	[tilespmem:v6+s19+$0x0] =	vst.idx.msk $0xffff, v8;
	v6 =	vor.u32 $0x2C10, v1  }
0x210: {  	v8 =	vld.idx.msk [tilespmem:v9+s15+$0x0], $0xffff;
	v6 =	vor.u32 v6, v2;
	v9 =	vor.u32 $0x870, v0  }
0x211: {  	v9 =	vadd.s32 v9, v5;
	_ =	sdelay $0x3  }
0x212: {  	[tilespmem:v6+s19+$0x0] =	vst.idx.msk $0xffff, v8;
	v6 =	vor.u32 $0x2E00, v1  }
0x213: {  	v8 =	vld.idx.msk [tilespmem:v9+s15+$0x0], $0xffff;
	v6 =	vor.u32 v6, v3;
	v9 =	vor.u32 $0x3870, v0  }
0x214: {  	v9 =	vadd.s32 v9, v5;
	_ =	sdelay $0x3  }
0x215: {  	[tilespmem:v6+s19+$0x0] =	vst.idx.msk $0xffff, v8;
	v6 =	vor.u32 $0x2E10, v1  }
0x216: {  	v8 =	vld.idx.msk [tilespmem:v9+s15+$0x0], $0xffff;
	v6 =	vor.u32 v6, v2;
	v9 =	vor.u32 $0xC00, v0  }
0x217: {  	v9 =	vadd.s32 v9, v5;
	_ =	sdelay $0x3  }
0x218: {  	[tilespmem:v6+s19+$0x0] =	vst.idx.msk $0xffff, v8;
	v6 =	vor.u32 $0x3000, v1  }
0x219: {  	v8 =	vld.idx.msk [tilespmem:v9+s15+$0x0], $0xffff;
	v6 =	vor.u32 v6, v3;
	v9 =	vor.u32 $0x3C00, v0  }
0x21a: {  	v9 =	vadd.s32 v9, v5;
	_ =	sdelay $0x3  }
0x21b: {  	[tilespmem:v6+s19+$0x0] =	vst.idx.msk $0xffff, v8;
	v6 =	vor.u32 $0x3010, v1  }
0x21c: {  	v8 =	vld.idx.msk [tilespmem:v9+s15+$0x0], $0xffff;
	v6 =	vor.u32 v6, v2;
	v9 =	vor.u32 $0xC10, v0  }
0x21d: {  	v9 =	vadd.s32 v9, v5;
	_ =	sdelay $0x3  }
0x21e: {  	[tilespmem:v6+s19+$0x0] =	vst.idx.msk $0xffff, v8;
	v6 =	vor.u32 $0x3200, v1  }
0x21f: {  	v8 =	vld.idx.msk [tilespmem:v9+s15+$0x0], $0xffff;
	v6 =	vor.u32 v6, v3;
	v9 =	vor.u32 $0x3C10, v0  }
0x220: {  	v9 =	vadd.s32 v9, v5;
	_ =	sdelay $0x3  }
0x221: {  	[tilespmem:v6+s19+$0x0] =	vst.idx.msk $0xffff, v8;
	v6 =	vor.u32 $0x3210, v1  }
0x222: {  	v8 =	vld.idx.msk [tilespmem:v9+s15+$0x0], $0xffff;
	v6 =	vor.u32 v6, v2;
	v9 =	vor.u32 $0xC20, v0  }
0x223: {  	v9 =	vadd.s32 v9, v5;
	_ =	sdelay $0x3  }
0x224: {  	[tilespmem:v6+s19+$0x0] =	vst.idx.msk $0xffff, v8;
	v6 =	vor.u32 $0x3400, v1  }
0x225: {  	v8 =	vld.idx.msk [tilespmem:v9+s15+$0x0], $0xffff;
	v6 =	vor.u32 v6, v3;
	v9 =	vor.u32 $0x3C20, v0  }
0x226: {  	v9 =	vadd.s32 v9, v5;
	_ =	sdelay $0x3  }
0x227: {  	[tilespmem:v6+s19+$0x0] =	vst.idx.msk $0xffff, v8;
	v6 =	vor.u32 $0x3410, v1  }
0x228: {  	v8 =	vld.idx.msk [tilespmem:v9+s15+$0x0], $0xffff;
	v6 =	vor.u32 v6, v2;
	v9 =	vor.u32 $0xC30, v0  }
0x229: {  	v9 =	vadd.s32 v9, v5;
	_ =	sdelay $0x3  }
0x22a: {  	[tilespmem:v6+s19+$0x0] =	vst.idx.msk $0xffff, v8;
	v6 =	vor.u32 $0x3600, v1  }
0x22b: {  	v8 =	vld.idx.msk [tilespmem:v9+s15+$0x0], $0xffff;
	v6 =	vor.u32 v6, v3;
	v9 =	vor.u32 $0x3C30, v0  }
0x22c: {  	v9 =	vadd.s32 v9, v5;
	_ =	sdelay $0x3  }
0x22d: {  	[tilespmem:v6+s19+$0x0] =	vst.idx.msk $0xffff, v8;
	v6 =	vor.u32 $0x3610, v1  }
0x22e: {  	v8 =	vld.idx.msk [tilespmem:v9+s15+$0x0], $0xffff;
	v6 =	vor.u32 v6, v2;
	v9 =	vor.u32 $0xC40, v0  }
0x22f: {  	v9 =	vadd.s32 v9, v5;
	_ =	sdelay $0x3  }
0x230: {  	[tilespmem:v6+s19+$0x0] =	vst.idx.msk $0xffff, v8;
	v6 =	vor.u32 $0x3800, v1  }
0x231: {  	v8 =	vld.idx.msk [tilespmem:v9+s15+$0x0], $0xffff;
	v6 =	vor.u32 v6, v3;
	v9 =	vor.u32 $0x3C40, v0  }
0x232: {  	v9 =	vadd.s32 v9, v5;
	_ =	sdelay $0x3  }
0x233: {  	[tilespmem:v6+s19+$0x0] =	vst.idx.msk $0xffff, v8;
	v6 =	vor.u32 $0x3810, v1  }
0x234: {  	v8 =	vld.idx.msk [tilespmem:v9+s15+$0x0], $0xffff;
	v6 =	vor.u32 v6, v2;
	v9 =	vor.u32 $0xC50, v0  }
0x235: {  	v9 =	vadd.s32 v9, v5;
	_ =	sdelay $0x3  }
0x236: {  	[tilespmem:v6+s19+$0x0] =	vst.idx.msk $0xffff, v8;
	v6 =	vor.u32 $0x3A00, v1  }
0x237: {  	v8 =	vld.idx.msk [tilespmem:v9+s15+$0x0], $0xffff;
	v6 =	vor.u32 v6, v3;
	v9 =	vor.u32 $0x3C50, v0  }
0x238: {  	v9 =	vadd.s32 v9, v5;
	_ =	sdelay $0x3  }
0x239: {  	[tilespmem:v6+s19+$0x0] =	vst.idx.msk $0xffff, v8;
	v6 =	vor.u32 $0x3A10, v1  }
0x23a: {  	v8 =	vld.idx.msk [tilespmem:v9+s15+$0x0], $0xffff;
	v6 =	vor.u32 v6, v2;
	v9 =	vor.u32 $0xC60, v0  }
0x23b: {  	v9 =	vadd.s32 v9, v5;
	_ =	sdelay $0x3  }
0x23c: {  	[tilespmem:v6+s19+$0x0] =	vst.idx.msk $0xffff, v8;
	v6 =	vor.u32 $0x3C00, v1  }
0x23d: {  	v8 =	vld.idx.msk [tilespmem:v9+s15+$0x0], $0xffff;
	v6 =	vor.u32 v6, v3;
	v9 =	vor.u32 $0x3C60, v0  }
0x23e: {  	v9 =	vadd.s32 v9, v5;
	_ =	sdelay $0x3  }
0x23f: {  	[tilespmem:v6+s19+$0x0] =	vst.idx.msk $0xffff, v8;
	v6 =	vor.u32 $0x3C10, v1  }
0x240: {  	v8 =	vld.idx.msk [tilespmem:v9+s15+$0x0], $0xffff;
	v6 =	vor.u32 v6, v2;
	v9 =	vor.u32 $0xC70, v0  }
0x241: {  	v9 =	vadd.s32 v9, v5;
	_ =	sdelay $0x3  }
0x242: {  	[tilespmem:v6+s19+$0x0] =	vst.idx.msk $0xffff, v8;
	v6 =	vor.u32 $0x3E00, v1  }
0x243: {  	v8 =	vld.idx.msk [tilespmem:v9+s15+$0x0], $0xffff;
	v6 =	vor.u32 v6, v3;
	v9 =	vor.u32 $0x3C70, v0  }
0x244: {  	v9 =	vadd.s32 v9, v5;
	_ =	sdelay $0x3  }
0x245: {  	[tilespmem:v6+s19+$0x0] =	vst.idx.msk $0xffff, v8;
	v6 =	vor.u32 $0x3E10, v1  }
0x246: {  	v8 =	vld.idx.msk [tilespmem:v9+s15+$0x0], $0xffff;
	v6 =	vor.u32 v6, v2;
	v9 =	vor.u32 $0x1000, v0  }
0x247: {  	v9 =	vadd.s32 v9, v5;
	_ =	sdelay $0x3  }
0x248: {  	[tilespmem:v6+s19+$0x0] =	vst.idx.msk $0xffff, v8;
	v6 =	vor.u32 $0x4000, v1  }
0x249: {  	v8 =	vld.idx.msk [tilespmem:v9+s15+$0x0], $0xffff;
	v6 =	vor.u32 v6, v3;
	v9 =	vor.u32 $0x4000, v0  }
0x24a: {  	v9 =	vor.u32 v9, v5;
	_ =	sdelay $0x3  }
0x24b: {  	[tilespmem:v6+s19+$0x0] =	vst.idx.msk $0xffff, v8;
	v6 =	vor.u32 $0x4010, v1  }
0x24c: {  	v8 =	vld.idx.msk [tilespmem:v9+s15+$0x0], $0xffff;
	v6 =	vor.u32 v6, v2;
	v9 =	vor.u32 $0x1010, v0  }
0x24d: {  	v9 =	vadd.s32 v9, v5;
	_ =	sdelay $0x3  }
0x24e: {  	[tilespmem:v6+s19+$0x0] =	vst.idx.msk $0xffff, v8;
	v6 =	vor.u32 $0x4200, v1  }
0x24f: {  	v8 =	vld.idx.msk [tilespmem:v9+s15+$0x0], $0xffff;
	v6 =	vor.u32 v6, v3;
	v9 =	vor.u32 $0x4010, v0  }
0x250: {  	v9 =	vor.u32 v9, v5;
	_ =	sdelay $0x3  }
0x251: {  	[tilespmem:v6+s19+$0x0] =	vst.idx.msk $0xffff, v8;
	v6 =	vor.u32 $0x4210, v1  }
0x252: {  	v8 =	vld.idx.msk [tilespmem:v9+s15+$0x0], $0xffff;
	v6 =	vor.u32 v6, v2;
	v9 =	vor.u32 $0x1020, v0  }
0x253: {  	v9 =	vadd.s32 v9, v5;
	_ =	sdelay $0x3  }
0x254: {  	[tilespmem:v6+s19+$0x0] =	vst.idx.msk $0xffff, v8;
	v6 =	vor.u32 $0x4400, v1  }
0x255: {  	v8 =	vld.idx.msk [tilespmem:v9+s15+$0x0], $0xffff;
	v6 =	vor.u32 v6, v3;
	v9 =	vor.u32 $0x4020, v0  }
0x256: {  	v9 =	vor.u32 v9, v5;
	_ =	sdelay $0x3  }
0x257: {  	[tilespmem:v6+s19+$0x0] =	vst.idx.msk $0xffff, v8;
	v6 =	vor.u32 $0x4410, v1  }
0x258: {  	v8 =	vld.idx.msk [tilespmem:v9+s15+$0x0], $0xffff;
	v6 =	vor.u32 v6, v2;
	v9 =	vor.u32 $0x1030, v0  }
0x259: {  	v9 =	vadd.s32 v9, v5;
	_ =	sdelay $0x3  }
0x25a: {  	[tilespmem:v6+s19+$0x0] =	vst.idx.msk $0xffff, v8;
	v6 =	vor.u32 $0x4600, v1  }
0x25b: {  	v8 =	vld.idx.msk [tilespmem:v9+s15+$0x0], $0xffff;
	v6 =	vor.u32 v6, v3;
	v9 =	vor.u32 $0x4030, v0  }
0x25c: {  	v9 =	vor.u32 v9, v5;
	_ =	sdelay $0x3  }
0x25d: {  	[tilespmem:v6+s19+$0x0] =	vst.idx.msk $0xffff, v8;
	v6 =	vor.u32 $0x4610, v1  }
0x25e: {  	v8 =	vld.idx.msk [tilespmem:v9+s15+$0x0], $0xffff;
	v6 =	vor.u32 v6, v2;
	v9 =	vor.u32 $0x1040, v0  }
0x25f: {  	v9 =	vadd.s32 v9, v5;
	_ =	sdelay $0x3  }
0x260: {  	[tilespmem:v6+s19+$0x0] =	vst.idx.msk $0xffff, v8;
	v6 =	vor.u32 $0x4800, v1  }
0x261: {  	v8 =	vld.idx.msk [tilespmem:v9+s15+$0x0], $0xffff;
	v6 =	vor.u32 v6, v3;
	v9 =	vor.u32 $0x4040, v0  }
0x262: {  	v9 =	vor.u32 v9, v5;
	_ =	sdelay $0x3  }
0x263: {  	[tilespmem:v6+s19+$0x0] =	vst.idx.msk $0xffff, v8;
	v6 =	vor.u32 $0x4810, v1  }
0x264: {  	v8 =	vld.idx.msk [tilespmem:v9+s15+$0x0], $0xffff;
	v6 =	vor.u32 v6, v2;
	v9 =	vor.u32 $0x1050, v0  }
0x265: {  	v9 =	vadd.s32 v9, v5;
	_ =	sdelay $0x3  }
0x266: {  	[tilespmem:v6+s19+$0x0] =	vst.idx.msk $0xffff, v8;
	v6 =	vor.u32 $0x4A00, v1  }
0x267: {  	v8 =	vld.idx.msk [tilespmem:v9+s15+$0x0], $0xffff;
	v6 =	vor.u32 v6, v3;
	v9 =	vor.u32 $0x4050, v0  }
0x268: {  	v9 =	vor.u32 v9, v5;
	_ =	sdelay $0x3  }
0x269: {  	[tilespmem:v6+s19+$0x0] =	vst.idx.msk $0xffff, v8;
	v6 =	vor.u32 $0x4A10, v1  }
0x26a: {  	v8 =	vld.idx.msk [tilespmem:v9+s15+$0x0], $0xffff;
	v6 =	vor.u32 v6, v2;
	v9 =	vor.u32 $0x1060, v0  }
0x26b: {  	v9 =	vadd.s32 v9, v5;
	_ =	sdelay $0x3  }
0x26c: {  	[tilespmem:v6+s19+$0x0] =	vst.idx.msk $0xffff, v8;
	v6 =	vor.u32 $0x4C00, v1  }
0x26d: {  	v8 =	vld.idx.msk [tilespmem:v9+s15+$0x0], $0xffff;
	v6 =	vor.u32 v6, v3;
	v9 =	vor.u32 $0x4060, v0  }
0x26e: {  	v9 =	vor.u32 v9, v5;
	_ =	sdelay $0x3  }
0x26f: {  	[tilespmem:v6+s19+$0x0] =	vst.idx.msk $0xffff, v8;
	v6 =	vor.u32 $0x4C10, v1  }
0x270: {  	v8 =	vld.idx.msk [tilespmem:v9+s15+$0x0], $0xffff;
	v6 =	vor.u32 v6, v2;
	v9 =	vor.u32 $0x1070, v0  }
0x271: {  	v9 =	vadd.s32 v9, v5;
	_ =	sdelay $0x3  }
0x272: {  	[tilespmem:v6+s19+$0x0] =	vst.idx.msk $0xffff, v8;
	v6 =	vor.u32 $0x4E00, v1  }
0x273: {  	v8 =	vld.idx.msk [tilespmem:v9+s15+$0x0], $0xffff;
	v6 =	vor.u32 v6, v3;
	v9 =	vor.u32 $0x4070, v0  }
0x274: {  	v9 =	vor.u32 v9, v5;
	_ =	sdelay $0x3  }
0x275: {  	[tilespmem:v6+s19+$0x0] =	vst.idx.msk $0xffff, v8;
	v6 =	vor.u32 $0x4E10, v1  }
0x276: {  	v8 =	vld.idx.msk [tilespmem:v9+s15+$0x0], $0xffff;
	v6 =	vor.u32 v6, v2;
	v9 =	vor.u32 $0x1400, v0  }
0x277: {  	v9 =	vadd.s32 v9, v5;
	_ =	sdelay $0x3  }
0x278: {  	[tilespmem:v6+s19+$0x0] =	vst.idx.msk $0xffff, v8;
	v6 =	vor.u32 $0x5000, v1  }
0x279: {  	v8 =	vld.idx.msk [tilespmem:v9+s15+$0x0], $0xffff;
	v6 =	vor.u32 v6, v3;
	v9 =	vor.u32 $0x4400, v0  }
0x27a: {  	v9 =	vor.u32 v9, v5;
	_ =	sdelay $0x3  }
0x27b: {  	[tilespmem:v6+s19+$0x0] =	vst.idx.msk $0xffff, v8;
	v6 =	vor.u32 $0x5010, v1  }
0x27c: {  	v8 =	vld.idx.msk [tilespmem:v9+s15+$0x0], $0xffff;
	v6 =	vor.u32 v6, v2;
	v9 =	vor.u32 $0x1410, v0  }
0x27d: {  	v9 =	vadd.s32 v9, v5;
	_ =	sdelay $0x3  }
0x27e: {  	[tilespmem:v6+s19+$0x0] =	vst.idx.msk $0xffff, v8;
	v6 =	vor.u32 $0x5200, v1  }
0x27f: {  	v8 =	vld.idx.msk [tilespmem:v9+s15+$0x0], $0xffff;
	v6 =	vor.u32 v6, v3;
	v9 =	vor.u32 $0x4410, v0  }
0x280: {  	v9 =	vor.u32 v9, v5;
	_ =	sdelay $0x3  }
0x281: {  	[tilespmem:v6+s19+$0x0] =	vst.idx.msk $0xffff, v8;
	v6 =	vor.u32 $0x5210, v1  }
0x282: {  	v8 =	vld.idx.msk [tilespmem:v9+s15+$0x0], $0xffff;
	v6 =	vor.u32 v6, v2;
	v9 =	vor.u32 $0x1420, v0  }
0x283: {  	v9 =	vadd.s32 v9, v5;
	_ =	sdelay $0x3  }
0x284: {  	[tilespmem:v6+s19+$0x0] =	vst.idx.msk $0xffff, v8;
	v6 =	vor.u32 $0x5400, v1  }
0x285: {  	v8 =	vld.idx.msk [tilespmem:v9+s15+$0x0], $0xffff;
	v6 =	vor.u32 v6, v3;
	v9 =	vor.u32 $0x4420, v0  }
0x286: {  	v9 =	vor.u32 v9, v5;
	_ =	sdelay $0x3  }
0x287: {  	[tilespmem:v6+s19+$0x0] =	vst.idx.msk $0xffff, v8;
	v6 =	vor.u32 $0x5410, v1  }
0x288: {  	v8 =	vld.idx.msk [tilespmem:v9+s15+$0x0], $0xffff;
	v6 =	vor.u32 v6, v2;
	v9 =	vor.u32 $0x1430, v0  }
0x289: {  	v9 =	vadd.s32 v9, v5;
	_ =	sdelay $0x3  }
0x28a: {  	[tilespmem:v6+s19+$0x0] =	vst.idx.msk $0xffff, v8;
	v6 =	vor.u32 $0x5600, v1  }
0x28b: {  	v8 =	vld.idx.msk [tilespmem:v9+s15+$0x0], $0xffff;
	v6 =	vor.u32 v6, v3;
	v9 =	vor.u32 $0x4430, v0  }
0x28c: {  	v9 =	vor.u32 v9, v5;
	_ =	sdelay $0x3  }
0x28d: {  	[tilespmem:v6+s19+$0x0] =	vst.idx.msk $0xffff, v8;
	v6 =	vor.u32 $0x5610, v1  }
0x28e: {  	v8 =	vld.idx.msk [tilespmem:v9+s15+$0x0], $0xffff;
	v6 =	vor.u32 v6, v2;
	v9 =	vor.u32 $0x1440, v0  }
0x28f: {  	v9 =	vadd.s32 v9, v5;
	_ =	sdelay $0x3  }
0x290: {  	[tilespmem:v6+s19+$0x0] =	vst.idx.msk $0xffff, v8;
	v6 =	vor.u32 $0x5800, v1  }
0x291: {  	v8 =	vld.idx.msk [tilespmem:v9+s15+$0x0], $0xffff;
	v6 =	vor.u32 v6, v3;
	v9 =	vor.u32 $0x4440, v0  }
0x292: {  	v9 =	vor.u32 v9, v5;
	_ =	sdelay $0x3  }
0x293: {  	[tilespmem:v6+s19+$0x0] =	vst.idx.msk $0xffff, v8;
	v6 =	vor.u32 $0x5810, v1  }
0x294: {  	v8 =	vld.idx.msk [tilespmem:v9+s15+$0x0], $0xffff;
	v6 =	vor.u32 v6, v2;
	v9 =	vor.u32 $0x1450, v0  }
0x295: {  	v9 =	vadd.s32 v9, v5;
	_ =	sdelay $0x3  }
0x296: {  	[tilespmem:v6+s19+$0x0] =	vst.idx.msk $0xffff, v8;
	v6 =	vor.u32 $0x5A00, v1  }
0x297: {  	v8 =	vld.idx.msk [tilespmem:v9+s15+$0x0], $0xffff;
	v6 =	vor.u32 v6, v3;
	v9 =	vor.u32 $0x4450, v0  }
0x298: {  	v9 =	vor.u32 v9, v5;
	_ =	sdelay $0x3  }
0x299: {  	[tilespmem:v6+s19+$0x0] =	vst.idx.msk $0xffff, v8;
	v6 =	vor.u32 $0x5A10, v1  }
0x29a: {  	v8 =	vld.idx.msk [tilespmem:v9+s15+$0x0], $0xffff;
	v6 =	vor.u32 v6, v2;
	v9 =	vor.u32 $0x1460, v0  }
0x29b: {  	v9 =	vadd.s32 v9, v5;
	_ =	sdelay $0x3  }
0x29c: {  	[tilespmem:v6+s19+$0x0] =	vst.idx.msk $0xffff, v8;
	v6 =	vor.u32 $0x5C00, v1  }
0x29d: {  	v8 =	vld.idx.msk [tilespmem:v9+s15+$0x0], $0xffff;
	v6 =	vor.u32 v6, v3;
	v9 =	vor.u32 $0x4460, v0  }
0x29e: {  	v9 =	vor.u32 v9, v5;
	_ =	sdelay $0x3  }
0x29f: {  	[tilespmem:v6+s19+$0x0] =	vst.idx.msk $0xffff, v8;
	v6 =	vor.u32 $0x5C10, v1  }
0x2a0: {  	v8 =	vld.idx.msk [tilespmem:v9+s15+$0x0], $0xffff;
	v6 =	vor.u32 v6, v2;
	v9 =	vor.u32 $0x1470, v0  }
0x2a1: {  	v9 =	vadd.s32 v9, v5;
	_ =	sdelay $0x3  }
0x2a2: {  	[tilespmem:v6+s19+$0x0] =	vst.idx.msk $0xffff, v8;
	v6 =	vor.u32 $0x5E00, v1  }
0x2a3: {  	v8 =	vld.idx.msk [tilespmem:v9+s15+$0x0], $0xffff;
	v3 =	vor.u32 v6, v3;
	v6 =	vor.u32 $0x4470, v0  }
0x2a4: {  	v5 =	vor.u32 v6, v5;
	_ =	sdelay $0x3  }
0x2a5: {  	[tilespmem:v3+s19+$0x0] =	vst.idx.msk $0xffff, v8;
	v3 =	vor.u32 $0x5E10, v1  }
0x2a6: {  	p1 =	sne.s32 s26, $0xF;
	v2 =	vor.u32 v3, v2;
	v3 =	vld.idx.msk [tilespmem:v5+s15+$0x0], $0xffff  }
.Ltmp7:
0x2a7: {  	_ = 	snop;
	(pc) =	sbr.rel @p1 .LBB2_8-.Ltmp7, $2  }
0x2a8: {  	_ =	sdelay $0x2  }
0x2a9: {  	s26 =	sadd.s32 $0x1, s26;
	v11 =	vld [tilespmem:$0x1FF50];
	[tilespmem:v2+s19+$0x0] =	vst.idx.msk $0xffff, v3  }
0x2aa: {  	v2 =	vld [tilespmem:$0x1FFC0]  }
0x2ab: {  	v9 =	vld [tilespmem:$0x1FFE0]  }
0x2ac: {  	v6 =	vld [tilespmem:$0x1FFF0]  }
.Ltmp8:
0x2ad: {  	_ = 	snop;
	(pc) =	sbr.rel .LBB2_10-.Ltmp8, $3  }
0x2ae: {  	s25 =	smul.u32 $0xC00, s25;
	_ =	sdelay $0x1  }
0x2af: {  	v5 =	vld [tilespmem:$0x1FFB0];
	v3 =	vmov v21;
	s25 =	sadd.s32 s6, s25  }
0x2b0: {  	v8 =	vld [tilespmem:$0x1FFD0];
	[hbm4b:s25+s3] =	stream.linear.scatter [tilespmem:s19], [sflag:$0x4], $0x6000, $0x38;
	v21 =	vmovc v6;
	v6 =	vmovc v20;
	v20 =	vmov v9;
	v9 =	vmov v15;
	v15 =	vmov v2  }
.LBB2_12:
0x2b1: {  	_ =	sfence.sel $0x180000  }
0x2b2: {  	[bflag:$0x0] =	sbarrier.arrive $0xFFFF  }
0x2b3: {  	p0 =	sne.s32 s1, $0x0;
	_ =	strace $0x90000047  }
0x2b4: {  	s0 =	sadd.s32 @!p0 $0x100000, s2;
	[bflag:$0x2] =	sbarrier.arrive $0xFFFF  }
0x2b5: {  	[sflag:s0] =	ssyncadd.tile.s32 @!p0 $0x1;
	_ =	shalt  }
.Lfunc_end2:
_tile_overlayer_lowered:
.L_overlay_start_2:
0x2b6: {  	(tag) =	ssettag $0x2  }
0x2b7: {  	s0 =	rddreg [dreg:$0x0];
	s2 =	stileid.u32  }
0x2b8: {  	s1 =	rddreg [dreg:$0x1];
	p0 =	sne.s32 s2, $0x0  }
0x2b9: {  	s3 =	rddreg [dreg:$0x2];
	[bflag:$0x3] =	sbarrier.arrive $0xFFFF;
	s2 =	simm.s32 @!p0 $0x1C05  }
0x2ba: {  	[timem:s3], [sflag:s2] =	dma.local @!p0 [hbm:s0], s1  }
0x2bb: {  	s0 =	simm.s32 @!p0 $0x5  }
0x2bc: {  	_ =	swait.ge @!p0 [sflag:s0], s1  }
0x2bd: {  	s1 =	ssub.s32 @!p0 $0x0, s1;
	[sflag:s0] =	ssyncset.done @!p0 $0x0  }
0x2be: {  	[sflag:s0] =	ssyncadd.s32 @!p0 s1  }
0x2bf: {  	[bflag:$0x3] =	sbarrier.arrive $0xFFFF  }
0x2c0: {  	_ =	shalt  }

// kernel: kernel.8.cloned.1.call-start
scs
__scs_entry_jumppad:
0x0: {  	(pc) =	sbr.rel $0x88, $3  }
0x1: {  	(tag) =	ssettag $0x0;
	lr =	simm.s32 $0x1  }
0x2: {  	[smem:$0x3F9D] =	sst lr;
	_ =	strace $0xD0000000  }
0x3: {  	_ = 	snop  }
0x4: {  	_ = 	snop  }
0x5: {  	_ = 	snop  }
0x6: {  	_ = 	snop  }
0x7: {  	_ = 	snop  }
__scs_overlays_trampoline_lowered:
0x8: {  	[smem:$0x3FAC] =	sst s0  }
0x9: {  	[smem:$0x3FAD] =	sst s1  }
0xa: {  	[smem:$0x3FAE] =	sst s2  }
0xb: {  	[smem:$0x3FAF] =	sst s3  }
0xc: {  	[smem:$0x3FB0] =	sst s4  }
0xd: {  	[smem:$0x3FB1] =	sst s5  }
0xe: {  	[smem:$0x3FB2] =	sst s6  }
0xf: {  	[smem:$0x3FB3] =	sst s7  }
0x10: {  	[smem:$0x3FB4] =	sst s8  }
0x11: {  	[smem:$0x3FB5] =	sst s9;
	s0 =	simm.s32 @!p0 $0x0  }
0x12: {  	s1 =	sld [smem:$0x3F9B];
	s0 =	simm.s32 @p0 $0x1  }
0x13: {  	[smem:$0x3FB6] =	sst s0;
	s0 =	simm.s32 @!p1 $0x0  }
0x14: {  	s2 =	sld [smem:$0x3F9A];
	s0 =	simm.s32 @p1 $0x1  }
0x15: {  	[smem:$0x3FB7] =	sst s0;
	s0 =	simm.s32 @!p2 $0x0  }
0x16: {  	s3 =	sld [smem:$0x3FDB];
	s0 =	simm.s32 @p2 $0x1  }
0x17: {  	s4 =	simm.s32 $0x1BF5;
	[smem:$0x3FB9] =	sst s0  }
0x18: {  	s0 =	sld [smem:$0x3F9C];
	_ =	swait.ge [sflag:s4], $0x0  }
0x19: {  	s7 =	sld [smem:$0x3F9D]  }
0x1a: {  	s8 =	sadd.s32 $0xFFFFE003, lr  }
0x1b: {  	s9 =	sadd.s32 $0xFFFFFEF7, lr;
	s5 =	simm.s32 $0xFFFFFFFF;
	p2 =	slt.u32 s8, $0xFFFFF086  }
0x1c: {  	p1 =	slt.u32 s9, $0xF7A;
	s5 =	simm.s32 @!p2 $0x0  }
0x1d: {  	s5 =	simm.s32 @p1 $0x1;
	p0 =	seq.s32 s7, s2  }
0x1e: {  	s7 =	smul.u32 @!p0 $0xF7A, s2;
	p2 =	seq.s32 @!p0 s5, $0x0  }
0x1f: {  	s9 =	smul.u32 $0xF7A, s1;
	s8 =	simm.s32 @!p0 $0x1BF5;
	p2 =	por !p2, p0  }
0x20: {  	[sflag:s8] =	ssyncset.s32 @!p0 $0xFFFFF086;
	s6 =	sadd.s32 @!p0 s3, s7;
	s7 =	simm.s32 @!p0 $0x108  }
0x21: {  	s3 =	sadd.s32 s3, s9;
	s6 =	sadd.s32 @!p0 $0x88, s6;
	s7 =	simm.s32 @p2 $0x1082  }
0x22: {  	[simem:s7], [sflag:s8] =	dma.local @!p0 [hbm:s6], $0xF7A  }
0x23: {  	s9 =	sor.u32 $0xD0000000, s2;
	s6 =	simm.s32 $0x108;
	_ =	swait.ge @!p0 [sflag:s8], $0x0  }
0x24: {  	s3 =	sadd.s32 $0x88, s3;
	s6 =	simm.s32 @!p1 $0x1082;
	[sflag:s4] =	ssyncset.s32 $0xFFFFF086  }
0x25: {  	[simem:s6], [sflag:s4] =	dma.local [hbm:s3], $0xF7A  }
0x26: {  	[smem:$0x3F9D] =	sst s1;
	(tag) =	ssettag s2;
	_ =	strace s9  }
0x27: {  	s1 =	sld [smem:$0x3FAD]  }
0x28: {  	s2 =	sld [smem:$0x3FAE]  }
0x29: {  	s4 =	sld [smem:$0x3FB0]  }
0x2a: {  	p0 =	seq.s32 s5, $0x0;
	s5 =	sld [smem:$0x3FB1]  }
0x2b: {  	s6 =	sld [smem:$0x3FB2]  }
0x2c: {  	s7 =	sld [smem:$0x3FB3]  }
0x2d: {  	s3 =	simm.s32 $0x108;
	s8 =	sld [smem:$0x3FB4]  }
0x2e: {  	s3 =	simm.s32 @!p0 $0x1082;
	s9 =	sld [smem:$0x3FB5]  }
0x2f: {  	lr =	sadd.s32 s0, s3;
	s0 =	sld [smem:$0x3FAC]  }
0x30: {  	s3 =	sld [smem:$0x3FAF]  }
0x31: {  	[smem:$0x3FB8] =	sst s10  }
0x32: {  	s10 =	sld [smem:$0x3FB6];
	_ =	sdelay $0x3  }
0x33: {  	p0 =	seq.s32 s10, $0x1;
	s10 =	sld [smem:$0x3FB8];
	_ =	sdelay $0x3  }
0x34: {  	[smem:$0x3FB8] =	sst s10  }
0x35: {  	s10 =	sld [smem:$0x3FB7];
	_ =	sdelay $0x3  }
0x36: {  	p1 =	seq.s32 s10, $0x1;
	s10 =	sld [smem:$0x3FB8];
	_ =	sdelay $0x3  }
0x37: {  	[smem:$0x3FB8] =	sst s10  }
0x38: {  	s10 =	sld [smem:$0x3FB9]  }
0x39: {  	_ = 	snop;
	(pc) =	sbr.ind lr, $3  }
0x3a: {  	_ = 	snop  }
0x3b: {  	_ = 	snop  }
0x3c: {  	p2 =	seq.s32 s10, $0x1;
	s10 =	sld [smem:$0x3FB8]  }
0x3d: {  	_ =	shalt  }
0x3e: {  	_ =	shalt  }
0x3f: {  	_ =	shalt  }
0x40: {  	_ =	shalt  }
0x41: {  	_ =	shalt  }
0x42: {  	_ =	shalt  }
0x43: {  	_ =	shalt  }
0x44: {  	_ =	shalt  }
0x45: {  	_ =	shalt  }
0x46: {  	_ =	shalt  }
0x47: {  	_ =	shalt  }
0x48: {  	_ =	shalt  }
0x49: {  	_ =	shalt  }
0x4a: {  	_ =	shalt  }
0x4b: {  	_ =	shalt  }
0x4c: {  	_ =	shalt  }
0x4d: {  	_ =	shalt  }
0x4e: {  	_ =	shalt  }
0x4f: {  	_ =	shalt  }
0x50: {  	_ =	shalt  }
0x51: {  	_ =	shalt  }
0x52: {  	_ =	shalt  }
0x53: {  	_ =	shalt  }
0x54: {  	_ =	shalt  }
0x55: {  	_ =	shalt  }
0x56: {  	_ =	shalt  }
0x57: {  	_ =	shalt  }
0x58: {  	_ =	shalt  }
0x59: {  	_ =	shalt  }
0x5a: {  	_ =	shalt  }
0x5b: {  	_ =	shalt  }
0x5c: {  	_ =	shalt  }
0x5d: {  	_ =	shalt  }
0x5e: {  	_ =	shalt  }
0x5f: {  	_ =	shalt  }
0x60: {  	_ =	shalt  }
0x61: {  	_ =	shalt  }
0x62: {  	_ =	shalt  }
0x63: {  	_ =	shalt  }
0x64: {  	_ =	shalt  }
0x65: {  	_ =	shalt  }
0x66: {  	_ =	shalt  }
0x67: {  	_ =	shalt  }
0x68: {  	_ =	shalt  }
0x69: {  	_ =	shalt  }
0x6a: {  	_ =	shalt  }
0x6b: {  	_ =	shalt  }
0x6c: {  	_ =	shalt  }
0x6d: {  	_ =	shalt  }
0x6e: {  	_ =	shalt  }
0x6f: {  	_ =	shalt  }
0x70: {  	_ =	shalt  }
0x71: {  	_ =	shalt  }
0x72: {  	_ =	shalt  }
0x73: {  	_ =	shalt  }
0x74: {  	_ =	shalt  }
0x75: {  	_ =	shalt  }
0x76: {  	_ =	shalt  }
0x77: {  	_ =	shalt  }
0x78: {  	_ =	shalt  }
0x79: {  	_ =	shalt  }
0x7a: {  	_ =	shalt  }
0x7b: {  	_ =	shalt  }
0x7c: {  	_ =	shalt  }
0x7d: {  	_ =	shalt  }
0x7e: {  	_ =	shalt  }
0x7f: {  	_ =	shalt  }
0x80: {  	_ =	shalt  }
0x81: {  	_ =	shalt  }
0x82: {  	_ =	shalt  }
0x83: {  	_ =	shalt  }
0x84: {  	_ =	shalt  }
0x85: {  	_ =	shalt  }
0x86: {  	_ =	shalt  }
0x87: {  	_ =	shalt  }
.Lfunc_end0:
.L_simem_size_0:
called_computation.1_lowered:
.L_overlay_start_0:
0x88: {  	s2 =	sld [smem:$0x3FD9]  }
0x89: {  	s3 =	sld [smem:$0x3FFE];
	_ =	sdelay $0x1  }
0x8a: {  	s1 =	srdreg.scid  }
0x8b: {  	s0 =	sand.u32 $0x1, s1  }
0x8c: {  	s17 =	sshll.u32 s0, $0xA;
	s2 =	sadd.s32 s3, s2  }
0x8d: {  	s2 =	sadd.s32 s2, s17  }
0x8e: {  	[smem:$0x3FC4] =	sst s2  }
0x8f: {  	_ = 	snop  }
0x90: {  	s2 =	sld [smem:$0x3FD0];
	(tm) =	ssettm $0x1  }
0x91: {  	s18 =	sld [smem:$0x3FFB];
	_ =	sdelay $0x3  }
0x92: {  	_ =	strace s18  }
0x93: {  	s3 =	sld [smem:$0x3FFC];
	_ =	sdelay $0x3  }
0x94: {  	_ =	strace s3  }
0x95: {  	s3 =	sld [smem:$0x3FFD];
	_ =	sdelay $0x3  }
0x96: {  	_ =	strace s3  }
0x97: {  	_ =	strace $0x8FFFFFFF  }
0x98: {  	s19 =	sld [smem:$0x3FDB];
	_ =	sdelay $0x1  }
0x99: {  	s4 =	simm.s32 $_scs_section_size  }
0x9a: {  	s5 =	simm.s32 $_size__tile_overlayer_lowered;
	s6 =	simm.s32 $_tile_overlayer_lowered  }
0x9b: {  	s22 =	simm.s32 $0x1BFF;
	s21 =	sshll.u32 s6, $0x1;
	s3 =	sadd.s32 s4, s19  }
0x9c: {  	s7 =	simm.s32 $0x0;
	s20 =	sshll.u32 s5, $0x1;
	s5 =	sadd.s32 s21, s3  }
0x9d: {  	[timem:s7], [sflag:s22] =	dma.local [hbm:s5], s20  }
0x9e: {  	_ =	swait.ge [sflag:s22], s20  }
0x9f: {  	s4 =	ssub.s32 $0x0, s20;
	[sflag:s22] =	ssyncset.done $0x0  }
0xa0: {  	[sflag:s22] =	ssyncadd.s32 s4;
	_ =	sdelay $0x1  }
0xa1: {  	s23 =	simm.s32 $0x1B8B  }
0xa2: {  	_ =	swait.ge [sflag:s23], $0x1  }
0xa3: {  	[sflag:s23] =	ssyncset.done $0x0  }
0xa4: {  	s25 =	simm.s32 $0x1B8E;
	s24 =	sld [smem:$0x3FFE];
	[sflag:s23] =	ssyncadd.s32 $0xFFFFFFFF  }
0xa5: {  	s26 =	simm.s32 $execute0_lowered;
	[smem:$0x3FD2] =	sst s25  }
0xa6: {  	s5 =	sshll.u32 s26, $0x1;
	_ =	strace $0x80000049;
	[dreg:$0x1] =	wrdreg $0xFFFFFFFF  }
0xa7: {  	s28 =	simm.s32 $_size_execute0_lowered;
	s3 =	sadd.s32 s3, s5;
	[dreg:$0x0] =	wrdreg $0x0  }
0xa8: {  	s5 =	sshll.u32 s28, $0x1;
	[dreg:$0x2] =	wrdreg s3  }
0xa9: {  	[dreg:$0x3] =	wrdreg s5  }
0xaa: {  	[dreg:$0x4] =	wrdreg $0xC0  }
0xab: {  	_ =	task [dreg:s7], $0x5FFFF  }
0xac: {  	[dreg:$0x1] =	wrdreg $0xFFFFFFFF  }
0xad: {  	[dreg:$0x0] =	wrdreg $0x60  }
0xae: {  	[dreg:$0x2] =	wrdreg s24  }
0xaf: {  	[dreg:$0x3] =	wrdreg s2  }
0xb0: {  	[dreg:$0x4] =	wrdreg $0x9  }
0xb1: {  	_ =	task.clear_ibuf [dreg:s7], $0x5FFFF;
	_ =	strace $0x90000049  }
0xb2: {  	s29 =	simm.s32 $0x9;
	_ =	strace $0x8000004B  }
0xb3: {  	_ =	swait.ge [sflag:s29], $0x1  }
0xb4: {  	[sflag:s29] =	ssyncadd.s32 $0xFFFFFFFF  }
0xb5: {  	_ =	strace $0x9000004B  }
0xb6: {  	_ =	sfence  }
0xb7: {  	s30 =	sld [smem:$0x0];
	_ =	sdelay $0x2  }
0xb8: {  	s31 =	sshll.u32 s1, $0xD;
	s1 =	sshrl.u32 s1, $0x2  }
0xb9: {  	s3 =	sand.u32 $0x4000, s31;
	s1 =	sadd.s32 s1, s30  }
0xba: {  	s0 =	sor.u32 s3, s0;
	s1 =	sshll.u32 s1, $0x11  }
0xbb: {  	s0 =	sor.u32 s1, s0  }
0xbc: {  	s0 =	sadd.s32 $0x8F2B, s0  }
0xbd: {  	[sflag:s0] =	ssyncadd.remote.s32 $0x1  }
0xbe: {  	_ =	sfence.sel $0xFFFF  }
0xbf: {  	[dreg:$0x0] =	wrdreg $0xFFFFFFFF;
	(pc) =	sbr.abs _section_cstart, $3  }
0xc0: {  	[dreg:$0x1] =	wrdreg $0xFFFFFFFF  }
0xc1: {  	_ =	task.clear_ibuf [dreg:s7], $0x2FFFF;
	_ =	strace $0x9FFFFFFF  }
0xc2: {  	(tm) =	ssettm $0x7FFFFFFF  }
0xc3: {  	_ =	shalt  }
tec
execute0_lowered:
.L_overlay_start_1:
0x0: {  	(tag) =	ssettag $0x1  }
0x1: {  	s1 =	srdreg.scid;
	s0 =	stileid.u32  }
0x2: {  	s10 =	sand.u32 $0x1, s1;
	s28 =	sshll.u32 s0, $0x1  }
0x3: {  	s8 =	rddreg [dreg:$0x0];
	s9 =	sor.u32 s10, s28  }
0x4: {  	s11 =	rddreg [dreg:$0x1];
	s12 =	smul.u32 $0x1900, s9  }
0x5: {  	s2 =	simm.s32 $0x0;
	s1 =	rddreg [dreg:$0x2]  }
0x6: {  	[smem:$0x7FF] =	sst s2;
	s3 =	sshrl.u32 s12, $0x3  }
0x7: {  	_ =	strace $0x8000004A;
	s4 =	sadd.s32 s11, s3;
	s3 =	simm.s32 $0x2  }
0x8: {  	[tilespmem:s2], [sflag:$0x2] =	stream.linear.gather [hbm4b:s4+s2], $0xC80, $0x38;
	[tilespmem:$0x19C80] =	vst v63  }
0x9: {  	_ =	swait.ge [sflag:s3], $0xC80  }
0xa: {  	s6 =	simm.s32 $0xC80;
	[sflag:s3] =	ssyncset.done $0x0  }
0xb: {  	s7 =	simm.s32 $0x1;
	s5 =	sadd.s32 $0x1000, s8;
	[sflag:s3] =	ssyncadd.s32 $0xFFFFF380  }
0xc: {  	[tilespmem:s6], [sflag:$0x1] =	stream.indirect.gather [hbm4b:s5+s6], $0x20, s2, s6, $0xb8;
	[tilespmem:$0x19C80] =	vst v63  }
0xd: {  	s9 =	smul.u32 $0x6400, s9;
	_ =	swait.ge [sflag:s7], $0x19000  }
0xe: {  	s13 =	sadd.s32 $0x3D1A00, s8;
	[sflag:s7] =	ssyncset.done $0x0  }
0xf: {  	s8 =	sadd.s32 s13, s9;
	[sflag:s7] =	ssyncadd.s32 $0xFFFE7000  }
0x10: {  	[hbm4b:s8+s2] =	stream.linear.scatter [tilespmem:s6], [sflag:$0x2], $0x19000, $0x38;
	[tilespmem:$0x19C80] =	vst v63  }
0x11: {  	s12 =	sadd.s32 $0xC80, s12;
	_ =	swait.ge [sflag:s3], $0x19000  }
0x12: {  	s29 =	sshrl.u32 s12, $0x3;
	[sflag:s3] =	ssyncset.done $0x0  }
0x13: {  	s10 =	ssub.s32 $0x2, s10;
	s9 =	sadd.s32 s11, s29;
	[sflag:s3] =	ssyncadd.s32 $0xFFFE7000  }
0x14: {  	[tilespmem:s2], [sflag:$0x2] =	stream.linear.gather [hbm4b:s9+s2], $0xC80, $0x38;
	[tilespmem:$0x19C80] =	vst v63  }
0x15: {  	s30 =	sshrl.u32 s10, $0x1;
	_ =	swait.ge [sflag:s3], $0xC80  }
0x16: {  	s11 =	ssub.s32 s10, s30;
	[sflag:s3] =	ssyncset.done $0x0  }
0x17: {  	s11 =	smax.u32 s11, $0x1;
	[sflag:s3] =	ssyncadd.s32 $0xFFFFF380  }
0x18: {  	[tilespmem:s6], [sflag:$0x1] =	stream.indirect.gather [hbm4b:s5+s6], $0x20, s2, s6, $0xb8;
	[tilespmem:$0x19C80] =	vst v63  }
0x19: {  	p0 =	sne.s32 s11, $0x1;
	_ =	swait.ge [sflag:s7], $0x19000  }
.Ltmp0:
0x1a: {  	s31 =	sshll.u32 s12, $0x2;
	[sflag:s7] =	ssyncset.done $0x0;
	(pc) =	sbr.rel @!p0 .LBB2_2-.Ltmp0, $4  }
0x1b: {  	s10 =	sadd.s32 s13, s31;
	[sflag:s7] =	ssyncadd.s32 $0xFFFE7000  }
0x1c: {  	[hbm4b:s10+s2] =	stream.linear.scatter [tilespmem:s6], [sflag:$0x2], $0x19000, $0x38;
	[tilespmem:$0x19C80] =	vst v63  }
0x1d: {  	_ =	swait.ge [sflag:s3], $0x19000  }
0x1e: {  	s11 =	sadd.s32 $0xFFFFFFFF, s11;
	[sflag:s3] =	ssyncset.done $0x0  }
.LBB2_1:
0x1f: {  	p0 =	sne.s32 s11, $0x1;
	s11 =	sadd.s32 $0xFFFFFFFF, s11;
	[sflag:s3] =	ssyncadd.s32 $0xFFFE7000  }
0x20: {  	[tilespmem:s2], [sflag:$0x2] =	stream.linear.gather [hbm4b:s4+s2], $0xC80, $0x38;
	[tilespmem:$0x19C80] =	vst v63  }
0x21: {  	_ =	swait.ge [sflag:s3], $0xC80  }
0x22: {  	[sflag:s3] =	ssyncset.done $0x0  }
0x23: {  	[sflag:s3] =	ssyncadd.s32 $0xFFFFF380  }
0x24: {  	[tilespmem:s6], [sflag:$0x1] =	stream.indirect.gather [hbm4b:s5+s6], $0x20, s2, s6, $0xb8;
	[tilespmem:$0x19C80] =	vst v63  }
0x25: {  	_ =	swait.ge [sflag:s7], $0x19000  }
0x26: {  	[sflag:s7] =	ssyncset.done $0x0  }
0x27: {  	[sflag:s7] =	ssyncadd.s32 $0xFFFE7000  }
0x28: {  	[hbm4b:s8+s2] =	stream.linear.scatter [tilespmem:s6], [sflag:$0x2], $0x19000, $0x38;
	[tilespmem:$0x19C80] =	vst v63  }
0x29: {  	_ =	swait.ge [sflag:s3], $0x19000  }
0x2a: {  	[sflag:s3] =	ssyncset.done $0x0  }
0x2b: {  	[sflag:s3] =	ssyncadd.s32 $0xFFFE7000  }
0x2c: {  	[tilespmem:s2], [sflag:$0x2] =	stream.linear.gather [hbm4b:s9+s2], $0xC80, $0x38;
	[tilespmem:$0x19C80] =	vst v63  }
0x2d: {  	_ =	swait.ge [sflag:s3], $0xC80  }
0x2e: {  	[sflag:s3] =	ssyncset.done $0x0  }
0x2f: {  	[sflag:s3] =	ssyncadd.s32 $0xFFFFF380  }
0x30: {  	[tilespmem:s6], [sflag:$0x1] =	stream.indirect.gather [hbm4b:s5+s6], $0x20, s2, s6, $0xb8;
	[tilespmem:$0x19C80] =	vst v63  }
0x31: {  	_ =	swait.ge [sflag:s7], $0x19000  }
.Ltmp1:
0x32: {  	[sflag:s7] =	ssyncset.done $0x0;
	(pc) =	sbr.rel @p0 .LBB2_1-.Ltmp1, $4  }
0x33: {  	[sflag:s7] =	ssyncadd.s32 $0xFFFE7000  }
0x34: {  	[hbm4b:s10+s2] =	stream.linear.scatter [tilespmem:s6], [sflag:$0x2], $0x19000, $0x38;
	[tilespmem:$0x19C80] =	vst v63  }
0x35: {  	_ =	swait.ge [sflag:s3], $0x19000  }
0x36: {  	[sflag:s3] =	ssyncset.done $0x0  }
.LBB2_2:
0x37: {  	[sflag:s3] =	ssyncadd.s32 $0xFFFE7000  }
0x38: {  	_ =	sfence.sel $0x180000  }
0x39: {  	[bflag:$0x0] =	sbarrier.arrive $0xFFFF  }
0x3a: {  	p0 =	sne.s32 s0, $0x0;
	_ =	strace $0x9000004A  }
0x3b: {  	s0 =	sadd.s32 @!p0 $0x100000, s1;
	[bflag:$0x2] =	sbarrier.arrive $0xFFFF  }
0x3c: {  	[sflag:s0] =	ssyncadd.tile.s32 @!p0 $0x1;
	_ =	shalt  }
.Lfunc_end2:
_tile_overlayer_lowered:
.L_overlay_start_2:
0x3d: {  	(tag) =	ssettag $0x2  }
0x3e: {  	s0 =	rddreg [dreg:$0x0];
	s2 =	stileid.u32  }
0x3f: {  	s1 =	rddreg [dreg:$0x1];
	p0 =	sne.s32 s2, $0x0  }
0x40: {  	s3 =	rddreg [dreg:$0x2];
	[bflag:$0x3] =	sbarrier.arrive $0xFFFF;
	s2 =	simm.s32 @!p0 $0x1C02  }
0x41: {  	[timem:s3], [sflag:s2] =	dma.local @!p0 [hbm:s0], s1  }
0x42: {  	s0 =	simm.s32 @!p0 $0x2  }
0x43: {  	_ =	swait.ge @!p0 [sflag:s0], s1  }
0x44: {  	s1 =	ssub.s32 @!p0 $0x0, s1;
	[sflag:s0] =	ssyncset.done @!p0 $0x0  }
0x45: {  	[sflag:s0] =	ssyncadd.s32 @!p0 s1  }
0x46: {  	[bflag:$0x3] =	sbarrier.arrive $0xFFFF  }
0x47: {  	_ =	shalt  }

</sc_bundles>
